<compile_context>
chip_gen: v7x
topology: tpu7x:2x2x1
jax: 0.10.2.dev20260603
libtpu: 0.0.44.dev20260713+nightly
codegen_flags: <defaults>
</compile_context>

<pallas_src>
import functools

import jax
import jax.numpy as jnp
from jax import lax
from jax.experimental import pallas as pl
from jax.experimental.pallas import tpu as pltpu
from jax.experimental.pallas import tpu_sc as plsc

N = 10000
E = 320000
D = 128
H = 64

NPAD = 10240
EP = 327680
NS = 16
NWT = 32
EPW = EP // NWT
NPT = NPAD // NS
CC = 5120
NC = EPW // CC
EPS = 1e-12


def _enc_tc_kernel(x_ref, w1t_ref, b1_ref, w2t_ref, b2_ref, out_ref):
    h = jnp.maximum(
        lax.dot_general(w1t_ref[...], x_ref[...],
                        (((1,), (1,)), ((), ())),
                        preferred_element_type=jnp.float32)
        + b1_ref[...], 0.0)
    o = jnp.dot(w2t_ref[...], h, preferred_element_type=jnp.float32)
    out_ref[...] = jnp.maximum(o + b2_ref[...], 0.0)


def _edge_mlp_tc_kernel(f_ref, sd_ref, w1t_ref, b1_ref, w2t_ref, b2_ref,
                        out_ref):
    ein = jnp.concatenate([f_ref[...], sd_ref[...]], axis=0)
    pre = jnp.dot(w1t_ref[...], ein, preferred_element_type=jnp.float32)
    h = jnp.maximum(pre + b1_ref[...], 0.0)
    o = jnp.dot(w2t_ref[...], h, preferred_element_type=jnp.float32)
    out_ref[...] = jnp.maximum(o + b2_ref[...], 0.0)


def _dec_tc_kernel(sum2p_ref, p2p_ref, w1t_ref, b1_ref, w2t_ref, b2_ref,
                   out_ref):
    ssum = sum2p_ref[0:1, :] + sum2p_ref[1:2, :]
    psum = p2p_ref[0:1, :] + p2p_ref[1:2, :]
    s2 = psum / jnp.maximum(ssum, EPS)
    h = jnp.maximum(w1t_ref[...] * s2 + b1_ref[...], 0.0)
    o = jnp.dot(w2t_ref[...], h, preferred_element_type=jnp.float32)
    out_ref[...] = jnp.maximum(o + b2_ref[...], 0.0)


def _sc1a_body(src_hbm, dst_hbm, dist_hbm, enc_hbm,
               sum1p_hbm, p1p_hbm,
               enc_l, src_c0, src_c1, dst_c0, dst_c1, dist_c0, dist_c1,
               val_c0, val_c1, p_c0, p_c1, nb1,
               ld0, ld1, st0, st1,
               acc_s, acc_p):
    cid = lax.axis_index("c")
    sid = lax.axis_index("s")
    wid = cid * NS + sid
    nbase = sid * NPT
    ebase0 = wid * EPW
    srcb, dstb, distb = [src_c0, src_c1], [dst_c0, dst_c1], [dist_c0, dist_c1]
    valb, pb = [val_c0, val_c1], [p_c0, p_c1]
    ld, st = [ld0, ld1], [st0, st1]

    enc_d = pltpu.async_copy(enc_hbm, enc_l, ld0)

    def zbody(i, _):
        nb1[pl.ds(i * 16, 16)] = jnp.zeros((16,), jnp.float32)
        return 0
    lax.fori_loop(0, NPT // 16, zbody, 0)
    pltpu.sync_copy(nb1, acc_s.at[pl.ds(nbase, NPT)])
    pltpu.sync_copy(nb1, acc_p.at[pl.ds(nbase, NPT)])
    enc_d.wait()
    plsc.subcore_barrier()

    def loads(c, b):
        eb = ebase0 + c * CC
        return [pltpu.async_copy(src_hbm.at[pl.ds(eb, CC)], srcb[b], ld[b]),
                pltpu.async_copy(dst_hbm.at[pl.ds(eb, CC)], dstb[b], ld[b]),
                pltpu.async_copy(dist_hbm.at[pl.ds(eb, CC)], distb[b], ld[b])]

    pend_ld = {0: loads(0, 0)}
    pend_st = {}
    for c in range(NC):
        b = c & 1
        for d in pend_ld.pop(c):
            d.wait()
        if c + 1 < NC:
            if c - 1 in pend_st:
                for d in pend_st.pop(c - 1):
                    d.wait()
            pend_ld[c + 1] = loads(c + 1, 1 - b)
        src_c, dst_c, dist_c = srcb[b], dstb[b], distb[b]
        val_c, p_c = valb[b], pb[b]

        def vec1(i, _):
            sl = pl.ds(i * 16, 16)
            e = jnp.exp(dist_c[sl])
            val_c[sl] = e
            ev = plsc.load_gather(enc_l, [src_c[sl]])
            p_c[sl] = e * ev
            return 0
        lax.fori_loop(0, CC // 16, vec1, 0)
        pend_st[c] = [
            pltpu.async_copy(val_c, acc_s.at[dst_c], st[b], add=True),
            pltpu.async_copy(p_c, acc_p.at[dst_c], st[b], add=True)]
    for c in sorted(pend_st):
        for d in pend_st[c]:
            d.wait()
    plsc.subcore_barrier()

    pltpu.sync_copy(acc_s.at[pl.ds(nbase, NPT)],
                    sum1p_hbm.at[cid, pl.ds(nbase, NPT)])
    pltpu.sync_copy(acc_p.at[pl.ds(nbase, NPT)],
                    p1p_hbm.at[cid, pl.ds(nbase, NPT)])


def _sc1b_body(src_hbm, dst_hbm, sum1p_hbm, p1p_hbm,
               s1_hbm, s1sd_hbm,
               s1_l, src_c0, src_c1, dst_c0, dst_c1,
               val_c0, val_c1, p_c0, p_c1, nb1, nb2, nb3, nb4,
               ld0, ld1, st0, st1,
               s1_sh):
    cid = lax.axis_index("c")
    sid = lax.axis_index("s")
    wid = cid * NS + sid
    nbase = sid * NPT
    ebase0 = wid * EPW
    srcb, dstb = [src_c0, src_c1], [dst_c0, dst_c1]
    valb, pb = [val_c0, val_c1], [p_c0, p_c1]
    ld, st = [ld0, ld1], [st0, st1]

    pltpu.sync_copy(sum1p_hbm.at[0, pl.ds(nbase, NPT)], nb1)
    pltpu.sync_copy(sum1p_hbm.at[1, pl.ds(nbase, NPT)], nb2)
    pltpu.sync_copy(p1p_hbm.at[0, pl.ds(nbase, NPT)], nb3)
    pltpu.sync_copy(p1p_hbm.at[1, pl.ds(nbase, NPT)], nb4)

    def nbody(i, _):
        sl = pl.ds(i * 16, 16)
        sv = nb1[sl] + nb2[sl]
        pv = nb3[sl] + nb4[sl]
        nb1[sl] = pv / jnp.maximum(sv, EPS)
        return 0
    lax.fori_loop(0, NPT // 16, nbody, 0)
    pltpu.sync_copy(nb1, s1_sh.at[pl.ds(nbase, NPT)])

    @pl.when(cid == 0)
    def _():
        pltpu.sync_copy(nb1, s1_hbm.at[pl.ds(nbase, NPT)])
    plsc.subcore_barrier()

    pltpu.sync_copy(s1_sh, s1_l)

    def loads(c, b):
        eb = ebase0 + c * CC
        return [pltpu.async_copy(src_hbm.at[pl.ds(eb, CC)], srcb[b], ld[b]),
                pltpu.async_copy(dst_hbm.at[pl.ds(eb, CC)], dstb[b], ld[b])]

    pend_ld = {0: loads(0, 0)}
    pend_st = {}
    for c in range(NC):
        b = c & 1
        for d in pend_ld.pop(c):
            d.wait()
        if c + 1 < NC:
            if c - 1 in pend_st:
                for d in pend_st.pop(c - 1):
                    d.wait()
            pend_ld[c + 1] = loads(c + 1, 1 - b)
        eb = ebase0 + c * CC
        src_c, dst_c = srcb[b], dstb[b]
        val_c, p_c = valb[b], pb[b]

        def vec2(i, _):
            sl = pl.ds(i * 16, 16)
            val_c[sl] = plsc.load_gather(s1_l, [src_c[sl]])
            p_c[sl] = plsc.load_gather(s1_l, [dst_c[sl]])
            return 0
        lax.fori_loop(0, CC // 16, vec2, 0)
        pend_st[c] = [
            pltpu.async_copy(val_c, s1sd_hbm.at[0, pl.ds(eb, CC)], st[b]),
            pltpu.async_copy(p_c, s1sd_hbm.at[1, pl.ds(eb, CC)], st[b])]
    for c in sorted(pend_st):
        for d in pend_st[c]:
            d.wait()


def _sc2a_body(dst_hbm, eh_hbm,
               aggmp_hbm, sum2p_hbm,
               dst_c0, dst_c1, eh_c0, eh_c1, val_c0, val_c1, nb1,
               ld0, ld1, st0, st1,
               acc_m, acc_s2):
    cid = lax.axis_index("c")
    sid = lax.axis_index("s")
    wid = cid * NS + sid
    nbase = sid * NPT
    ebase0 = wid * EPW
    dstb, ehb, valb = [dst_c0, dst_c1], [eh_c0, eh_c1], [val_c0, val_c1]
    ld, st = [ld0, ld1], [st0, st1]

    def zbody(i, _):
        nb1[pl.ds(i * 16, 16)] = jnp.zeros((16,), jnp.float32)
        return 0
    lax.fori_loop(0, NPT // 16, zbody, 0)
    pltpu.sync_copy(nb1, acc_m.at[pl.ds(nbase, NPT)])
    pltpu.sync_copy(nb1, acc_s2.at[pl.ds(nbase, NPT)])
    plsc.subcore_barrier()

    def loads(c, b):
        eb = ebase0 + c * CC
        return [pltpu.async_copy(dst_hbm.at[pl.ds(eb, CC)], dstb[b], ld[b]),
                pltpu.async_copy(eh_hbm.at[pl.ds(eb, CC)], ehb[b], ld[b])]

    pend_ld = {0: loads(0, 0)}
    pend_st = {}
    for c in range(NC):
        b = c & 1
        for d in pend_ld.pop(c):
            d.wait()
        if c + 1 < NC:
            if c - 1 in pend_st:
                for d in pend_st.pop(c - 1):
                    d.wait()
            pend_ld[c + 1] = loads(c + 1, 1 - b)
        dst_c, eh_c, val_c = dstb[b], ehb[b], valb[b]

        def vec1(i, _):
            sl = pl.ds(i * 16, 16)
            val_c[sl] = jnp.exp(eh_c[sl])
            return 0
        lax.fori_loop(0, CC // 16, vec1, 0)
        pend_st[c] = [
            pltpu.async_copy(eh_c, acc_m.at[dst_c], st[b], add=True),
            pltpu.async_copy(val_c, acc_s2.at[dst_c], st[b], add=True)]
    for c in sorted(pend_st):
        for d in pend_st[c]:
            d.wait()
    plsc.subcore_barrier()

    pltpu.sync_copy(acc_m.at[pl.ds(nbase, NPT)],
                    aggmp_hbm.at[cid, pl.ds(nbase, NPT)])
    pltpu.sync_copy(acc_s2.at[pl.ds(nbase, NPT)],
                    sum2p_hbm.at[cid, pl.ds(nbase, NPT)])


def _node_mlp(a_ref, b_ref, wb_l):
    def group(g, _):
        off = g * 128
        avs = [a_ref[pl.ds(off + 16 * t, 16)] for t in range(8)]
        bvs = [b_ref[pl.ds(off + 16 * t, 16)] for t in range(8)]
        accs = [jnp.zeros((16,), jnp.float32) for _ in range(8)]

        def kbody(k, accs):
            ko = k * 16
            wa = wb_l[pl.ds(ko, 16)]
            wbv = wb_l[pl.ds(1024 + ko, 16)]
            bbv = wb_l[pl.ds(2048 + ko, 16)]
            wcv = wb_l[pl.ds(3072 + ko, 16)]
            return tuple(
                acc + jnp.maximum(av * wa + bv * wbv + bbv, 0.0) * wcv
                for acc, av, bv in zip(accs, avs, bvs))
        accs = lax.fori_loop(0, H, kbody, tuple(accs))
        b2v = wb_l[pl.ds(4096, 16)]
        for t in range(8):
            a_ref[pl.ds(off + 16 * t, 16)] = jnp.maximum(accs[t] + b2v, 0.0)
        return 0
    lax.fori_loop(0, NPT // 128, group, 0)


def _sc2b_body(src_hbm, dst_hbm, eh_hbm, aggmp_hbm, s1_hbm, wb_hbm,
               p2p_hbm,
               h2_l, src_c0, src_c1, dst_c0, dst_c1, eh_c0, eh_c1,
               p_c0, p_c1, nb1, nb2, wb_l,
               ld0, ld1, st0, st1,
               acc_p2, h2_sh):
    cid = lax.axis_index("c")
    sid = lax.axis_index("s")
    wid = cid * NS + sid
    nbase = sid * NPT
    ebase0 = wid * EPW
    srcb, dstb, ehb = [src_c0, src_c1], [dst_c0, dst_c1], [eh_c0, eh_c1]
    pb = [p_c0, p_c1]
    ld, st = [ld0, ld1], [st0, st1]

    pltpu.sync_copy(wb_hbm, wb_l)

    def zbody(i, _):
        nb1[pl.ds(i * 16, 16)] = jnp.zeros((16,), jnp.float32)
        return 0
    lax.fori_loop(0, NPT // 16, zbody, 0)
    pltpu.sync_copy(nb1, acc_p2.at[pl.ds(nbase, NPT)])

    pltpu.sync_copy(aggmp_hbm.at[0, pl.ds(nbase, NPT)], nb1)
    pltpu.sync_copy(aggmp_hbm.at[1, pl.ds(nbase, NPT)], nb2)

    def cbody(i, _):
        sl = pl.ds(i * 16, 16)
        nb1[sl] = nb1[sl] + nb2[sl]
        return 0
    lax.fori_loop(0, NPT // 16, cbody, 0)
    pltpu.sync_copy(s1_hbm.at[pl.ds(nbase, NPT)], nb2)
    _node_mlp(nb1, nb2, wb_l)
    pltpu.sync_copy(nb1, h2_sh.at[pl.ds(nbase, NPT)])
    plsc.subcore_barrier()

    pltpu.sync_copy(h2_sh, h2_l)

    def loads(c, b):
        eb = ebase0 + c * CC
        return [pltpu.async_copy(src_hbm.at[pl.ds(eb, CC)], srcb[b], ld[b]),
                pltpu.async_copy(dst_hbm.at[pl.ds(eb, CC)], dstb[b], ld[b]),
                pltpu.async_copy(eh_hbm.at[pl.ds(eb, CC)], ehb[b], ld[b])]

    pend_ld = {0: loads(0, 0)}
    pend_st = {}
    for c in range(NC):
        b = c & 1
        for d in pend_ld.pop(c):
            d.wait()
        if c + 1 < NC:
            if c - 1 in pend_st:
                for d in pend_st.pop(c - 1):
                    d.wait()
            pend_ld[c + 1] = loads(c + 1, 1 - b)
        src_c, dst_c, eh_c, p_c = srcb[b], dstb[b], ehb[b], pb[b]

        def vec2(i, _):
            sl = pl.ds(i * 16, 16)
            e = jnp.exp(eh_c[sl])
            hv = plsc.load_gather(h2_l, [src_c[sl]])
            p_c[sl] = e * hv
            return 0
        lax.fori_loop(0, CC // 16, vec2, 0)
        pend_st[c] = [
            pltpu.async_copy(p_c, acc_p2.at[dst_c], st[b], add=True)]
    for c in sorted(pend_st):
        for d in pend_st[c]:
            d.wait()
    plsc.subcore_barrier()

    pltpu.sync_copy(acc_p2.at[pl.ds(nbase, NPT)],
                    p2p_hbm.at[cid, pl.ds(nbase, NPT)])


def _bcast16(v):
    return jnp.tile(jnp.reshape(v, (H, 1)), (1, 16))


@jax.jit
def kernel(x, edge_index, edge_dist, edge_feat,
           enc_W1, enc_b1, enc_W2, enc_b2,
           nu_W1, nu_b1, nu_W2, nu_b2,
           eu_W1, eu_b1, eu_W2, eu_b2,
           dec_W1, dec_b1, dec_W2, dec_b2):
    f32 = jnp.float32
    pad_n = EP - E
    pad_idx = (N + (jnp.arange(pad_n, dtype=jnp.int32) % (NPAD - N))).astype(
        jnp.int32)
    src = jnp.concatenate([edge_index[0], pad_idx])
    dst = jnp.concatenate([edge_index[1], pad_idx])
    zpad = jnp.zeros((pad_n,), f32)
    distp = jnp.concatenate([edge_dist[:, 0], zpad])
    featr = jnp.concatenate([edge_feat[:, 0], zpad]).reshape(1, EP)

    enc = pl.pallas_call(
        _enc_tc_kernel,
        out_shape=jax.ShapeDtypeStruct((1, N), f32),
    )(x, enc_W1.T, enc_b1.reshape(H, 1), enc_W2.T, enc_b2.reshape(1, 1))
    encp = jnp.concatenate([enc.reshape(N), jnp.zeros((NPAD - N,), f32)])

    mesh = plsc.VectorSubcoreMesh(core_axis_name="c", subcore_axis_name="s")
    scp = pltpu.CompilerParams(needs_layout_passes=False)

    sc1a = functools.partial(
        pl.kernel,
        out_type=(
            jax.ShapeDtypeStruct((2, NPAD), f32),
            jax.ShapeDtypeStruct((2, NPAD), f32),
        ),
        mesh=mesh,
        compiler_params=scp,
        scratch_types=[
            pltpu.VMEM((NPAD,), f32),
            pltpu.VMEM((CC,), jnp.int32),
            pltpu.VMEM((CC,), jnp.int32),
            pltpu.VMEM((CC,), jnp.int32),
            pltpu.VMEM((CC,), jnp.int32),
            pltpu.VMEM((CC,), f32),
            pltpu.VMEM((CC,), f32),
            pltpu.VMEM((CC,), f32),
            pltpu.VMEM((CC,), f32),
            pltpu.VMEM((CC,), f32),
            pltpu.VMEM((CC,), f32),
            pltpu.VMEM((NPT,), f32),
            pltpu.SemaphoreType.DMA,
            pltpu.SemaphoreType.DMA,
            pltpu.SemaphoreType.DMA,
            pltpu.SemaphoreType.DMA,
            pltpu.VMEM_SHARED((NPAD,), f32),
            pltpu.VMEM_SHARED((NPAD,), f32),
        ],
    )(_sc1a_body)
    sum1p, p1p = sc1a(src, dst, distp, encp)

    sc1b = functools.partial(
        pl.kernel,
        out_type=(
            jax.ShapeDtypeStruct((NPAD,), f32),
            jax.ShapeDtypeStruct((2, EP), f32),
        ),
        mesh=mesh,
        compiler_params=scp,
        scratch_types=[
            pltpu.VMEM((NPAD,), f32),
            pltpu.VMEM((CC,), jnp.int32),
            pltpu.VMEM((CC,), jnp.int32),
            pltpu.VMEM((CC,), jnp.int32),
            pltpu.VMEM((CC,), jnp.int32),
            pltpu.VMEM((CC,), f32),
            pltpu.VMEM((CC,), f32),
            pltpu.VMEM((CC,), f32),
            pltpu.VMEM((CC,), f32),
            pltpu.VMEM((NPT,), f32),
            pltpu.VMEM((NPT,), f32),
            pltpu.VMEM((NPT,), f32),
            pltpu.VMEM((NPT,), f32),
            pltpu.SemaphoreType.DMA,
            pltpu.SemaphoreType.DMA,
            pltpu.SemaphoreType.DMA,
            pltpu.SemaphoreType.DMA,
            pltpu.VMEM_SHARED((NPAD,), f32),
        ],
    )(_sc1b_body)
    s1, s1sd = sc1b(src, dst, sum1p, p1p)

    BLK = 16384
    eh = pl.pallas_call(
        _edge_mlp_tc_kernel,
        grid=(EP // BLK,),
        in_specs=[
            pl.BlockSpec((1, BLK), lambda i: (0, i)),
            pl.BlockSpec((2, BLK), lambda i: (0, i)),
            pl.BlockSpec((H, 3), lambda i: (0, 0)),
            pl.BlockSpec((H, 1), lambda i: (0, 0)),
            pl.BlockSpec((1, H), lambda i: (0, 0)),
            pl.BlockSpec((1, 1), lambda i: (0, 0)),
        ],
        out_specs=pl.BlockSpec((1, BLK), lambda i: (0, i)),
        out_shape=jax.ShapeDtypeStruct((1, EP), f32),
    )(featr, s1sd, eu_W1.T, eu_b1.reshape(H, 1),
      eu_W2.T, eu_b2.reshape(1, 1))
    ehp = eh.reshape(EP)

    sc2a = functools.partial(
        pl.kernel,
        out_type=(
            jax.ShapeDtypeStruct((2, NPAD), f32),
            jax.ShapeDtypeStruct((2, NPAD), f32),
        ),
        mesh=mesh,
        compiler_params=scp,
        scratch_types=[
            pltpu.VMEM((CC,), jnp.int32),
            pltpu.VMEM((CC,), jnp.int32),
            pltpu.VMEM((CC,), f32),
            pltpu.VMEM((CC,), f32),
            pltpu.VMEM((CC,), f32),
            pltpu.VMEM((CC,), f32),
            pltpu.VMEM((NPT,), f32),
            pltpu.SemaphoreType.DMA,
            pltpu.SemaphoreType.DMA,
            pltpu.SemaphoreType.DMA,
            pltpu.SemaphoreType.DMA,
            pltpu.VMEM_SHARED((NPAD,), f32),
            pltpu.VMEM_SHARED((NPAD,), f32),
        ],
    )(_sc2a_body)
    aggmp, sum2p = sc2a(dst, ehp)

    wb = jnp.stack([
        _bcast16(nu_W1[0]),
        _bcast16(nu_W1[1]),
        _bcast16(nu_b1),
        _bcast16(nu_W2[:, 0]),
        jnp.full((H, 16), nu_b2[0], f32),
    ]).reshape(5 * H * 16)
    sc2b = functools.partial(
        pl.kernel,
        out_type=jax.ShapeDtypeStruct((2, NPAD), f32),
        mesh=mesh,
        compiler_params=scp,
        scratch_types=[
            pltpu.VMEM((NPAD,), f32),
            pltpu.VMEM((CC,), jnp.int32),
            pltpu.VMEM((CC,), jnp.int32),
            pltpu.VMEM((CC,), jnp.int32),
            pltpu.VMEM((CC,), jnp.int32),
            pltpu.VMEM((CC,), f32),
            pltpu.VMEM((CC,), f32),
            pltpu.VMEM((CC,), f32),
            pltpu.VMEM((CC,), f32),
            pltpu.VMEM((NPT,), f32),
            pltpu.VMEM((NPT,), f32),
            pltpu.VMEM((5 * H * 16,), f32),
            pltpu.SemaphoreType.DMA,
            pltpu.SemaphoreType.DMA,
            pltpu.SemaphoreType.DMA,
            pltpu.SemaphoreType.DMA,
            pltpu.VMEM_SHARED((NPAD,), f32),
            pltpu.VMEM_SHARED((NPAD,), f32),
        ],
    )(_sc2b_body)
    p2p = sc2b(src, dst, ehp, aggmp, s1, wb)

    y = pl.pallas_call(
        _dec_tc_kernel,
        out_shape=jax.ShapeDtypeStruct((1, NPAD), f32),
    )(sum2p, p2p, dec_W1.T, dec_b1.reshape(H, 1),
      dec_W2.T, dec_b2.reshape(1, 1))

    return y.reshape(NPAD)[:N].reshape(N, 1)

# --- scband reference (transcript-rebuilt; emitter-appended) ---
"""Pipeline reference for scband-graph-element-network-26268019982725 (READ-ONLY COPY).

The authoritative reference and input builder live on the scoring server;
editing this copy changes nothing except your own understanding.
"""

import jax, jax.numpy as jnp
import numpy as np

N = 10000
E = 320000
D = 128
H = 64


def _mlp(x, W1, b1, W2, b2):
    h = jax.nn.relu(x @ W1 + b1)
    return jax.nn.relu(h @ W2 + b2)


def _edge_softmax(logits, dst, n):
    # softmax of per-edge logits normalized over incoming edges of each dst node
    m = jax.ops.segment_max(logits, dst, num_segments=n)
    m = jnp.where(jnp.isfinite(m), m, 0.0)
    e = jnp.exp(logits - m[dst])
    s = jax.ops.segment_sum(e, dst, num_segments=n)
    return e / jnp.maximum(s[dst], 1e-12)


def setup_inputs(seed: int = 0):
    key = jax.random.key(seed)
    ks = jax.random.split(key, 24)
    inp = {}
    inp['x'] = jax.random.normal(ks[0], (N, D), dtype=jnp.float32)
    inp['edge_index'] = jax.random.randint(ks[1], (2, E), 0, N, dtype=jnp.int32)
    inp['edge_dist'] = jax.random.normal(ks[2], (E, 1), dtype=jnp.float32)
    inp['edge_feat'] = jax.random.normal(ks[3], (E, 1), dtype=jnp.float32)
    # encoder: Linear(D,H) -> ReLU -> Linear(H,1) -> ReLU
    inp['enc_W1'] = jax.random.normal(ks[4], (D, H), dtype=jnp.float32) * 0.05
    inp['enc_b1'] = jax.random.normal(ks[5], (H,), dtype=jnp.float32) * 0.05
    inp['enc_W2'] = jax.random.normal(ks[6], (H, 1), dtype=jnp.float32) * 0.05
    inp['enc_b2'] = jax.random.normal(ks[7], (1,), dtype=jnp.float32) * 0.05
    # node_update: Linear(2,H) -> ReLU -> Linear(H,1) -> ReLU
    inp['nu_W1'] = jax.random.normal(ks[8], (2, H), dtype=jnp.float32) * 0.05
    inp['nu_b1'] = jax.random.normal(ks[9], (H,), dtype=jnp.float32) * 0.05
    inp['nu_W2'] = jax.random.normal(ks[10], (H, 1), dtype=jnp.float32) * 0.05
    inp['nu_b2'] = jax.random.normal(ks[11], (1,), dtype=jnp.float32) * 0.05
    # edge_update: Linear(3,H) -> ReLU -> Linear(H,1) -> ReLU
    inp['eu_W1'] = jax.random.normal(ks[12], (3, H), dtype=jnp.float32) * 0.05
    inp['eu_b1'] = jax.random.normal(ks[13], (H,), dtype=jnp.float32) * 0.05
    inp['eu_W2'] = jax.random.normal(ks[14], (H, 1), dtype=jnp.float32) * 0.05
    inp['eu_b2'] = jax.random.normal(ks[15], (1,), dtype=jnp.float32) * 0.05
    # decoder: Linear(1,H) -> ReLU -> Linear(H,1) -> ReLU
    inp['dec_W1'] = jax.random.normal(ks[16], (1, H), dtype=jnp.float32) * 0.05
    inp['dec_b1'] = jax.random.normal(ks[17], (H,), dtype=jnp.float32) * 0.05
    inp['dec_W2'] = jax.random.normal(ks[18], (H, 1), dtype=jnp.float32) * 0.05
    inp['dec_b2'] = jax.random.normal(ks[19], (1,), dtype=jnp.float32) * 0.05
    return inp


def reference(x, edge_index, edge_dist, edge_feat,
              enc_W1, enc_b1, enc_W2, enc_b2,
              nu_W1, nu_b1, nu_W2, nu_b2,
              eu_W1, eu_b1, eu_W2, eu_b2,
              dec_W1, dec_b1, dec_W2, dec_b2):
    src = edge_index[0]
    dst = edge_index[1]
    n = x.shape[0]
    # encoder on raw node feats
    enc = _mlp(x, enc_W1, enc_b1, enc_W2, enc_b2)  # [N,1]
    # softmax aggregation #1: weights from edge 'dist'
    w1 = _edge_softmax(edge_dist, dst, n)          # [E,1]
    s1 = jax.ops.segment_sum(w1 * enc[src], dst, num_segments=n)  # [N,1]
    # edge update: cat([edge_feat, h_src, h_dst])
    e_in = jnp.concatenate([edge_feat, s1[src], s1[dst]], axis=-1)  # [E,3]
    edge_h = _mlp(e_in, eu_W1, eu_b1, eu_W2, eu_b2)                 # [E,1]
    # pull: sum incoming updated edge feats
    agg_m = jax.ops.segment_sum(edge_h, dst, num_segments=n)        # [N,1]
    # node update: cat([agg_m, h])
    h2 = _mlp(jnp.concatenate([agg_m, s1], axis=-1), nu_W1, nu_b1, nu_W2, nu_b2)  # [N,1]
    # softmax aggregation #2: weights from updated edge feats
    w2 = _edge_softmax(edge_h, dst, n)
    s2 = jax.ops.segment_sum(w2 * h2[src], dst, num_segments=n)     # [N,1]
    return _mlp(s2, dec_W1, dec_b1, dec_W2, dec_b2)                 # [N,1]

if __name__ == "__main__":
    import jax
    _d = setup_inputs()
    print(jax.jit(kernel)(*tuple(_d.values())))

</pallas_src>

<mosaic_0001>
#map = affine_map<(d0, d1) -> (0)>
#map1 = affine_map<(d0, d1) -> (0, 0)>
module attributes {stable_mosaic.version = 14 : i64} {
  func.func @_sc2a_body(%arg0: i32, %arg1: i32, %arg2: memref<327680xi32, #tpu.memory_space<hbm>>, %arg3: memref<327680xf32, #tpu.memory_space<hbm>>, %arg4: memref<2x10240xf32, #tpu.memory_space<hbm>>, %arg5: memref<2x10240xf32, #tpu.memory_space<hbm>>, %arg6: memref<5120xi32, #tpu.memory_space<vmem>>, %arg7: memref<5120xi32, #tpu.memory_space<vmem>>, %arg8: memref<5120xf32, #tpu.memory_space<vmem>>, %arg9: memref<5120xf32, #tpu.memory_space<vmem>>, %arg10: memref<5120xf32, #tpu.memory_space<vmem>>, %arg11: memref<5120xf32, #tpu.memory_space<vmem>>, %arg12: memref<640xf32, #tpu.memory_space<vmem>>, %arg13: memref<!tpu.dma_semaphore, #tpu.memory_space<semaphore_mem>>, %arg14: memref<!tpu.dma_semaphore, #tpu.memory_space<semaphore_mem>>, %arg15: memref<!tpu.dma_semaphore, #tpu.memory_space<semaphore_mem>>, %arg16: memref<!tpu.dma_semaphore, #tpu.memory_space<semaphore_mem>>, %arg17: memref<10240xf32, #tpu.memory_space<vmem_shared>>, %arg18: memref<10240xf32, #tpu.memory_space<vmem_shared>>) attributes {dimension_semantics = [#tpu.dimension_semantics<core_parallel>, #tpu.dimension_semantics<subcore_parallel>], iteration_bounds = array<i64: 2, 16>, scalar_prefetch = 0 : i64, scratch_operands = 13 : i64, tpu.core_type = #tpu.core_type<sc_vector_subcore>, window_params = [{transform_indices = #map}, {transform_indices = #map}, {transform_indices = #map1}, {transform_indices = #map1}]} {
    %mul3A = arith.constant 16 : i32
    %mul3A_0 = arith.muli %arg0, %mul3A : i32
    %add3A = arith.addi %mul3A_0, %arg1 : i32
    %mul3A_1 = arith.constant 640 : i32
    %mul3A_2 = arith.muli %arg1, %mul3A_1 : i32
    %mul3A_3 = arith.constant 10240 : i32
    %mul3A_4 = arith.muli %add3A, %mul3A_3 : i32
    %scan3A = arith.constant 0 : i32
    %scan3A_5 = arith.constant 0 : i32
    %scan3A_6 = arith.constant 40 : i32
    %scan3A_7 = arith.addi %scan3A_5, %scan3A_6 : i32
    %scan3A_8 = arith.constant 1 : i32
    %scan3A_9 = scf.for %scan3A_60 = %scan3A_5 to %scan3A_7 step %scan3A_8 iter_args(%scan3A_61 = %scan3A) -> (i32)  : i32 {
      %broadcast_in_dim3A = arith.constant 0.000000e+00 : f32
      %broadcast_in_dim3A_62 = vector.broadcast %broadcast_in_dim3A : f32 to vector<16xf32>
      %mul3A_63 = arith.constant 16 : i32
      %mul3A_64 = arith.muli %scan3A_60, %mul3A_63 : i32
      %swap3A = arith.index_cast %mul3A_64 : i32 to index
      %swap3A_65 = tpu.vector_load %arg12[%swap3A] {strides = array<i32>} : memref<640xf32, #tpu.memory_space<vmem>>, vector<16xf32>,
      tpu.vector_store %arg12[%swap3A], %broadcast_in_dim3A_62 {strides = array<i32>} : memref<640xf32, #tpu.memory_space<vmem>>, vector<16xf32>,
      %scan3A_66 = arith.constant 0 : i32
      scf.yield %scan3A_66 : i32
    }
    %scan3A_10 = arith.constant 40 : i32
    "tpu.region"() ({
      %run_scoped3A = tpu.sem_alloc : memref<!tpu.dma_semaphore, #tpu.memory_space<semaphore_mem>>
      %dma_start3A_60 = tpu.memref_slice %arg17[%mul3A_2] : memref<10240xf32, #tpu.memory_space<vmem_shared>> -> memref<640xf32, #tpu.memory_space<vmem_shared>>
      %dma_start3A_61 = tpu.memref_slice %arg17[%mul3A_2] : memref<10240xf32, #tpu.memory_space<vmem_shared>> -> memref<640xf32, #tpu.memory_space<vmem_shared>>
      tpu.enqueue_dma source(%arg12 : memref<640xf32, #tpu.memory_space<vmem>>) target(%dma_start3A_61 : memref<640xf32, #tpu.memory_space<vmem_shared>>) target_semaphore(%run_scoped3A : memref<!tpu.dma_semaphore, #tpu.memory_space<semaphore_mem>>)
      %dma_wait3A_62 = tpu.memref_slice %arg17[%mul3A_2] : memref<10240xf32, #tpu.memory_space<vmem_shared>> -> memref<640xf32, #tpu.memory_space<vmem_shared>>
      %dma_wait3A_63 = tpu.memref_slice %arg17[%mul3A_2] : memref<10240xf32, #tpu.memory_space<vmem_shared>> -> memref<640xf32, #tpu.memory_space<vmem_shared>>
      tpu.wait_dma2 semaphore(%run_scoped3A : memref<!tpu.dma_semaphore, #tpu.memory_space<semaphore_mem>>) src(%arg12 : memref<640xf32, #tpu.memory_space<vmem>>) dst(%dma_wait3A_63 : memref<640xf32, #tpu.memory_space<vmem_shared>>)
      tpu.yield
    }) : () -> ()
    "tpu.region"() ({
      %run_scoped3A = tpu.sem_alloc : memref<!tpu.dma_semaphore, #tpu.memory_space<semaphore_mem>>
      %dma_start3A_60 = tpu.memref_slice %arg18[%mul3A_2] : memref<10240xf32, #tpu.memory_space<vmem_shared>> -> memref<640xf32, #tpu.memory_space<vmem_shared>>
      %dma_start3A_61 = tpu.memref_slice %arg18[%mul3A_2] : memref<10240xf32, #tpu.memory_space<vmem_shared>> -> memref<640xf32, #tpu.memory_space<vmem_shared>>
      tpu.enqueue_dma source(%arg12 : memref<640xf32, #tpu.memory_space<vmem>>) target(%dma_start3A_61 : memref<640xf32, #tpu.memory_space<vmem_shared>>) target_semaphore(%run_scoped3A : memref<!tpu.dma_semaphore, #tpu.memory_space<semaphore_mem>>)
      %dma_wait3A_62 = tpu.memref_slice %arg18[%mul3A_2] : memref<10240xf32, #tpu.memory_space<vmem_shared>> -> memref<640xf32, #tpu.memory_space<vmem_shared>>
      %dma_wait3A_63 = tpu.memref_slice %arg18[%mul3A_2] : memref<10240xf32, #tpu.memory_space<vmem_shared>> -> memref<640xf32, #tpu.memory_space<vmem_shared>>
      tpu.wait_dma2 semaphore(%run_scoped3A : memref<!tpu.dma_semaphore, #tpu.memory_space<semaphore_mem>>) src(%arg12 : memref<640xf32, #tpu.memory_space<vmem>>) dst(%dma_wait3A_63 : memref<640xf32, #tpu.memory_space<vmem_shared>>)
      tpu.yield
    }) : () -> ()
    %barrier3A = arith.constant 0 : index
    tpu.barrier barrier_id(%barrier3A)
    %add3A_11 = arith.constant 0 : i32
    %add3A_12 = arith.addi %mul3A_4, %add3A_11 : i32
    %dma_start3A = tpu.memref_slice %arg2[%add3A_12] : memref<327680xi32, #tpu.memory_space<hbm>> -> memref<5120xi32, #tpu.memory_space<hbm>>
    %dma_start3A_13 = tpu.memref_slice %arg2[%add3A_12] : memref<327680xi32, #tpu.memory_space<hbm>> -> memref<5120xi32, #tpu.memory_space<hbm>>
    tpu.enqueue_dma source(%dma_start3A_13 : memref<5120xi32, #tpu.memory_space<hbm>>) target(%arg6 : memref<5120xi32, #tpu.memory_space<vmem>>) target_semaphore(%arg13 : memref<!tpu.dma_semaphore, #tpu.memory_space<semaphore_mem>>)
    %dma_start3A_14 = tpu.memref_slice %arg3[%add3A_12] : memref<327680xf32, #tpu.memory_space<hbm>> -> memref<5120xf32, #tpu.memory_space<hbm>>
    %dma_start3A_15 = tpu.memref_slice %arg3[%add3A_12] : memref<327680xf32, #tpu.memory_space<hbm>> -> memref<5120xf32, #tpu.memory_space<hbm>>
    tpu.enqueue_dma source(%dma_start3A_15 : memref<5120xf32, #tpu.memory_space<hbm>>) target(%arg8 : memref<5120xf32, #tpu.memory_space<vmem>>) target_semaphore(%arg13 : memref<!tpu.dma_semaphore, #tpu.memory_space<semaphore_mem>>)
    %dma_wait3A = tpu.memref_slice %arg2[%add3A_12] : memref<327680xi32, #tpu.memory_space<hbm>> -> memref<5120xi32, #tpu.memory_space<hbm>>
    %dma_wait3A_16 = tpu.memref_slice %arg2[%add3A_12] : memref<327680xi32, #tpu.memory_space<hbm>> -> memref<5120xi32, #tpu.memory_space<hbm>>
    tpu.wait_dma2 semaphore(%arg13 : memref<!tpu.dma_semaphore, #tpu.memory_space<semaphore_mem>>) src(%dma_wait3A_16 : memref<5120xi32, #tpu.memory_space<hbm>>) dst(%arg6 : memref<5120xi32, #tpu.memory_space<vmem>>)
    %dma_wait3A_17 = tpu.memref_slice %arg3[%add3A_12] : memref<327680xf32, #tpu.memory_space<hbm>> -> memref<5120xf32, #tpu.memory_space<hbm>>
    %dma_wait3A_18 = tpu.memref_slice %arg3[%add3A_12] : memref<327680xf32, #tpu.memory_space<hbm>> -> memref<5120xf32, #tpu.memory_space<hbm>>
    tpu.wait_dma2 semaphore(%arg13 : memref<!tpu.dma_semaphore, #tpu.memory_space<semaphore_mem>>) src(%dma_wait3A_18 : memref<5120xf32, #tpu.memory_space<hbm>>) dst(%arg8 : memref<5120xf32, #tpu.memory_space<vmem>>)
    %add3A_19 = arith.constant 5120 : i32
    %add3A_20 = arith.addi %mul3A_4, %add3A_19 : i32
    %dma_start3A_21 = tpu.memref_slice %arg2[%add3A_20] : memref<327680xi32, #tpu.memory_space<hbm>> -> memref<5120xi32, #tpu.memory_space<hbm>>
    %dma_start3A_22 = tpu.memref_slice %arg2[%add3A_20] : memref<327680xi32, #tpu.memory_space<hbm>> -> memref<5120xi32, #tpu.memory_space<hbm>>
    tpu.enqueue_dma source(%dma_start3A_22 : memref<5120xi32, #tpu.memory_space<hbm>>) target(%arg7 : memref<5120xi32, #tpu.memory_space<vmem>>) target_semaphore(%arg14 : memref<!tpu.dma_semaphore, #tpu.memory_space<semaphore_mem>>)
    %dma_start3A_23 = tpu.memref_slice %arg3[%add3A_20] : memref<327680xf32, #tpu.memory_space<hbm>> -> memref<5120xf32, #tpu.memory_space<hbm>>
    %dma_start3A_24 = tpu.memref_slice %arg3[%add3A_20] : memref<327680xf32, #tpu.memory_space<hbm>> -> memref<5120xf32, #tpu.memory_space<hbm>>
    tpu.enqueue_dma source(%dma_start3A_24 : memref<5120xf32, #tpu.memory_space<hbm>>) target(%arg9 : memref<5120xf32, #tpu.memory_space<vmem>>) target_semaphore(%arg14 : memref<!tpu.dma_semaphore, #tpu.memory_space<semaphore_mem>>)
    %scan3A_25 = arith.constant 0 : i32
    %scan3A_26 = arith.constant 0 : i32
    %scan3A_27 = arith.constant 320 : i32
    %scan3A_28 = arith.addi %scan3A_26, %scan3A_27 : i32
    %scan3A_29 = arith.constant 1 : i32
    %scan3A_30 = scf.for %scan3A_60 = %scan3A_26 to %scan3A_28 step %scan3A_29 iter_args(%scan3A_61 = %scan3A_25) -> (i32)  : i32 {
      %mul3A_62 = arith.constant 16 : i32
      %mul3A_63 = arith.muli %scan3A_60, %mul3A_62 : i32
      %get3A = arith.index_cast %mul3A_63 : i32 to index
      %get3A_64 = tpu.vector_load %arg8[%get3A] {strides = array<i32>} : memref<5120xf32, #tpu.memory_space<vmem>>, vector<16xf32>,
      %exp3A = math.exp %get3A_64 : vector<16xf32>
      %swap3A = arith.index_cast %mul3A_63 : i32 to index
      %swap3A_65 = tpu.vector_load %arg10[%swap3A] {strides = array<i32>} : memref<5120xf32, #tpu.memory_space<vmem>>, vector<16xf32>,
      tpu.vector_store %arg10[%swap3A], %exp3A {strides = array<i32>} : memref<5120xf32, #tpu.memory_space<vmem>>, vector<16xf32>,
      %scan3A_66 = arith.constant 0 : i32
      scf.yield %scan3A_66 : i32
    }
    %scan3A_31 = arith.constant 320 : i32
    %dma_start3A_32 = arith.constant 0 : i32
    %dma_start3A_33 = tpu.memref_slice %arg17[%dma_start3A_32] : memref<10240xf32, #tpu.memory_space<vmem_shared>> -> memref<10240xf32, #tpu.memory_space<vmem_shared>>
    tpu.enqueue_indirect_dma source(%arg8 : memref<5120xf32, #tpu.memory_space<vmem>>) target(%dma_start3A_33 : memref<10240xf32, #tpu.memory_space<vmem_shared>>) offsets(%arg6 : memref<5120xi32, #tpu.memory_space<vmem>>) semaphore(%arg15 : memref<!tpu.dma_semaphore, #tpu.memory_space<semaphore_mem>>) {add = true}
    %dma_start3A_34 = arith.constant 0 : i32
    %dma_start3A_35 = tpu.memref_slice %arg18[%dma_start3A_34] : memref<10240xf32, #tpu.memory_space<vmem_shared>> -> memref<10240xf32, #tpu.memory_space<vmem_shared>>
    tpu.enqueue_indirect_dma source(%arg10 : memref<5120xf32, #tpu.memory_space<vmem>>) target(%dma_start3A_35 : memref<10240xf32, #tpu.memory_space<vmem_shared>>) offsets(%arg6 : memref<5120xi32, #tpu.memory_space<vmem>>) semaphore(%arg15 : memref<!tpu.dma_semaphore, #tpu.memory_space<semaphore_mem>>) {add = true}
    %dma_wait3A_36 = tpu.memref_slice %arg2[%add3A_20] : memref<327680xi32, #tpu.memory_space<hbm>> -> memref<5120xi32, #tpu.memory_space<hbm>>
    %dma_wait3A_37 = tpu.memref_slice %arg2[%add3A_20] : memref<327680xi32, #tpu.memory_space<hbm>> -> memref<5120xi32, #tpu.memory_space<hbm>>
    tpu.wait_dma2 semaphore(%arg14 : memref<!tpu.dma_semaphore, #tpu.memory_space<semaphore_mem>>) src(%dma_wait3A_37 : memref<5120xi32, #tpu.memory_space<hbm>>) dst(%arg7 : memref<5120xi32, #tpu.memory_space<vmem>>)
    %dma_wait3A_38 = tpu.memref_slice %arg3[%add3A_20] : memref<327680xf32, #tpu.memory_space<hbm>> -> memref<5120xf32, #tpu.memory_space<hbm>>
    %dma_wait3A_39 = tpu.memref_slice %arg3[%add3A_20] : memref<327680xf32, #tpu.memory_space<hbm>> -> memref<5120xf32, #tpu.memory_space<hbm>>
    tpu.wait_dma2 semaphore(%arg14 : memref<!tpu.dma_semaphore, #tpu.memory_space<semaphore_mem>>) src(%dma_wait3A_39 : memref<5120xf32, #tpu.memory_space<hbm>>) dst(%arg9 : memref<5120xf32, #tpu.memory_space<vmem>>)
    %scan3A_40 = arith.constant 0 : i32
    %scan3A_41 = arith.constant 0 : i32
    %scan3A_42 = arith.constant 320 : i32
    %scan3A_43 = arith.addi %scan3A_41, %scan3A_42 : i32
    %scan3A_44 = arith.constant 1 : i32
    %scan3A_45 = scf.for %scan3A_60 = %scan3A_41 to %scan3A_43 step %scan3A_44 iter_args(%scan3A_61 = %scan3A_40) -> (i32)  : i32 {
      %mul3A_62 = arith.constant 16 : i32
      %mul3A_63 = arith.muli %scan3A_60, %mul3A_62 : i32
      %get3A = arith.index_cast %mul3A_63 : i32 to index
      %get3A_64 = tpu.vector_load %arg9[%get3A] {strides = array<i32>} : memref<5120xf32, #tpu.memory_space<vmem>>, vector<16xf32>,
      %exp3A = math.exp %get3A_64 : vector<16xf32>
      %swap3A = arith.index_cast %mul3A_63 : i32 to index
      %swap3A_65 = tpu.vector_load %arg11[%swap3A] {strides = array<i32>} : memref<5120xf32, #tpu.memory_space<vmem>>, vector<16xf32>,
      tpu.vector_store %arg11[%swap3A], %exp3A {strides = array<i32>} : memref<5120xf32, #tpu.memory_space<vmem>>, vector<16xf32>,
      %scan3A_66 = arith.constant 0 : i32
      scf.yield %scan3A_66 : i32
    }
    %scan3A_46 = arith.constant 320 : i32
    %dma_start3A_47 = arith.constant 0 : i32
    %dma_start3A_48 = tpu.memref_slice %arg17[%dma_start3A_47] : memref<10240xf32, #tpu.memory_space<vmem_shared>> -> memref<10240xf32, #tpu.memory_space<vmem_shared>>
    tpu.enqueue_indirect_dma source(%arg9 : memref<5120xf32, #tpu.memory_space<vmem>>) target(%dma_start3A_48 : memref<10240xf32, #tpu.memory_space<vmem_shared>>) offsets(%arg7 : memref<5120xi32, #tpu.memory_space<vmem>>) semaphore(%arg16 : memref<!tpu.dma_semaphore, #tpu.memory_space<semaphore_mem>>) {add = true}
    %dma_start3A_49 = arith.constant 0 : i32
    %dma_start3A_50 = tpu.memref_slice %arg18[%dma_start3A_49] : memref<10240xf32, #tpu.memory_space<vmem_shared>> -> memref<10240xf32, #tpu.memory_space<vmem_shared>>
    tpu.enqueue_indirect_dma source(%arg11 : memref<5120xf32, #tpu.memory_space<vmem>>) target(%dma_start3A_50 : memref<10240xf32, #tpu.memory_space<vmem_shared>>) offsets(%arg7 : memref<5120xi32, #tpu.memory_space<vmem>>) semaphore(%arg16 : memref<!tpu.dma_semaphore, #tpu.memory_space<semaphore_mem>>) {add = true}
    %dma_wait3A_51 = arith.constant 0 : i32
    %dma_wait3A_52 = tpu.memref_slice %arg17[%dma_wait3A_51] : memref<10240xf32, #tpu.memory_space<vmem_shared>> -> memref<10240xf32, #tpu.memory_space<vmem_shared>>
    tpu.wait_indirect_dma semaphore(%arg15 : memref<!tpu.dma_semaphore, #tpu.memory_space<semaphore_mem>>) src(%arg8 : memref<5120xf32, #tpu.memory_space<vmem>>) dst(%dma_wait3A_52 : memref<10240xf32, #tpu.memory_space<vmem_shared>>)
    %dma_wait3A_53 = arith.constant 0 : i32
    %dma_wait3A_54 = tpu.memref_slice %arg18[%dma_wait3A_53] : memref<10240xf32, #tpu.memory_space<vmem_shared>> -> memref<10240xf32, #tpu.memory_space<vmem_shared>>
    tpu.wait_indirect_dma semaphore(%arg15 : memref<!tpu.dma_semaphore, #tpu.memory_space<semaphore_mem>>) src(%arg10 : memref<5120xf32, #tpu.memory_space<vmem>>) dst(%dma_wait3A_54 : memref<10240xf32, #tpu.memory_space<vmem_shared>>)
    %dma_wait3A_55 = arith.constant 0 : i32
    %dma_wait3A_56 = tpu.memref_slice %arg17[%dma_wait3A_55] : memref<10240xf32, #tpu.memory_space<vmem_shared>> -> memref<10240xf32, #tpu.memory_space<vmem_shared>>
    tpu.wait_indirect_dma semaphore(%arg16 : memref<!tpu.dma_semaphore, #tpu.memory_space<semaphore_mem>>) src(%arg9 : memref<5120xf32, #tpu.memory_space<vmem>>) dst(%dma_wait3A_56 : memref<10240xf32, #tpu.memory_space<vmem_shared>>)
    %dma_wait3A_57 = arith.constant 0 : i32
    %dma_wait3A_58 = tpu.memref_slice %arg18[%dma_wait3A_57] : memref<10240xf32, #tpu.memory_space<vmem_shared>> -> memref<10240xf32, #tpu.memory_space<vmem_shared>>
    tpu.wait_indirect_dma semaphore(%arg16 : memref<!tpu.dma_semaphore, #tpu.memory_space<semaphore_mem>>) src(%arg11 : memref<5120xf32, #tpu.memory_space<vmem>>) dst(%dma_wait3A_58 : memref<10240xf32, #tpu.memory_space<vmem_shared>>)
    %barrier3A_59 = arith.constant 0 : index
    tpu.barrier barrier_id(%barrier3A_59)
    "tpu.region"() ({
      %run_scoped3A = tpu.sem_alloc : memref<!tpu.dma_semaphore, #tpu.memory_space<semaphore_mem>>
      %dma_start3A_60 = tpu.memref_slice %arg4[%arg0, %mul3A_2] : memref<2x10240xf32, #tpu.memory_space<hbm>> -> memref<1x640xf32, #tpu.memory_space<hbm>>
      %dma_start3A_61 = tpu.memref_squeeze %dma_start3A_60 : memref<1x640xf32, #tpu.memory_space<hbm>> -> memref<640xf32, #tpu.memory_space<hbm>>
      %dma_start3A_62 = tpu.memref_slice %arg17[%mul3A_2] : memref<10240xf32, #tpu.memory_space<vmem_shared>> -> memref<640xf32, #tpu.memory_space<vmem_shared>>
      tpu.enqueue_dma source(%dma_start3A_62 : memref<640xf32, #tpu.memory_space<vmem_shared>>) target(%dma_start3A_61 : memref<640xf32, #tpu.memory_space<hbm>>) target_semaphore(%run_scoped3A : memref<!tpu.dma_semaphore, #tpu.memory_space<semaphore_mem>>)
      %dma_wait3A_63 = tpu.memref_slice %arg4[%arg0, %mul3A_2] : memref<2x10240xf32, #tpu.memory_space<hbm>> -> memref<1x640xf32, #tpu.memory_space<hbm>>
      %dma_wait3A_64 = tpu.memref_squeeze %dma_wait3A_63 : memref<1x640xf32, #tpu.memory_space<hbm>> -> memref<640xf32, #tpu.memory_space<hbm>>
      %dma_wait3A_65 = tpu.memref_slice %arg17[%mul3A_2] : memref<10240xf32, #tpu.memory_space<vmem_shared>> -> memref<640xf32, #tpu.memory_space<vmem_shared>>
      tpu.wait_dma2 semaphore(%run_scoped3A : memref<!tpu.dma_semaphore, #tpu.memory_space<semaphore_mem>>) src(%dma_wait3A_65 : memref<640xf32, #tpu.memory_space<vmem_shared>>) dst(%dma_wait3A_64 : memref<640xf32, #tpu.memory_space<hbm>>)
      tpu.yield
    }) : () -> ()
    "tpu.region"() ({
      %run_scoped3A = tpu.sem_alloc : memref<!tpu.dma_semaphore, #tpu.memory_space<semaphore_mem>>
      %dma_start3A_60 = tpu.memref_slice %arg5[%arg0, %mul3A_2] : memref<2x10240xf32, #tpu.memory_space<hbm>> -> memref<1x640xf32, #tpu.memory_space<hbm>>
      %dma_start3A_61 = tpu.memref_squeeze %dma_start3A_60 : memref<1x640xf32, #tpu.memory_space<hbm>> -> memref<640xf32, #tpu.memory_space<hbm>>
      %dma_start3A_62 = tpu.memref_slice %arg18[%mul3A_2] : memref<10240xf32, #tpu.memory_space<vmem_shared>> -> memref<640xf32, #tpu.memory_space<vmem_shared>>
      tpu.enqueue_dma source(%dma_start3A_62 : memref<640xf32, #tpu.memory_space<vmem_shared>>) target(%dma_start3A_61 : memref<640xf32, #tpu.memory_space<hbm>>) target_semaphore(%run_scoped3A : memref<!tpu.dma_semaphore, #tpu.memory_space<semaphore_mem>>)
      %dma_wait3A_63 = tpu.memref_slice %arg5[%arg0, %mul3A_2] : memref<2x10240xf32, #tpu.memory_space<hbm>> -> memref<1x640xf32, #tpu.memory_space<hbm>>
      %dma_wait3A_64 = tpu.memref_squeeze %dma_wait3A_63 : memref<1x640xf32, #tpu.memory_space<hbm>> -> memref<640xf32, #tpu.memory_space<hbm>>
      %dma_wait3A_65 = tpu.memref_slice %arg18[%mul3A_2] : memref<10240xf32, #tpu.memory_space<vmem_shared>> -> memref<640xf32, #tpu.memory_space<vmem_shared>>
      tpu.wait_dma2 semaphore(%run_scoped3A : memref<!tpu.dma_semaphore, #tpu.memory_space<semaphore_mem>>) src(%dma_wait3A_65 : memref<640xf32, #tpu.memory_space<vmem_shared>>) dst(%dma_wait3A_64 : memref<640xf32, #tpu.memory_space<hbm>>)
      tpu.yield
    }) : () -> ()
    return
  }
}

#map = affine_map<(d0, d1) -> (0)>
#map1 = affine_map<(d0, d1) -> (0, 0)>
module attributes {stable_mosaic.version = 14 : i64} {
  func.func @_sc1a_body(%arg0: i32, %arg1: i32, %arg2: memref<327680xi32, #tpu.memory_space<hbm>>, %arg3: memref<327680xi32, #tpu.memory_space<hbm>>, %arg4: memref<327680xf32, #tpu.memory_space<hbm>>, %arg5: memref<10240xf32, #tpu.memory_space<hbm>>, %arg6: memref<2x10240xf32, #tpu.memory_space<hbm>>, %arg7: memref<2x10240xf32, #tpu.memory_space<hbm>>, %arg8: memref<10240xf32, #tpu.memory_space<vmem>>, %arg9: memref<5120xi32, #tpu.memory_space<vmem>>, %arg10: memref<5120xi32, #tpu.memory_space<vmem>>, %arg11: memref<5120xi32, #tpu.memory_space<vmem>>, %arg12: memref<5120xi32, #tpu.memory_space<vmem>>, %arg13: memref<5120xf32, #tpu.memory_space<vmem>>, %arg14: memref<5120xf32, #tpu.memory_space<vmem>>, %arg15: memref<5120xf32, #tpu.memory_space<vmem>>, %arg16: memref<5120xf32, #tpu.memory_space<vmem>>, %arg17: memref<5120xf32, #tpu.memory_space<vmem>>, %arg18: memref<5120xf32, #tpu.memory_space<vmem>>, %arg19: memref<640xf32, #tpu.memory_space<vmem>>, %arg20: memref<!tpu.dma_semaphore, #tpu.memory_space<semaphore_mem>>, %arg21: memref<!tpu.dma_semaphore, #tpu.memory_space<semaphore_mem>>, %arg22: memref<!tpu.dma_semaphore, #tpu.memory_space<semaphore_mem>>, %arg23: memref<!tpu.dma_semaphore, #tpu.memory_space<semaphore_mem>>, %arg24: memref<10240xf32, #tpu.memory_space<vmem_shared>>, %arg25: memref<10240xf32, #tpu.memory_space<vmem_shared>>) attributes {dimension_semantics = [#tpu.dimension_semantics<core_parallel>, #tpu.dimension_semantics<subcore_parallel>], iteration_bounds = array<i64: 2, 16>, scalar_prefetch = 0 : i64, scratch_operands = 18 : i64, tpu.core_type = #tpu.core_type<sc_vector_subcore>, window_params = [{transform_indices = #map}, {transform_indices = #map}, {transform_indices = #map}, {transform_indices = #map}, {transform_indices = #map1}, {transform_indices = #map1}]} {
    %mul3A = arith.constant 16 : i32
    %mul3A_0 = arith.muli %arg0, %mul3A : i32
    %add3A = arith.addi %mul3A_0, %arg1 : i32
    %mul3A_1 = arith.constant 640 : i32
    %mul3A_2 = arith.muli %arg1, %mul3A_1 : i32
    %mul3A_3 = arith.constant 10240 : i32
    %mul3A_4 = arith.muli %add3A, %mul3A_3 : i32
    tpu.enqueue_dma source(%arg5 : memref<10240xf32, #tpu.memory_space<hbm>>) target(%arg8 : memref<10240xf32, #tpu.memory_space<vmem>>) target_semaphore(%arg20 : memref<!tpu.dma_semaphore, #tpu.memory_space<semaphore_mem>>)
    %scan3A = arith.constant 0 : i32
    %scan3A_5 = arith.constant 0 : i32
    %scan3A_6 = arith.constant 40 : i32
    %scan3A_7 = arith.addi %scan3A_5, %scan3A_6 : i32
    %scan3A_8 = arith.constant 1 : i32
    %scan3A_9 = scf.for %scan3A_68 = %scan3A_5 to %scan3A_7 step %scan3A_8 iter_args(%scan3A_69 = %scan3A) -> (i32)  : i32 {
      %broadcast_in_dim3A = arith.constant 0.000000e+00 : f32
      %broadcast_in_dim3A_70 = vector.broadcast %broadcast_in_dim3A : f32 to vector<16xf32>
      %mul3A_71 = arith.constant 16 : i32
      %mul3A_72 = arith.muli %scan3A_68, %mul3A_71 : i32
      %swap3A = arith.index_cast %mul3A_72 : i32 to index
      %swap3A_73 = tpu.vector_load %arg19[%swap3A] {strides = array<i32>} : memref<640xf32, #tpu.memory_space<vmem>>, vector<16xf32>,
      tpu.vector_store %arg19[%swap3A], %broadcast_in_dim3A_70 {strides = array<i32>} : memref<640xf32, #tpu.memory_space<vmem>>, vector<16xf32>,
      %scan3A_74 = arith.constant 0 : i32
      scf.yield %scan3A_74 : i32
    }
    %scan3A_10 = arith.constant 40 : i32
    "tpu.region"() ({
      %run_scoped3A = tpu.sem_alloc : memref<!tpu.dma_semaphore, #tpu.memory_space<semaphore_mem>>
      %dma_start3A_68 = tpu.memref_slice %arg24[%mul3A_2] : memref<10240xf32, #tpu.memory_space<vmem_shared>> -> memref<640xf32, #tpu.memory_space<vmem_shared>>
      %dma_start3A_69 = tpu.memref_slice %arg24[%mul3A_2] : memref<10240xf32, #tpu.memory_space<vmem_shared>> -> memref<640xf32, #tpu.memory_space<vmem_shared>>
      tpu.enqueue_dma source(%arg19 : memref<640xf32, #tpu.memory_space<vmem>>) target(%dma_start3A_69 : memref<640xf32, #tpu.memory_space<vmem_shared>>) target_semaphore(%run_scoped3A : memref<!tpu.dma_semaphore, #tpu.memory_space<semaphore_mem>>)
      %dma_wait3A_70 = tpu.memref_slice %arg24[%mul3A_2] : memref<10240xf32, #tpu.memory_space<vmem_shared>> -> memref<640xf32, #tpu.memory_space<vmem_shared>>
      %dma_wait3A_71 = tpu.memref_slice %arg24[%mul3A_2] : memref<10240xf32, #tpu.memory_space<vmem_shared>> -> memref<640xf32, #tpu.memory_space<vmem_shared>>
      tpu.wait_dma2 semaphore(%run_scoped3A : memref<!tpu.dma_semaphore, #tpu.memory_space<semaphore_mem>>) src(%arg19 : memref<640xf32, #tpu.memory_space<vmem>>) dst(%dma_wait3A_71 : memref<640xf32, #tpu.memory_space<vmem_shared>>)
      tpu.yield
    }) : () -> ()
    "tpu.region"() ({
      %run_scoped3A = tpu.sem_alloc : memref<!tpu.dma_semaphore, #tpu.memory_space<semaphore_mem>>
      %dma_start3A_68 = tpu.memref_slice %arg25[%mul3A_2] : memref<10240xf32, #tpu.memory_space<vmem_shared>> -> memref<640xf32, #tpu.memory_space<vmem_shared>>
      %dma_start3A_69 = tpu.memref_slice %arg25[%mul3A_2] : memref<10240xf32, #tpu.memory_space<vmem_shared>> -> memref<640xf32, #tpu.memory_space<vmem_shared>>
      tpu.enqueue_dma source(%arg19 : memref<640xf32, #tpu.memory_space<vmem>>) target(%dma_start3A_69 : memref<640xf32, #tpu.memory_space<vmem_shared>>) target_semaphore(%run_scoped3A : memref<!tpu.dma_semaphore, #tpu.memory_space<semaphore_mem>>)
      %dma_wait3A_70 = tpu.memref_slice %arg25[%mul3A_2] : memref<10240xf32, #tpu.memory_space<vmem_shared>> -> memref<640xf32, #tpu.memory_space<vmem_shared>>
      %dma_wait3A_71 = tpu.memref_slice %arg25[%mul3A_2] : memref<10240xf32, #tpu.memory_space<vmem_shared>> -> memref<640xf32, #tpu.memory_space<vmem_shared>>
      tpu.wait_dma2 semaphore(%run_scoped3A : memref<!tpu.dma_semaphore, #tpu.memory_space<semaphore_mem>>) src(%arg19 : memref<640xf32, #tpu.memory_space<vmem>>) dst(%dma_wait3A_71 : memref<640xf32, #tpu.memory_space<vmem_shared>>)
      tpu.yield
    }) : () -> ()
    tpu.wait_dma2 semaphore(%arg20 : memref<!tpu.dma_semaphore, #tpu.memory_space<semaphore_mem>>) src(%arg5 : memref<10240xf32, #tpu.memory_space<hbm>>) dst(%arg8 : memref<10240xf32, #tpu.memory_space<vmem>>)
    %barrier3A = arith.constant 0 : index
    tpu.barrier barrier_id(%barrier3A)
    %add3A_11 = arith.constant 0 : i32
    %add3A_12 = arith.addi %mul3A_4, %add3A_11 : i32
    %dma_start3A = tpu.memref_slice %arg2[%add3A_12] : memref<327680xi32, #tpu.memory_space<hbm>> -> memref<5120xi32, #tpu.memory_space<hbm>>
    %dma_start3A_13 = tpu.memref_slice %arg2[%add3A_12] : memref<327680xi32, #tpu.memory_space<hbm>> -> memref<5120xi32, #tpu.memory_space<hbm>>
    tpu.enqueue_dma source(%dma_start3A_13 : memref<5120xi32, #tpu.memory_space<hbm>>) target(%arg9 : memref<5120xi32, #tpu.memory_space<vmem>>) target_semaphore(%arg20 : memref<!tpu.dma_semaphore, #tpu.memory_space<semaphore_mem>>)
    %dma_start3A_14 = tpu.memref_slice %arg3[%add3A_12] : memref<327680xi32, #tpu.memory_space<hbm>> -> memref<5120xi32, #tpu.memory_space<hbm>>
    %dma_start3A_15 = tpu.memref_slice %arg3[%add3A_12] : memref<327680xi32, #tpu.memory_space<hbm>> -> memref<5120xi32, #tpu.memory_space<hbm>>
    tpu.enqueue_dma source(%dma_start3A_15 : memref<5120xi32, #tpu.memory_space<hbm>>) target(%arg11 : memref<5120xi32, #tpu.memory_space<vmem>>) target_semaphore(%arg20 : memref<!tpu.dma_semaphore, #tpu.memory_space<semaphore_mem>>)
    %dma_start3A_16 = tpu.memref_slice %arg4[%add3A_12] : memref<327680xf32, #tpu.memory_space<hbm>> -> memref<5120xf32, #tpu.memory_space<hbm>>
    %dma_start3A_17 = tpu.memref_slice %arg4[%add3A_12] : memref<327680xf32, #tpu.memory_space<hbm>> -> memref<5120xf32, #tpu.memory_space<hbm>>
    tpu.enqueue_dma source(%dma_start3A_17 : memref<5120xf32, #tpu.memory_space<hbm>>) target(%arg13 : memref<5120xf32, #tpu.memory_space<vmem>>) target_semaphore(%arg20 : memref<!tpu.dma_semaphore, #tpu.memory_space<semaphore_mem>>)
    %dma_wait3A = tpu.memref_slice %arg2[%add3A_12] : memref<327680xi32, #tpu.memory_space<hbm>> -> memref<5120xi32, #tpu.memory_space<hbm>>
    %dma_wait3A_18 = tpu.memref_slice %arg2[%add3A_12] : memref<327680xi32, #tpu.memory_space<hbm>> -> memref<5120xi32, #tpu.memory_space<hbm>>
    tpu.wait_dma2 semaphore(%arg20 : memref<!tpu.dma_semaphore, #tpu.memory_space<semaphore_mem>>) src(%dma_wait3A_18 : memref<5120xi32, #tpu.memory_space<hbm>>) dst(%arg9 : memref<5120xi32, #tpu.memory_space<vmem>>)
    %dma_wait3A_19 = tpu.memref_slice %arg3[%add3A_12] : memref<327680xi32, #tpu.memory_space<hbm>> -> memref<5120xi32, #tpu.memory_space<hbm>>
    %dma_wait3A_20 = tpu.memref_slice %arg3[%add3A_12] : memref<327680xi32, #tpu.memory_space<hbm>> -> memref<5120xi32, #tpu.memory_space<hbm>>
    tpu.wait_dma2 semaphore(%arg20 : memref<!tpu.dma_semaphore, #tpu.memory_space<semaphore_mem>>) src(%dma_wait3A_20 : memref<5120xi32, #tpu.memory_space<hbm>>) dst(%arg11 : memref<5120xi32, #tpu.memory_space<vmem>>)
    %dma_wait3A_21 = tpu.memref_slice %arg4[%add3A_12] : memref<327680xf32, #tpu.memory_space<hbm>> -> memref<5120xf32, #tpu.memory_space<hbm>>
    %dma_wait3A_22 = tpu.memref_slice %arg4[%add3A_12] : memref<327680xf32, #tpu.memory_space<hbm>> -> memref<5120xf32, #tpu.memory_space<hbm>>
    tpu.wait_dma2 semaphore(%arg20 : memref<!tpu.dma_semaphore, #tpu.memory_space<semaphore_mem>>) src(%dma_wait3A_22 : memref<5120xf32, #tpu.memory_space<hbm>>) dst(%arg13 : memref<5120xf32, #tpu.memory_space<vmem>>)
    %add3A_23 = arith.constant 5120 : i32
    %add3A_24 = arith.addi %mul3A_4, %add3A_23 : i32
    %dma_start3A_25 = tpu.memref_slice %arg2[%add3A_24] : memref<327680xi32, #tpu.memory_space<hbm>> -> memref<5120xi32, #tpu.memory_space<hbm>>
    %dma_start3A_26 = tpu.memref_slice %arg2[%add3A_24] : memref<327680xi32, #tpu.memory_space<hbm>> -> memref<5120xi32, #tpu.memory_space<hbm>>
    tpu.enqueue_dma source(%dma_start3A_26 : memref<5120xi32, #tpu.memory_space<hbm>>) target(%arg10 : memref<5120xi32, #tpu.memory_space<vmem>>) target_semaphore(%arg21 : memref<!tpu.dma_semaphore, #tpu.memory_space<semaphore_mem>>)
    %dma_start3A_27 = tpu.memref_slice %arg3[%add3A_24] : memref<327680xi32, #tpu.memory_space<hbm>> -> memref<5120xi32, #tpu.memory_space<hbm>>
    %dma_start3A_28 = tpu.memref_slice %arg3[%add3A_24] : memref<327680xi32, #tpu.memory_space<hbm>> -> memref<5120xi32, #tpu.memory_space<hbm>>
    tpu.enqueue_dma source(%dma_start3A_28 : memref<5120xi32, #tpu.memory_space<hbm>>) target(%arg12 : memref<5120xi32, #tpu.memory_space<vmem>>) target_semaphore(%arg21 : memref<!tpu.dma_semaphore, #tpu.memory_space<semaphore_mem>>)
    %dma_start3A_29 = tpu.memref_slice %arg4[%add3A_24] : memref<327680xf32, #tpu.memory_space<hbm>> -> memref<5120xf32, #tpu.memory_space<hbm>>
    %dma_start3A_30 = tpu.memref_slice %arg4[%add3A_24] : memref<327680xf32, #tpu.memory_space<hbm>> -> memref<5120xf32, #tpu.memory_space<hbm>>
    tpu.enqueue_dma source(%dma_start3A_30 : memref<5120xf32, #tpu.memory_space<hbm>>) target(%arg14 : memref<5120xf32, #tpu.memory_space<vmem>>) target_semaphore(%arg21 : memref<!tpu.dma_semaphore, #tpu.memory_space<semaphore_mem>>)
    %scan3A_31 = arith.constant 0 : i32
    %scan3A_32 = arith.constant 0 : i32
    %scan3A_33 = arith.constant 320 : i32
    %scan3A_34 = arith.addi %scan3A_32, %scan3A_33 : i32
    %scan3A_35 = arith.constant 1 : i32
    %scan3A_36 = scf.for %scan3A_68 = %scan3A_32 to %scan3A_34 step %scan3A_35 iter_args(%scan3A_69 = %scan3A_31) -> (i32)  : i32 {
      %mul3A_70 = arith.constant 16 : i32
      %mul3A_71 = arith.muli %scan3A_68, %mul3A_70 : i32
      %get3A = arith.index_cast %mul3A_71 : i32 to index
      %get3A_72 = tpu.vector_load %arg13[%get3A] {strides = array<i32>} : memref<5120xf32, #tpu.memory_space<vmem>>, vector<16xf32>,
      %exp3A = math.exp %get3A_72 : vector<16xf32>
      %swap3A = arith.index_cast %mul3A_71 : i32 to index
      %swap3A_73 = tpu.vector_load %arg15[%swap3A] {strides = array<i32>} : memref<5120xf32, #tpu.memory_space<vmem>>, vector<16xf32>,
      tpu.vector_store %arg15[%swap3A], %exp3A {strides = array<i32>} : memref<5120xf32, #tpu.memory_space<vmem>>, vector<16xf32>,
      %get3A_74 = arith.index_cast %mul3A_71 : i32 to index
      %get3A_75 = tpu.vector_load %arg9[%get3A_74] {strides = array<i32>} : memref<5120xi32, #tpu.memory_space<vmem>>, vector<16xi32>,
      %gather3A = tpu.vector_load_idx %arg8[%get3A_75] : memref<10240xf32, #tpu.memory_space<vmem>>[vector<16xi32>], vector<16xf32>,
      %mul3A_76 = arith.mulf %exp3A, %gather3A : vector<16xf32>
      %swap3A_77 = arith.index_cast %mul3A_71 : i32 to index
      %swap3A_78 = tpu.vector_load %arg17[%swap3A_77] {strides = array<i32>} : memref<5120xf32, #tpu.memory_space<vmem>>, vector<16xf32>,
      tpu.vector_store %arg17[%swap3A_77], %mul3A_76 {strides = array<i32>} : memref<5120xf32, #tpu.memory_space<vmem>>, vector<16xf32>,
      %scan3A_79 = arith.constant 0 : i32
      scf.yield %scan3A_79 : i32
    }
    %scan3A_37 = arith.constant 320 : i32
    %dma_start3A_38 = arith.constant 0 : i32
    %dma_start3A_39 = tpu.memref_slice %arg24[%dma_start3A_38] : memref<10240xf32, #tpu.memory_space<vmem_shared>> -> memref<10240xf32, #tpu.memory_space<vmem_shared>>
    tpu.enqueue_indirect_dma source(%arg15 : memref<5120xf32, #tpu.memory_space<vmem>>) target(%dma_start3A_39 : memref<10240xf32, #tpu.memory_space<vmem_shared>>) offsets(%arg11 : memref<5120xi32, #tpu.memory_space<vmem>>) semaphore(%arg22 : memref<!tpu.dma_semaphore, #tpu.memory_space<semaphore_mem>>) {add = true}
    %dma_start3A_40 = arith.constant 0 : i32
    %dma_start3A_41 = tpu.memref_slice %arg25[%dma_start3A_40] : memref<10240xf32, #tpu.memory_space<vmem_shared>> -> memref<10240xf32, #tpu.memory_space<vmem_shared>>
    tpu.enqueue_indirect_dma source(%arg17 : memref<5120xf32, #tpu.memory_space<vmem>>) target(%dma_start3A_41 : memref<10240xf32, #tpu.memory_space<vmem_shared>>) offsets(%arg11 : memref<5120xi32, #tpu.memory_space<vmem>>) semaphore(%arg22 : memref<!tpu.dma_semaphore, #tpu.memory_space<semaphore_mem>>) {add = true}
    %dma_wait3A_42 = tpu.memref_slice %arg2[%add3A_24] : memref<327680xi32, #tpu.memory_space<hbm>> -> memref<5120xi32, #tpu.memory_space<hbm>>
    %dma_wait3A_43 = tpu.memref_slice %arg2[%add3A_24] : memref<327680xi32, #tpu.memory_space<hbm>> -> memref<5120xi32, #tpu.memory_space<hbm>>
    tpu.wait_dma2 semaphore(%arg21 : memref<!tpu.dma_semaphore, #tpu.memory_space<semaphore_mem>>) src(%dma_wait3A_43 : memref<5120xi32, #tpu.memory_space<hbm>>) dst(%arg10 : memref<5120xi32, #tpu.memory_space<vmem>>)
    %dma_wait3A_44 = tpu.memref_slice %arg3[%add3A_24] : memref<327680xi32, #tpu.memory_space<hbm>> -> memref<5120xi32, #tpu.memory_space<hbm>>
    %dma_wait3A_45 = tpu.memref_slice %arg3[%add3A_24] : memref<327680xi32, #tpu.memory_space<hbm>> -> memref<5120xi32, #tpu.memory_space<hbm>>
    tpu.wait_dma2 semaphore(%arg21 : memref<!tpu.dma_semaphore, #tpu.memory_space<semaphore_mem>>) src(%dma_wait3A_45 : memref<5120xi32, #tpu.memory_space<hbm>>) dst(%arg12 : memref<5120xi32, #tpu.memory_space<vmem>>)
    %dma_wait3A_46 = tpu.memref_slice %arg4[%add3A_24] : memref<327680xf32, #tpu.memory_space<hbm>> -> memref<5120xf32, #tpu.memory_space<hbm>>
    %dma_wait3A_47 = tpu.memref_slice %arg4[%add3A_24] : memref<327680xf32, #tpu.memory_space<hbm>> -> memref<5120xf32, #tpu.memory_space<hbm>>
    tpu.wait_dma2 semaphore(%arg21 : memref<!tpu.dma_semaphore, #tpu.memory_space<semaphore_mem>>) src(%dma_wait3A_47 : memref<5120xf32, #tpu.memory_space<hbm>>) dst(%arg14 : memref<5120xf32, #tpu.memory_space<vmem>>)
    %scan3A_48 = arith.constant 0 : i32
    %scan3A_49 = arith.constant 0 : i32
    %scan3A_50 = arith.constant 320 : i32
    %scan3A_51 = arith.addi %scan3A_49, %scan3A_50 : i32
    %scan3A_52 = arith.constant 1 : i32
    %scan3A_53 = scf.for %scan3A_68 = %scan3A_49 to %scan3A_51 step %scan3A_52 iter_args(%scan3A_69 = %scan3A_48) -> (i32)  : i32 {
      %mul3A_70 = arith.constant 16 : i32
      %mul3A_71 = arith.muli %scan3A_68, %mul3A_70 : i32
      %get3A = arith.index_cast %mul3A_71 : i32 to index
      %get3A_72 = tpu.vector_load %arg14[%get3A] {strides = array<i32>} : memref<5120xf32, #tpu.memory_space<vmem>>, vector<16xf32>,
      %exp3A = math.exp %get3A_72 : vector<16xf32>
      %swap3A = arith.index_cast %mul3A_71 : i32 to index
      %swap3A_73 = tpu.vector_load %arg16[%swap3A] {strides = array<i32>} : memref<5120xf32, #tpu.memory_space<vmem>>, vector<16xf32>,
      tpu.vector_store %arg16[%swap3A], %exp3A {strides = array<i32>} : memref<5120xf32, #tpu.memory_space<vmem>>, vector<16xf32>,
      %get3A_74 = arith.index_cast %mul3A_71 : i32 to index
      %get3A_75 = tpu.vector_load %arg10[%get3A_74] {strides = array<i32>} : memref<5120xi32, #tpu.memory_space<vmem>>, vector<16xi32>,
      %gather3A = tpu.vector_load_idx %arg8[%get3A_75] : memref<10240xf32, #tpu.memory_space<vmem>>[vector<16xi32>], vector<16xf32>,
      %mul3A_76 = arith.mulf %exp3A, %gather3A : vector<16xf32>
      %swap3A_77 = arith.index_cast %mul3A_71 : i32 to index
      %swap3A_78 = tpu.vector_load %arg18[%swap3A_77] {strides = array<i32>} : memref<5120xf32, #tpu.memory_space<vmem>>, vector<16xf32>,
      tpu.vector_store %arg18[%swap3A_77], %mul3A_76 {strides = array<i32>} : memref<5120xf32, #tpu.memory_space<vmem>>, vector<16xf32>,
      %scan3A_79 = arith.constant 0 : i32
      scf.yield %scan3A_79 : i32
    }
    %scan3A_54 = arith.constant 320 : i32
    %dma_start3A_55 = arith.constant 0 : i32
    %dma_start3A_56 = tpu.memref_slice %arg24[%dma_start3A_55] : memref<10240xf32, #tpu.memory_space<vmem_shared>> -> memref<10240xf32, #tpu.memory_space<vmem_shared>>
    tpu.enqueue_indirect_dma source(%arg16 : memref<5120xf32, #tpu.memory_space<vmem>>) target(%dma_start3A_56 : memref<10240xf32, #tpu.memory_space<vmem_shared>>) offsets(%arg12 : memref<5120xi32, #tpu.memory_space<vmem>>) semaphore(%arg23 : memref<!tpu.dma_semaphore, #tpu.memory_space<semaphore_mem>>) {add = true}
    %dma_start3A_57 = arith.constant 0 : i32
    %dma_start3A_58 = tpu.memref_slice %arg25[%dma_start3A_57] : memref<10240xf32, #tpu.memory_space<vmem_shared>> -> memref<10240xf32, #tpu.memory_space<vmem_shared>>
    tpu.enqueue_indirect_dma source(%arg18 : memref<5120xf32, #tpu.memory_space<vmem>>) target(%dma_start3A_58 : memref<10240xf32, #tpu.memory_space<vmem_shared>>) offsets(%arg12 : memref<5120xi32, #tpu.memory_space<vmem>>) semaphore(%arg23 : memref<!tpu.dma_semaphore, #tpu.memory_space<semaphore_mem>>) {add = true}
    %dma_wait3A_59 = arith.constant 0 : i32
    %dma_wait3A_60 = tpu.memref_slice %arg24[%dma_wait3A_59] : memref<10240xf32, #tpu.memory_space<vmem_shared>> -> memref<10240xf32, #tpu.memory_space<vmem_shared>>
    tpu.wait_indirect_dma semaphore(%arg22 : memref<!tpu.dma_semaphore, #tpu.memory_space<semaphore_mem>>) src(%arg15 : memref<5120xf32, #tpu.memory_space<vmem>>) dst(%dma_wait3A_60 : memref<10240xf32, #tpu.memory_space<vmem_shared>>)
    %dma_wait3A_61 = arith.constant 0 : i32
    %dma_wait3A_62 = tpu.memref_slice %arg25[%dma_wait3A_61] : memref<10240xf32, #tpu.memory_space<vmem_shared>> -> memref<10240xf32, #tpu.memory_space<vmem_shared>>
    tpu.wait_indirect_dma semaphore(%arg22 : memref<!tpu.dma_semaphore, #tpu.memory_space<semaphore_mem>>) src(%arg17 : memref<5120xf32, #tpu.memory_space<vmem>>) dst(%dma_wait3A_62 : memref<10240xf32, #tpu.memory_space<vmem_shared>>)
    %dma_wait3A_63 = arith.constant 0 : i32
    %dma_wait3A_64 = tpu.memref_slice %arg24[%dma_wait3A_63] : memref<10240xf32, #tpu.memory_space<vmem_shared>> -> memref<10240xf32, #tpu.memory_space<vmem_shared>>
    tpu.wait_indirect_dma semaphore(%arg23 : memref<!tpu.dma_semaphore, #tpu.memory_space<semaphore_mem>>) src(%arg16 : memref<5120xf32, #tpu.memory_space<vmem>>) dst(%dma_wait3A_64 : memref<10240xf32, #tpu.memory_space<vmem_shared>>)
    %dma_wait3A_65 = arith.constant 0 : i32
    %dma_wait3A_66 = tpu.memref_slice %arg25[%dma_wait3A_65] : memref<10240xf32, #tpu.memory_space<vmem_shared>> -> memref<10240xf32, #tpu.memory_space<vmem_shared>>
    tpu.wait_indirect_dma semaphore(%arg23 : memref<!tpu.dma_semaphore, #tpu.memory_space<semaphore_mem>>) src(%arg18 : memref<5120xf32, #tpu.memory_space<vmem>>) dst(%dma_wait3A_66 : memref<10240xf32, #tpu.memory_space<vmem_shared>>)
    %barrier3A_67 = arith.constant 0 : index
    tpu.barrier barrier_id(%barrier3A_67)
    "tpu.region"() ({
      %run_scoped3A = tpu.sem_alloc : memref<!tpu.dma_semaphore, #tpu.memory_space<semaphore_mem>>
      %dma_start3A_68 = tpu.memref_slice %arg6[%arg0, %mul3A_2] : memref<2x10240xf32, #tpu.memory_space<hbm>> -> memref<1x640xf32, #tpu.memory_space<hbm>>
      %dma_start3A_69 = tpu.memref_squeeze %dma_start3A_68 : memref<1x640xf32, #tpu.memory_space<hbm>> -> memref<640xf32, #tpu.memory_space<hbm>>
      %dma_start3A_70 = tpu.memref_slice %arg24[%mul3A_2] : memref<10240xf32, #tpu.memory_space<vmem_shared>> -> memref<640xf32, #tpu.memory_space<vmem_shared>>
      tpu.enqueue_dma source(%dma_start3A_70 : memref<640xf32, #tpu.memory_space<vmem_shared>>) target(%dma_start3A_69 : memref<640xf32, #tpu.memory_space<hbm>>) target_semaphore(%run_scoped3A : memref<!tpu.dma_semaphore, #tpu.memory_space<semaphore_mem>>)
      %dma_wait3A_71 = tpu.memref_slice %arg6[%arg0, %mul3A_2] : memref<2x10240xf32, #tpu.memory_space<hbm>> -> memref<1x640xf32, #tpu.memory_space<hbm>>
      %dma_wait3A_72 = tpu.memref_squeeze %dma_wait3A_71 : memref<1x640xf32, #tpu.memory_space<hbm>> -> memref<640xf32, #tpu.memory_space<hbm>>
      %dma_wait3A_73 = tpu.memref_slice %arg24[%mul3A_2] : memref<10240xf32, #tpu.memory_space<vmem_shared>> -> memref<640xf32, #tpu.memory_space<vmem_shared>>
      tpu.wait_dma2 semaphore(%run_scoped3A : memref<!tpu.dma_semaphore, #tpu.memory_space<semaphore_mem>>) src(%dma_wait3A_73 : memref<640xf32, #tpu.memory_space<vmem_shared>>) dst(%dma_wait3A_72 : memref<640xf32, #tpu.memory_space<hbm>>)
      tpu.yield
    }) : () -> ()
    "tpu.region"() ({
      %run_scoped3A = tpu.sem_alloc : memref<!tpu.dma_semaphore, #tpu.memory_space<semaphore_mem>>
      %dma_start3A_68 = tpu.memref_slice %arg7[%arg0, %mul3A_2] : memref<2x10240xf32, #tpu.memory_space<hbm>> -> memref<1x640xf32, #tpu.memory_space<hbm>>
      %dma_start3A_69 = tpu.memref_squeeze %dma_start3A_68 : memref<1x640xf32, #tpu.memory_space<hbm>> -> memref<640xf32, #tpu.memory_space<hbm>>
      %dma_start3A_70 = tpu.memref_slice %arg25[%mul3A_2] : memref<10240xf32, #tpu.memory_space<vmem_shared>> -> memref<640xf32, #tpu.memory_space<vmem_shared>>
      tpu.enqueue_dma source(%dma_start3A_70 : memref<640xf32, #tpu.memory_space<vmem_shared>>) target(%dma_start3A_69 : memref<640xf32, #tpu.memory_space<hbm>>) target_semaphore(%run_scoped3A : memref<!tpu.dma_semaphore, #tpu.memory_space<semaphore_mem>>)
      %dma_wait3A_71 = tpu.memref_slice %arg7[%arg0, %mul3A_2] : memref<2x10240xf32, #tpu.memory_space<hbm>> -> memref<1x640xf32, #tpu.memory_space<hbm>>
      %dma_wait3A_72 = tpu.memref_squeeze %dma_wait3A_71 : memref<1x640xf32, #tpu.memory_space<hbm>> -> memref<640xf32, #tpu.memory_space<hbm>>
      %dma_wait3A_73 = tpu.memref_slice %arg25[%mul3A_2] : memref<10240xf32, #tpu.memory_space<vmem_shared>> -> memref<640xf32, #tpu.memory_space<vmem_shared>>
      tpu.wait_dma2 semaphore(%run_scoped3A : memref<!tpu.dma_semaphore, #tpu.memory_space<semaphore_mem>>) src(%dma_wait3A_73 : memref<640xf32, #tpu.memory_space<vmem_shared>>) dst(%dma_wait3A_72 : memref<640xf32, #tpu.memory_space<hbm>>)
      tpu.yield
    }) : () -> ()
    return
  }
}

#map = affine_map<(d0, d1) -> (0)>
#map1 = affine_map<(d0, d1) -> (0, 0)>
module attributes {stable_mosaic.version = 14 : i64} {
  func.func @_sc2b_body(%arg0: i32, %arg1: i32, %arg2: memref<327680xi32, #tpu.memory_space<hbm>>, %arg3: memref<327680xi32, #tpu.memory_space<hbm>>, %arg4: memref<327680xf32, #tpu.memory_space<hbm>>, %arg5: memref<2x10240xf32, #tpu.memory_space<hbm>>, %arg6: memref<10240xf32, #tpu.memory_space<hbm>>, %arg7: memref<5120xf32, #tpu.memory_space<hbm>>, %arg8: memref<2x10240xf32, #tpu.memory_space<hbm>>, %arg9: memref<10240xf32, #tpu.memory_space<vmem>>, %arg10: memref<5120xi32, #tpu.memory_space<vmem>>, %arg11: memref<5120xi32, #tpu.memory_space<vmem>>, %arg12: memref<5120xi32, #tpu.memory_space<vmem>>, %arg13: memref<5120xi32, #tpu.memory_space<vmem>>, %arg14: memref<5120xf32, #tpu.memory_space<vmem>>, %arg15: memref<5120xf32, #tpu.memory_space<vmem>>, %arg16: memref<5120xf32, #tpu.memory_space<vmem>>, %arg17: memref<5120xf32, #tpu.memory_space<vmem>>, %arg18: memref<640xf32, #tpu.memory_space<vmem>>, %arg19: memref<640xf32, #tpu.memory_space<vmem>>, %arg20: memref<5120xf32, #tpu.memory_space<vmem>>, %arg21: memref<!tpu.dma_semaphore, #tpu.memory_space<semaphore_mem>>, %arg22: memref<!tpu.dma_semaphore, #tpu.memory_space<semaphore_mem>>, %arg23: memref<!tpu.dma_semaphore, #tpu.memory_space<semaphore_mem>>, %arg24: memref<!tpu.dma_semaphore, #tpu.memory_space<semaphore_mem>>, %arg25: memref<10240xf32, #tpu.memory_space<vmem_shared>>, %arg26: memref<10240xf32, #tpu.memory_space<vmem_shared>>) attributes {dimension_semantics = [#tpu.dimension_semantics<core_parallel>, #tpu.dimension_semantics<subcore_parallel>], iteration_bounds = array<i64: 2, 16>, scalar_prefetch = 0 : i64, scratch_operands = 18 : i64, tpu.core_type = #tpu.core_type<sc_vector_subcore>, window_params = [{transform_indices = #map}, {transform_indices = #map}, {transform_indices = #map}, {transform_indices = #map1}, {transform_indices = #map}, {transform_indices = #map}, {transform_indices = #map1}]} {
    %mul3A = arith.constant 16 : i32
    %mul3A_0 = arith.muli %arg0, %mul3A : i32
    %add3A = arith.addi %mul3A_0, %arg1 : i32
    %mul3A_1 = arith.constant 640 : i32
    %mul3A_2 = arith.muli %arg1, %mul3A_1 : i32
    %mul3A_3 = arith.constant 10240 : i32
    %mul3A_4 = arith.muli %add3A, %mul3A_3 : i32
    "tpu.region"() ({
      %run_scoped3A_75 = tpu.sem_alloc : memref<!tpu.dma_semaphore, #tpu.memory_space<semaphore_mem>>
      tpu.enqueue_dma source(%arg7 : memref<5120xf32, #tpu.memory_space<hbm>>) target(%arg20 : memref<5120xf32, #tpu.memory_space<vmem>>) target_semaphore(%run_scoped3A_75 : memref<!tpu.dma_semaphore, #tpu.memory_space<semaphore_mem>>)
      tpu.wait_dma2 semaphore(%run_scoped3A_75 : memref<!tpu.dma_semaphore, #tpu.memory_space<semaphore_mem>>) src(%arg7 : memref<5120xf32, #tpu.memory_space<hbm>>) dst(%arg20 : memref<5120xf32, #tpu.memory_space<vmem>>)
      tpu.yield
    }) : () -> ()
    %scan3A = arith.constant 0 : i32
    %scan3A_5 = arith.constant 0 : i32
    %scan3A_6 = arith.constant 40 : i32
    %scan3A_7 = arith.addi %scan3A_5, %scan3A_6 : i32
    %scan3A_8 = arith.constant 1 : i32
    %scan3A_9 = scf.for %scan3A_75 = %scan3A_5 to %scan3A_7 step %scan3A_8 iter_args(%scan3A_76 = %scan3A) -> (i32)  : i32 {
      %broadcast_in_dim3A = arith.constant 0.000000e+00 : f32
      %broadcast_in_dim3A_77 = vector.broadcast %broadcast_in_dim3A : f32 to vector<16xf32>
      %mul3A_78 = arith.constant 16 : i32
      %mul3A_79 = arith.muli %scan3A_75, %mul3A_78 : i32
      %swap3A = arith.index_cast %mul3A_79 : i32 to index
      %swap3A_80 = tpu.vector_load %arg18[%swap3A] {strides = array<i32>} : memref<640xf32, #tpu.memory_space<vmem>>, vector<16xf32>,
      tpu.vector_store %arg18[%swap3A], %broadcast_in_dim3A_77 {strides = array<i32>} : memref<640xf32, #tpu.memory_space<vmem>>, vector<16xf32>,
      %scan3A_81 = arith.constant 0 : i32
      scf.yield %scan3A_81 : i32
    }
    %scan3A_10 = arith.constant 40 : i32
    "tpu.region"() ({
      %run_scoped3A_75 = tpu.sem_alloc : memref<!tpu.dma_semaphore, #tpu.memory_space<semaphore_mem>>
      %dma_start3A_76 = tpu.memref_slice %arg25[%mul3A_2] : memref<10240xf32, #tpu.memory_space<vmem_shared>> -> memref<640xf32, #tpu.memory_space<vmem_shared>>
      %dma_start3A_77 = tpu.memref_slice %arg25[%mul3A_2] : memref<10240xf32, #tpu.memory_space<vmem_shared>> -> memref<640xf32, #tpu.memory_space<vmem_shared>>
      tpu.enqueue_dma source(%arg18 : memref<640xf32, #tpu.memory_space<vmem>>) target(%dma_start3A_77 : memref<640xf32, #tpu.memory_space<vmem_shared>>) target_semaphore(%run_scoped3A_75 : memref<!tpu.dma_semaphore, #tpu.memory_space<semaphore_mem>>)
      %dma_wait3A_78 = tpu.memref_slice %arg25[%mul3A_2] : memref<10240xf32, #tpu.memory_space<vmem_shared>> -> memref<640xf32, #tpu.memory_space<vmem_shared>>
      %dma_wait3A_79 = tpu.memref_slice %arg25[%mul3A_2] : memref<10240xf32, #tpu.memory_space<vmem_shared>> -> memref<640xf32, #tpu.memory_space<vmem_shared>>
      tpu.wait_dma2 semaphore(%run_scoped3A_75 : memref<!tpu.dma_semaphore, #tpu.memory_space<semaphore_mem>>) src(%arg18 : memref<640xf32, #tpu.memory_space<vmem>>) dst(%dma_wait3A_79 : memref<640xf32, #tpu.memory_space<vmem_shared>>)
      tpu.yield
    }) : () -> ()
    %run_scoped3A = arith.constant 0 : i32
    "tpu.region"() ({
      %run_scoped3A_75 = tpu.sem_alloc : memref<!tpu.dma_semaphore, #tpu.memory_space<semaphore_mem>>
      %dma_start3A_76 = tpu.memref_slice %arg5[%run_scoped3A, %mul3A_2] : memref<2x10240xf32, #tpu.memory_space<hbm>> -> memref<1x640xf32, #tpu.memory_space<hbm>>
      %dma_start3A_77 = tpu.memref_squeeze %dma_start3A_76 : memref<1x640xf32, #tpu.memory_space<hbm>> -> memref<640xf32, #tpu.memory_space<hbm>>
      %dma_start3A_78 = tpu.memref_slice %arg5[%run_scoped3A, %mul3A_2] : memref<2x10240xf32, #tpu.memory_space<hbm>> -> memref<1x640xf32, #tpu.memory_space<hbm>>
      %dma_start3A_79 = tpu.memref_squeeze %dma_start3A_78 : memref<1x640xf32, #tpu.memory_space<hbm>> -> memref<640xf32, #tpu.memory_space<hbm>>
      tpu.enqueue_dma source(%dma_start3A_79 : memref<640xf32, #tpu.memory_space<hbm>>) target(%arg18 : memref<640xf32, #tpu.memory_space<vmem>>) target_semaphore(%run_scoped3A_75 : memref<!tpu.dma_semaphore, #tpu.memory_space<semaphore_mem>>)
      %dma_wait3A_80 = tpu.memref_slice %arg5[%run_scoped3A, %mul3A_2] : memref<2x10240xf32, #tpu.memory_space<hbm>> -> memref<1x640xf32, #tpu.memory_space<hbm>>
      %dma_wait3A_81 = tpu.memref_squeeze %dma_wait3A_80 : memref<1x640xf32, #tpu.memory_space<hbm>> -> memref<640xf32, #tpu.memory_space<hbm>>
      %dma_wait3A_82 = tpu.memref_slice %arg5[%run_scoped3A, %mul3A_2] : memref<2x10240xf32, #tpu.memory_space<hbm>> -> memref<1x640xf32, #tpu.memory_space<hbm>>
      %dma_wait3A_83 = tpu.memref_squeeze %dma_wait3A_82 : memref<1x640xf32, #tpu.memory_space<hbm>> -> memref<640xf32, #tpu.memory_space<hbm>>
      tpu.wait_dma2 semaphore(%run_scoped3A_75 : memref<!tpu.dma_semaphore, #tpu.memory_space<semaphore_mem>>) src(%dma_wait3A_83 : memref<640xf32, #tpu.memory_space<hbm>>) dst(%arg18 : memref<640xf32, #tpu.memory_space<vmem>>)
      tpu.yield
    }) : () -> ()
    %run_scoped3A_11 = arith.constant 1 : i32
    "tpu.region"() ({
      %run_scoped3A_75 = tpu.sem_alloc : memref<!tpu.dma_semaphore, #tpu.memory_space<semaphore_mem>>
      %dma_start3A_76 = tpu.memref_slice %arg5[%run_scoped3A_11, %mul3A_2] : memref<2x10240xf32, #tpu.memory_space<hbm>> -> memref<1x640xf32, #tpu.memory_space<hbm>>
      %dma_start3A_77 = tpu.memref_squeeze %dma_start3A_76 : memref<1x640xf32, #tpu.memory_space<hbm>> -> memref<640xf32, #tpu.memory_space<hbm>>
      %dma_start3A_78 = tpu.memref_slice %arg5[%run_scoped3A_11, %mul3A_2] : memref<2x10240xf32, #tpu.memory_space<hbm>> -> memref<1x640xf32, #tpu.memory_space<hbm>>
      %dma_start3A_79 = tpu.memref_squeeze %dma_start3A_78 : memref<1x640xf32, #tpu.memory_space<hbm>> -> memref<640xf32, #tpu.memory_space<hbm>>
      tpu.enqueue_dma source(%dma_start3A_79 : memref<640xf32, #tpu.memory_space<hbm>>) target(%arg19 : memref<640xf32, #tpu.memory_space<vmem>>) target_semaphore(%run_scoped3A_75 : memref<!tpu.dma_semaphore, #tpu.memory_space<semaphore_mem>>)
      %dma_wait3A_80 = tpu.memref_slice %arg5[%run_scoped3A_11, %mul3A_2] : memref<2x10240xf32, #tpu.memory_space<hbm>> -> memref<1x640xf32, #tpu.memory_space<hbm>>
      %dma_wait3A_81 = tpu.memref_squeeze %dma_wait3A_80 : memref<1x640xf32, #tpu.memory_space<hbm>> -> memref<640xf32, #tpu.memory_space<hbm>>
      %dma_wait3A_82 = tpu.memref_slice %arg5[%run_scoped3A_11, %mul3A_2] : memref<2x10240xf32, #tpu.memory_space<hbm>> -> memref<1x640xf32, #tpu.memory_space<hbm>>
      %dma_wait3A_83 = tpu.memref_squeeze %dma_wait3A_82 : memref<1x640xf32, #tpu.memory_space<hbm>> -> memref<640xf32, #tpu.memory_space<hbm>>
      tpu.wait_dma2 semaphore(%run_scoped3A_75 : memref<!tpu.dma_semaphore, #tpu.memory_space<semaphore_mem>>) src(%dma_wait3A_83 : memref<640xf32, #tpu.memory_space<hbm>>) dst(%arg19 : memref<640xf32, #tpu.memory_space<vmem>>)
      tpu.yield
    }) : () -> ()
    %scan3A_12 = arith.constant 0 : i32
    %scan3A_13 = arith.constant 0 : i32
    %scan3A_14 = arith.constant 40 : i32
    %scan3A_15 = arith.addi %scan3A_13, %scan3A_14 : i32
    %scan3A_16 = arith.constant 1 : i32
    %scan3A_17 = scf.for %scan3A_75 = %scan3A_13 to %scan3A_15 step %scan3A_16 iter_args(%scan3A_76 = %scan3A_12) -> (i32)  : i32 {
      %mul3A_77 = arith.constant 16 : i32
      %mul3A_78 = arith.muli %scan3A_75, %mul3A_77 : i32
      %get3A = arith.index_cast %mul3A_78 : i32 to index
      %get3A_79 = tpu.vector_load %arg18[%get3A] {strides = array<i32>} : memref<640xf32, #tpu.memory_space<vmem>>, vector<16xf32>,
      %get3A_80 = arith.index_cast %mul3A_78 : i32 to index
      %get3A_81 = tpu.vector_load %arg19[%get3A_80] {strides = array<i32>} : memref<640xf32, #tpu.memory_space<vmem>>, vector<16xf32>,
      %add3A_82 = arith.addf %get3A_79, %get3A_81 : vector<16xf32>
      %swap3A = arith.index_cast %mul3A_78 : i32 to index
      %swap3A_83 = tpu.vector_load %arg18[%swap3A] {strides = array<i32>} : memref<640xf32, #tpu.memory_space<vmem>>, vector<16xf32>,
      tpu.vector_store %arg18[%swap3A], %add3A_82 {strides = array<i32>} : memref<640xf32, #tpu.memory_space<vmem>>, vector<16xf32>,
      %scan3A_84 = arith.constant 0 : i32
      scf.yield %scan3A_84 : i32
    }
    %scan3A_18 = arith.constant 40 : i32
    "tpu.region"() ({
      %run_scoped3A_75 = tpu.sem_alloc : memref<!tpu.dma_semaphore, #tpu.memory_space<semaphore_mem>>
      %dma_start3A_76 = tpu.memref_slice %arg6[%mul3A_2] : memref<10240xf32, #tpu.memory_space<hbm>> -> memref<640xf32, #tpu.memory_space<hbm>>
      %dma_start3A_77 = tpu.memref_slice %arg6[%mul3A_2] : memref<10240xf32, #tpu.memory_space<hbm>> -> memref<640xf32, #tpu.memory_space<hbm>>
      tpu.enqueue_dma source(%dma_start3A_77 : memref<640xf32, #tpu.memory_space<hbm>>) target(%arg19 : memref<640xf32, #tpu.memory_space<vmem>>) target_semaphore(%run_scoped3A_75 : memref<!tpu.dma_semaphore, #tpu.memory_space<semaphore_mem>>)
      %dma_wait3A_78 = tpu.memref_slice %arg6[%mul3A_2] : memref<10240xf32, #tpu.memory_space<hbm>> -> memref<640xf32, #tpu.memory_space<hbm>>
      %dma_wait3A_79 = tpu.memref_slice %arg6[%mul3A_2] : memref<10240xf32, #tpu.memory_space<hbm>> -> memref<640xf32, #tpu.memory_space<hbm>>
      tpu.wait_dma2 semaphore(%run_scoped3A_75 : memref<!tpu.dma_semaphore, #tpu.memory_space<semaphore_mem>>) src(%dma_wait3A_79 : memref<640xf32, #tpu.memory_space<hbm>>) dst(%arg19 : memref<640xf32, #tpu.memory_space<vmem>>)
      tpu.yield
    }) : () -> ()
    %scan3A_19 = arith.constant 0 : i32
    %scan3A_20 = arith.constant 0 : i32
    %scan3A_21 = arith.constant 5 : i32
    %scan3A_22 = arith.addi %scan3A_20, %scan3A_21 : i32
    %scan3A_23 = arith.constant 1 : i32
    %scan3A_24 = scf.for %scan3A_75 = %scan3A_20 to %scan3A_22 step %scan3A_23 iter_args(%scan3A_76 = %scan3A_19) -> (i32)  : i32 {
      %mul3A_77 = arith.constant 128 : i32
      %mul3A_78 = arith.muli %scan3A_75, %mul3A_77 : i32
      %add3A_79 = arith.constant 0 : i32
      %add3A_80 = arith.addi %mul3A_78, %add3A_79 : i32
      %get3A = arith.index_cast %add3A_80 : i32 to index
      %get3A_81 = tpu.vector_load %arg18[%get3A] {strides = array<i32>} : memref<640xf32, #tpu.memory_space<vmem>>, vector<16xf32>,
      %add3A_82 = arith.constant 16 : i32
      %add3A_83 = arith.addi %mul3A_78, %add3A_82 : i32
      %get3A_84 = arith.index_cast %add3A_83 : i32 to index
      %get3A_85 = tpu.vector_load %arg18[%get3A_84] {strides = array<i32>} : memref<640xf32, #tpu.memory_space<vmem>>, vector<16xf32>,
      %add3A_86 = arith.constant 32 : i32
      %add3A_87 = arith.addi %mul3A_78, %add3A_86 : i32
      %get3A_88 = arith.index_cast %add3A_87 : i32 to index
      %get3A_89 = tpu.vector_load %arg18[%get3A_88] {strides = array<i32>} : memref<640xf32, #tpu.memory_space<vmem>>, vector<16xf32>,
      %add3A_90 = arith.constant 48 : i32
      %add3A_91 = arith.addi %mul3A_78, %add3A_90 : i32
      %get3A_92 = arith.index_cast %add3A_91 : i32 to index
      %get3A_93 = tpu.vector_load %arg18[%get3A_92] {strides = array<i32>} : memref<640xf32, #tpu.memory_space<vmem>>, vector<16xf32>,
      %add3A_94 = arith.constant 64 : i32
      %add3A_95 = arith.addi %mul3A_78, %add3A_94 : i32
      %get3A_96 = arith.index_cast %add3A_95 : i32 to index
      %get3A_97 = tpu.vector_load %arg18[%get3A_96] {strides = array<i32>} : memref<640xf32, #tpu.memory_space<vmem>>, vector<16xf32>,
      %add3A_98 = arith.constant 80 : i32
      %add3A_99 = arith.addi %mul3A_78, %add3A_98 : i32
      %get3A_100 = arith.index_cast %add3A_99 : i32 to index
      %get3A_101 = tpu.vector_load %arg18[%get3A_100] {strides = array<i32>} : memref<640xf32, #tpu.memory_space<vmem>>, vector<16xf32>,
      %add3A_102 = arith.constant 96 : i32
      %add3A_103 = arith.addi %mul3A_78, %add3A_102 : i32
      %get3A_104 = arith.index_cast %add3A_103 : i32 to index
      %get3A_105 = tpu.vector_load %arg18[%get3A_104] {strides = array<i32>} : memref<640xf32, #tpu.memory_space<vmem>>, vector<16xf32>,
      %add3A_106 = arith.constant 112 : i32
      %add3A_107 = arith.addi %mul3A_78, %add3A_106 : i32
      %get3A_108 = arith.index_cast %add3A_107 : i32 to index
      %get3A_109 = tpu.vector_load %arg18[%get3A_108] {strides = array<i32>} : memref<640xf32, #tpu.memory_space<vmem>>, vector<16xf32>,
      %add3A_110 = arith.constant 0 : i32
      %add3A_111 = arith.addi %mul3A_78, %add3A_110 : i32
      %get3A_112 = arith.index_cast %add3A_111 : i32 to index
      %get3A_113 = tpu.vector_load %arg19[%get3A_112] {strides = array<i32>} : memref<640xf32, #tpu.memory_space<vmem>>, vector<16xf32>,
      %add3A_114 = arith.constant 16 : i32
      %add3A_115 = arith.addi %mul3A_78, %add3A_114 : i32
      %get3A_116 = arith.index_cast %add3A_115 : i32 to index
      %get3A_117 = tpu.vector_load %arg19[%get3A_116] {strides = array<i32>} : memref<640xf32, #tpu.memory_space<vmem>>, vector<16xf32>,
      %add3A_118 = arith.constant 32 : i32
      %add3A_119 = arith.addi %mul3A_78, %add3A_118 : i32
      %get3A_120 = arith.index_cast %add3A_119 : i32 to index
      %get3A_121 = tpu.vector_load %arg19[%get3A_120] {strides = array<i32>} : memref<640xf32, #tpu.memory_space<vmem>>, vector<16xf32>,
      %add3A_122 = arith.constant 48 : i32
      %add3A_123 = arith.addi %mul3A_78, %add3A_122 : i32
      %get3A_124 = arith.index_cast %add3A_123 : i32 to index
      %get3A_125 = tpu.vector_load %arg19[%get3A_124] {strides = array<i32>} : memref<640xf32, #tpu.memory_space<vmem>>, vector<16xf32>,
      %add3A_126 = arith.constant 64 : i32
      %add3A_127 = arith.addi %mul3A_78, %add3A_126 : i32
      %get3A_128 = arith.index_cast %add3A_127 : i32 to index
      %get3A_129 = tpu.vector_load %arg19[%get3A_128] {strides = array<i32>} : memref<640xf32, #tpu.memory_space<vmem>>, vector<16xf32>,
      %add3A_130 = arith.constant 80 : i32
      %add3A_131 = arith.addi %mul3A_78, %add3A_130 : i32
      %get3A_132 = arith.index_cast %add3A_131 : i32 to index
      %get3A_133 = tpu.vector_load %arg19[%get3A_132] {strides = array<i32>} : memref<640xf32, #tpu.memory_space<vmem>>, vector<16xf32>,
      %add3A_134 = arith.constant 96 : i32
      %add3A_135 = arith.addi %mul3A_78, %add3A_134 : i32
      %get3A_136 = arith.index_cast %add3A_135 : i32 to index
      %get3A_137 = tpu.vector_load %arg19[%get3A_136] {strides = array<i32>} : memref<640xf32, #tpu.memory_space<vmem>>, vector<16xf32>,
      %add3A_138 = arith.constant 112 : i32
      %add3A_139 = arith.addi %mul3A_78, %add3A_138 : i32
      %get3A_140 = arith.index_cast %add3A_139 : i32 to index
      %get3A_141 = tpu.vector_load %arg19[%get3A_140] {strides = array<i32>} : memref<640xf32, #tpu.memory_space<vmem>>, vector<16xf32>,
      %broadcast_in_dim3A = arith.constant 0.000000e+00 : f32
      %broadcast_in_dim3A_142 = vector.broadcast %broadcast_in_dim3A : f32 to vector<16xf32>
      %broadcast_in_dim3A_143 = arith.constant 0.000000e+00 : f32
      %broadcast_in_dim3A_144 = vector.broadcast %broadcast_in_dim3A_143 : f32 to vector<16xf32>
      %broadcast_in_dim3A_145 = arith.constant 0.000000e+00 : f32
      %broadcast_in_dim3A_146 = vector.broadcast %broadcast_in_dim3A_145 : f32 to vector<16xf32>
      %broadcast_in_dim3A_147 = arith.constant 0.000000e+00 : f32
      %broadcast_in_dim3A_148 = vector.broadcast %broadcast_in_dim3A_147 : f32 to vector<16xf32>
      %broadcast_in_dim3A_149 = arith.constant 0.000000e+00 : f32
      %broadcast_in_dim3A_150 = vector.broadcast %broadcast_in_dim3A_149 : f32 to vector<16xf32>
      %broadcast_in_dim3A_151 = arith.constant 0.000000e+00 : f32
      %broadcast_in_dim3A_152 = vector.broadcast %broadcast_in_dim3A_151 : f32 to vector<16xf32>
      %broadcast_in_dim3A_153 = arith.constant 0.000000e+00 : f32
      %broadcast_in_dim3A_154 = vector.broadcast %broadcast_in_dim3A_153 : f32 to vector<16xf32>
      %broadcast_in_dim3A_155 = arith.constant 0.000000e+00 : f32
      %broadcast_in_dim3A_156 = vector.broadcast %broadcast_in_dim3A_155 : f32 to vector<16xf32>
      %scan3A_157 = arith.constant 0 : i32
      %scan3A_158 = arith.constant 64 : i32
      %scan3A_159 = arith.addi %scan3A_157, %scan3A_158 : i32
      %scan3A_160 = arith.constant 1 : i32
      %scan3A_161:8 = scf.for %scan3A_228 = %scan3A_157 to %scan3A_159 step %scan3A_160 iter_args(%scan3A_229 = %broadcast_in_dim3A_142, %scan3A_230 = %broadcast_in_dim3A_144, %scan3A_231 = %broadcast_in_dim3A_146, %scan3A_232 = %broadcast_in_dim3A_148, %scan3A_233 = %broadcast_in_dim3A_150, %scan3A_234 = %broadcast_in_dim3A_152, %scan3A_235 = %broadcast_in_dim3A_154, %scan3A_236 = %broadcast_in_dim3A_156) -> (vector<16xf32>, vector<16xf32>, vector<16xf32>, vector<16xf32>, vector<16xf32>, vector<16xf32>, vector<16xf32>, vector<16xf32>)  : i32 {
        %mul3A_237 = arith.constant 16 : i32
        %mul3A_238 = arith.muli %scan3A_228, %mul3A_237 : i32
        %get3A_239 = arith.index_cast %mul3A_238 : i32 to index
        %get3A_240 = tpu.vector_load %arg20[%get3A_239] {strides = array<i32>} : memref<5120xf32, #tpu.memory_space<vmem>>, vector<16xf32>,
        %add3A_241 = arith.constant 1024 : i32
        %add3A_242 = arith.addi %add3A_241, %mul3A_238 : i32
        %get3A_243 = arith.index_cast %add3A_242 : i32 to index
        %get3A_244 = tpu.vector_load %arg20[%get3A_243] {strides = array<i32>} : memref<5120xf32, #tpu.memory_space<vmem>>, vector<16xf32>,
        %add3A_245 = arith.constant 2048 : i32
        %add3A_246 = arith.addi %add3A_245, %mul3A_238 : i32
        %get3A_247 = arith.index_cast %add3A_246 : i32 to index
        %get3A_248 = tpu.vector_load %arg20[%get3A_247] {strides = array<i32>} : memref<5120xf32, #tpu.memory_space<vmem>>, vector<16xf32>,
        %add3A_249 = arith.constant 3072 : i32
        %add3A_250 = arith.addi %add3A_249, %mul3A_238 : i32
        %get3A_251 = arith.index_cast %add3A_250 : i32 to index
        %get3A_252 = tpu.vector_load %arg20[%get3A_251] {strides = array<i32>} : memref<5120xf32, #tpu.memory_space<vmem>>, vector<16xf32>,
        %mul3A_253 = arith.mulf %get3A_81, %get3A_240 : vector<16xf32>
        %mul3A_254 = arith.mulf %get3A_113, %get3A_244 : vector<16xf32>
        %add3A_255 = arith.addf %mul3A_253, %mul3A_254 : vector<16xf32>
        %add3A_256 = arith.addf %add3A_255, %get3A_248 : vector<16xf32>
        %max3A_257 = arith.constant 0.000000e+00 : f32
        %max3A_258 = vector.broadcast %max3A_257 : f32 to vector<16xf32>
        %max3A_259 = arith.maximumf %add3A_256, %max3A_258 : vector<16xf32>
        %mul3A_260 = arith.mulf %max3A_259, %get3A_252 : vector<16xf32>
        %add3A_261 = arith.addf %scan3A_229, %mul3A_260 : vector<16xf32>
        %mul3A_262 = arith.mulf %get3A_85, %get3A_240 : vector<16xf32>
        %mul3A_263 = arith.mulf %get3A_117, %get3A_244 : vector<16xf32>
        %add3A_264 = arith.addf %mul3A_262, %mul3A_263 : vector<16xf32>
        %add3A_265 = arith.addf %add3A_264, %get3A_248 : vector<16xf32>
        %max3A_266 = arith.constant 0.000000e+00 : f32
        %max3A_267 = vector.broadcast %max3A_266 : f32 to vector<16xf32>
        %max3A_268 = arith.maximumf %add3A_265, %max3A_267 : vector<16xf32>
        %mul3A_269 = arith.mulf %max3A_268, %get3A_252 : vector<16xf32>
        %add3A_270 = arith.addf %scan3A_230, %mul3A_269 : vector<16xf32>
        %mul3A_271 = arith.mulf %get3A_89, %get3A_240 : vector<16xf32>
        %mul3A_272 = arith.mulf %get3A_121, %get3A_244 : vector<16xf32>
        %add3A_273 = arith.addf %mul3A_271, %mul3A_272 : vector<16xf32>
        %add3A_274 = arith.addf %add3A_273, %get3A_248 : vector<16xf32>
        %max3A_275 = arith.constant 0.000000e+00 : f32
        %max3A_276 = vector.broadcast %max3A_275 : f32 to vector<16xf32>
        %max3A_277 = arith.maximumf %add3A_274, %max3A_276 : vector<16xf32>
        %mul3A_278 = arith.mulf %max3A_277, %get3A_252 : vector<16xf32>
        %add3A_279 = arith.addf %scan3A_231, %mul3A_278 : vector<16xf32>
        %mul3A_280 = arith.mulf %get3A_93, %get3A_240 : vector<16xf32>
        %mul3A_281 = arith.mulf %get3A_125, %get3A_244 : vector<16xf32>
        %add3A_282 = arith.addf %mul3A_280, %mul3A_281 : vector<16xf32>
        %add3A_283 = arith.addf %add3A_282, %get3A_248 : vector<16xf32>
        %max3A_284 = arith.constant 0.000000e+00 : f32
        %max3A_285 = vector.broadcast %max3A_284 : f32 to vector<16xf32>
        %max3A_286 = arith.maximumf %add3A_283, %max3A_285 : vector<16xf32>
        %mul3A_287 = arith.mulf %max3A_286, %get3A_252 : vector<16xf32>
        %add3A_288 = arith.addf %scan3A_232, %mul3A_287 : vector<16xf32>
        %mul3A_289 = arith.mulf %get3A_97, %get3A_240 : vector<16xf32>
        %mul3A_290 = arith.mulf %get3A_129, %get3A_244 : vector<16xf32>
        %add3A_291 = arith.addf %mul3A_289, %mul3A_290 : vector<16xf32>
        %add3A_292 = arith.addf %add3A_291, %get3A_248 : vector<16xf32>
        %max3A_293 = arith.constant 0.000000e+00 : f32
        %max3A_294 = vector.broadcast %max3A_293 : f32 to vector<16xf32>
        %max3A_295 = arith.maximumf %add3A_292, %max3A_294 : vector<16xf32>
        %mul3A_296 = arith.mulf %max3A_295, %get3A_252 : vector<16xf32>
        %add3A_297 = arith.addf %scan3A_233, %mul3A_296 : vector<16xf32>
        %mul3A_298 = arith.mulf %get3A_101, %get3A_240 : vector<16xf32>
        %mul3A_299 = arith.mulf %get3A_133, %get3A_244 : vector<16xf32>
        %add3A_300 = arith.addf %mul3A_298, %mul3A_299 : vector<16xf32>
        %add3A_301 = arith.addf %add3A_300, %get3A_248 : vector<16xf32>
        %max3A_302 = arith.constant 0.000000e+00 : f32
        %max3A_303 = vector.broadcast %max3A_302 : f32 to vector<16xf32>
        %max3A_304 = arith.maximumf %add3A_301, %max3A_303 : vector<16xf32>
        %mul3A_305 = arith.mulf %max3A_304, %get3A_252 : vector<16xf32>
        %add3A_306 = arith.addf %scan3A_234, %mul3A_305 : vector<16xf32>
        %mul3A_307 = arith.mulf %get3A_105, %get3A_240 : vector<16xf32>
        %mul3A_308 = arith.mulf %get3A_137, %get3A_244 : vector<16xf32>
        %add3A_309 = arith.addf %mul3A_307, %mul3A_308 : vector<16xf32>
        %add3A_310 = arith.addf %add3A_309, %get3A_248 : vector<16xf32>
        %max3A_311 = arith.constant 0.000000e+00 : f32
        %max3A_312 = vector.broadcast %max3A_311 : f32 to vector<16xf32>
        %max3A_313 = arith.maximumf %add3A_310, %max3A_312 : vector<16xf32>
        %mul3A_314 = arith.mulf %max3A_313, %get3A_252 : vector<16xf32>
        %add3A_315 = arith.addf %scan3A_235, %mul3A_314 : vector<16xf32>
        %mul3A_316 = arith.mulf %get3A_109, %get3A_240 : vector<16xf32>
        %mul3A_317 = arith.mulf %get3A_141, %get3A_244 : vector<16xf32>
        %add3A_318 = arith.addf %mul3A_316, %mul3A_317 : vector<16xf32>
        %add3A_319 = arith.addf %add3A_318, %get3A_248 : vector<16xf32>
        %max3A_320 = arith.constant 0.000000e+00 : f32
        %max3A_321 = vector.broadcast %max3A_320 : f32 to vector<16xf32>
        %max3A_322 = arith.maximumf %add3A_319, %max3A_321 : vector<16xf32>
        %mul3A_323 = arith.mulf %max3A_322, %get3A_252 : vector<16xf32>
        %add3A_324 = arith.addf %scan3A_236, %mul3A_323 : vector<16xf32>
        scf.yield %add3A_261, %add3A_270, %add3A_279, %add3A_288, %add3A_297, %add3A_306, %add3A_315, %add3A_324 : vector<16xf32>, vector<16xf32>, vector<16xf32>, vector<16xf32>, vector<16xf32>, vector<16xf32>, vector<16xf32>, vector<16xf32>
      }
      %scan3A_162 = arith.constant 64 : i32
      %get3A_163 = arith.constant 4096 : index
      %get3A_164 = tpu.vector_load %arg20[%get3A_163] {strides = array<i32>} : memref<5120xf32, #tpu.memory_space<vmem>>, vector<16xf32>,
      %add3A_165 = arith.addf %scan3A_161#0, %get3A_164 : vector<16xf32>
      %max3A = arith.constant 0.000000e+00 : f32
      %max3A_166 = vector.broadcast %max3A : f32 to vector<16xf32>
      %max3A_167 = arith.maximumf %add3A_165, %max3A_166 : vector<16xf32>
      %add3A_168 = arith.constant 0 : i32
      %add3A_169 = arith.addi %mul3A_78, %add3A_168 : i32
      %swap3A = arith.index_cast %add3A_169 : i32 to index
      %swap3A_170 = tpu.vector_load %arg18[%swap3A] {strides = array<i32>} : memref<640xf32, #tpu.memory_space<vmem>>, vector<16xf32>,
      tpu.vector_store %arg18[%swap3A], %max3A_167 {strides = array<i32>} : memref<640xf32, #tpu.memory_space<vmem>>, vector<16xf32>,
      %add3A_171 = arith.addf %scan3A_161#1, %get3A_164 : vector<16xf32>
      %max3A_172 = arith.constant 0.000000e+00 : f32
      %max3A_173 = vector.broadcast %max3A_172 : f32 to vector<16xf32>
      %max3A_174 = arith.maximumf %add3A_171, %max3A_173 : vector<16xf32>
      %add3A_175 = arith.constant 16 : i32
      %add3A_176 = arith.addi %mul3A_78, %add3A_175 : i32
      %swap3A_177 = arith.index_cast %add3A_176 : i32 to index
      %swap3A_178 = tpu.vector_load %arg18[%swap3A_177] {strides = array<i32>} : memref<640xf32, #tpu.memory_space<vmem>>, vector<16xf32>,
      tpu.vector_store %arg18[%swap3A_177], %max3A_174 {strides = array<i32>} : memref<640xf32, #tpu.memory_space<vmem>>, vector<16xf32>,
      %add3A_179 = arith.addf %scan3A_161#2, %get3A_164 : vector<16xf32>
      %max3A_180 = arith.constant 0.000000e+00 : f32
      %max3A_181 = vector.broadcast %max3A_180 : f32 to vector<16xf32>
      %max3A_182 = arith.maximumf %add3A_179, %max3A_181 : vector<16xf32>
      %add3A_183 = arith.constant 32 : i32
      %add3A_184 = arith.addi %mul3A_78, %add3A_183 : i32
      %swap3A_185 = arith.index_cast %add3A_184 : i32 to index
      %swap3A_186 = tpu.vector_load %arg18[%swap3A_185] {strides = array<i32>} : memref<640xf32, #tpu.memory_space<vmem>>, vector<16xf32>,
      tpu.vector_store %arg18[%swap3A_185], %max3A_182 {strides = array<i32>} : memref<640xf32, #tpu.memory_space<vmem>>, vector<16xf32>,
      %add3A_187 = arith.addf %scan3A_161#3, %get3A_164 : vector<16xf32>
      %max3A_188 = arith.constant 0.000000e+00 : f32
      %max3A_189 = vector.broadcast %max3A_188 : f32 to vector<16xf32>
      %max3A_190 = arith.maximumf %add3A_187, %max3A_189 : vector<16xf32>
      %add3A_191 = arith.constant 48 : i32
      %add3A_192 = arith.addi %mul3A_78, %add3A_191 : i32
      %swap3A_193 = arith.index_cast %add3A_192 : i32 to index
      %swap3A_194 = tpu.vector_load %arg18[%swap3A_193] {strides = array<i32>} : memref<640xf32, #tpu.memory_space<vmem>>, vector<16xf32>,
      tpu.vector_store %arg18[%swap3A_193], %max3A_190 {strides = array<i32>} : memref<640xf32, #tpu.memory_space<vmem>>, vector<16xf32>,
      %add3A_195 = arith.addf %scan3A_161#4, %get3A_164 : vector<16xf32>
      %max3A_196 = arith.constant 0.000000e+00 : f32
      %max3A_197 = vector.broadcast %max3A_196 : f32 to vector<16xf32>
      %max3A_198 = arith.maximumf %add3A_195, %max3A_197 : vector<16xf32>
      %add3A_199 = arith.constant 64 : i32
      %add3A_200 = arith.addi %mul3A_78, %add3A_199 : i32
      %swap3A_201 = arith.index_cast %add3A_200 : i32 to index
      %swap3A_202 = tpu.vector_load %arg18[%swap3A_201] {strides = array<i32>} : memref<640xf32, #tpu.memory_space<vmem>>, vector<16xf32>,
      tpu.vector_store %arg18[%swap3A_201], %max3A_198 {strides = array<i32>} : memref<640xf32, #tpu.memory_space<vmem>>, vector<16xf32>,
      %add3A_203 = arith.addf %scan3A_161#5, %get3A_164 : vector<16xf32>
      %max3A_204 = arith.constant 0.000000e+00 : f32
      %max3A_205 = vector.broadcast %max3A_204 : f32 to vector<16xf32>
      %max3A_206 = arith.maximumf %add3A_203, %max3A_205 : vector<16xf32>
      %add3A_207 = arith.constant 80 : i32
      %add3A_208 = arith.addi %mul3A_78, %add3A_207 : i32
      %swap3A_209 = arith.index_cast %add3A_208 : i32 to index
      %swap3A_210 = tpu.vector_load %arg18[%swap3A_209] {strides = array<i32>} : memref<640xf32, #tpu.memory_space<vmem>>, vector<16xf32>,
      tpu.vector_store %arg18[%swap3A_209], %max3A_206 {strides = array<i32>} : memref<640xf32, #tpu.memory_space<vmem>>, vector<16xf32>,
      %add3A_211 = arith.addf %scan3A_161#6, %get3A_164 : vector<16xf32>
      %max3A_212 = arith.constant 0.000000e+00 : f32
      %max3A_213 = vector.broadcast %max3A_212 : f32 to vector<16xf32>
      %max3A_214 = arith.maximumf %add3A_211, %max3A_213 : vector<16xf32>
      %add3A_215 = arith.constant 96 : i32
      %add3A_216 = arith.addi %mul3A_78, %add3A_215 : i32
      %swap3A_217 = arith.index_cast %add3A_216 : i32 to index
      %swap3A_218 = tpu.vector_load %arg18[%swap3A_217] {strides = array<i32>} : memref<640xf32, #tpu.memory_space<vmem>>, vector<16xf32>,
      tpu.vector_store %arg18[%swap3A_217], %max3A_214 {strides = array<i32>} : memref<640xf32, #tpu.memory_space<vmem>>, vector<16xf32>,
      %add3A_219 = arith.addf %scan3A_161#7, %get3A_164 : vector<16xf32>
      %max3A_220 = arith.constant 0.000000e+00 : f32
      %max3A_221 = vector.broadcast %max3A_220 : f32 to vector<16xf32>
      %max3A_222 = arith.maximumf %add3A_219, %max3A_221 : vector<16xf32>
      %add3A_223 = arith.constant 112 : i32
      %add3A_224 = arith.addi %mul3A_78, %add3A_223 : i32
      %swap3A_225 = arith.index_cast %add3A_224 : i32 to index
      %swap3A_226 = tpu.vector_load %arg18[%swap3A_225] {strides = array<i32>} : memref<640xf32, #tpu.memory_space<vmem>>, vector<16xf32>,
      tpu.vector_store %arg18[%swap3A_225], %max3A_222 {strides = array<i32>} : memref<640xf32, #tpu.memory_space<vmem>>, vector<16xf32>,
      %scan3A_227 = arith.constant 0 : i32
      scf.yield %scan3A_227 : i32
    }
    %scan3A_25 = arith.constant 5 : i32
    "tpu.region"() ({
      %run_scoped3A_75 = tpu.sem_alloc : memref<!tpu.dma_semaphore, #tpu.memory_space<semaphore_mem>>
      %dma_start3A_76 = tpu.memref_slice %arg26[%mul3A_2] : memref<10240xf32, #tpu.memory_space<vmem_shared>> -> memref<640xf32, #tpu.memory_space<vmem_shared>>
      %dma_start3A_77 = tpu.memref_slice %arg26[%mul3A_2] : memref<10240xf32, #tpu.memory_space<vmem_shared>> -> memref<640xf32, #tpu.memory_space<vmem_shared>>
      tpu.enqueue_dma source(%arg18 : memref<640xf32, #tpu.memory_space<vmem>>) target(%dma_start3A_77 : memref<640xf32, #tpu.memory_space<vmem_shared>>) target_semaphore(%run_scoped3A_75 : memref<!tpu.dma_semaphore, #tpu.memory_space<semaphore_mem>>)
      %dma_wait3A_78 = tpu.memref_slice %arg26[%mul3A_2] : memref<10240xf32, #tpu.memory_space<vmem_shared>> -> memref<640xf32, #tpu.memory_space<vmem_shared>>
      %dma_wait3A_79 = tpu.memref_slice %arg26[%mul3A_2] : memref<10240xf32, #tpu.memory_space<vmem_shared>> -> memref<640xf32, #tpu.memory_space<vmem_shared>>
      tpu.wait_dma2 semaphore(%run_scoped3A_75 : memref<!tpu.dma_semaphore, #tpu.memory_space<semaphore_mem>>) src(%arg18 : memref<640xf32, #tpu.memory_space<vmem>>) dst(%dma_wait3A_79 : memref<640xf32, #tpu.memory_space<vmem_shared>>)
      tpu.yield
    }) : () -> ()
    %barrier3A = arith.constant 0 : index
    tpu.barrier barrier_id(%barrier3A)
    "tpu.region"() ({
      %run_scoped3A_75 = tpu.sem_alloc : memref<!tpu.dma_semaphore, #tpu.memory_space<semaphore_mem>>
      tpu.enqueue_dma source(%arg26 : memref<10240xf32, #tpu.memory_space<vmem_shared>>) target(%arg9 : memref<10240xf32, #tpu.memory_space<vmem>>) target_semaphore(%run_scoped3A_75 : memref<!tpu.dma_semaphore, #tpu.memory_space<semaphore_mem>>)
      tpu.wait_dma2 semaphore(%run_scoped3A_75 : memref<!tpu.dma_semaphore, #tpu.memory_space<semaphore_mem>>) src(%arg26 : memref<10240xf32, #tpu.memory_space<vmem_shared>>) dst(%arg9 : memref<10240xf32, #tpu.memory_space<vmem>>)
      tpu.yield
    }) : () -> ()
    %add3A_26 = arith.constant 0 : i32
    %add3A_27 = arith.addi %mul3A_4, %add3A_26 : i32
    %dma_start3A = tpu.memref_slice %arg2[%add3A_27] : memref<327680xi32, #tpu.memory_space<hbm>> -> memref<5120xi32, #tpu.memory_space<hbm>>
    %dma_start3A_28 = tpu.memref_slice %arg2[%add3A_27] : memref<327680xi32, #tpu.memory_space<hbm>> -> memref<5120xi32, #tpu.memory_space<hbm>>
    tpu.enqueue_dma source(%dma_start3A_28 : memref<5120xi32, #tpu.memory_space<hbm>>) target(%arg10 : memref<5120xi32, #tpu.memory_space<vmem>>) target_semaphore(%arg21 : memref<!tpu.dma_semaphore, #tpu.memory_space<semaphore_mem>>)
    %dma_start3A_29 = tpu.memref_slice %arg3[%add3A_27] : memref<327680xi32, #tpu.memory_space<hbm>> -> memref<5120xi32, #tpu.memory_space<hbm>>
    %dma_start3A_30 = tpu.memref_slice %arg3[%add3A_27] : memref<327680xi32, #tpu.memory_space<hbm>> -> memref<5120xi32, #tpu.memory_space<hbm>>
    tpu.enqueue_dma source(%dma_start3A_30 : memref<5120xi32, #tpu.memory_space<hbm>>) target(%arg12 : memref<5120xi32, #tpu.memory_space<vmem>>) target_semaphore(%arg21 : memref<!tpu.dma_semaphore, #tpu.memory_space<semaphore_mem>>)
    %dma_start3A_31 = tpu.memref_slice %arg4[%add3A_27] : memref<327680xf32, #tpu.memory_space<hbm>> -> memref<5120xf32, #tpu.memory_space<hbm>>
    %dma_start3A_32 = tpu.memref_slice %arg4[%add3A_27] : memref<327680xf32, #tpu.memory_space<hbm>> -> memref<5120xf32, #tpu.memory_space<hbm>>
    tpu.enqueue_dma source(%dma_start3A_32 : memref<5120xf32, #tpu.memory_space<hbm>>) target(%arg14 : memref<5120xf32, #tpu.memory_space<vmem>>) target_semaphore(%arg21 : memref<!tpu.dma_semaphore, #tpu.memory_space<semaphore_mem>>)
    %dma_wait3A = tpu.memref_slice %arg2[%add3A_27] : memref<327680xi32, #tpu.memory_space<hbm>> -> memref<5120xi32, #tpu.memory_space<hbm>>
    %dma_wait3A_33 = tpu.memref_slice %arg2[%add3A_27] : memref<327680xi32, #tpu.memory_space<hbm>> -> memref<5120xi32, #tpu.memory_space<hbm>>
    tpu.wait_dma2 semaphore(%arg21 : memref<!tpu.dma_semaphore, #tpu.memory_space<semaphore_mem>>) src(%dma_wait3A_33 : memref<5120xi32, #tpu.memory_space<hbm>>) dst(%arg10 : memref<5120xi32, #tpu.memory_space<vmem>>)
    %dma_wait3A_34 = tpu.memref_slice %arg3[%add3A_27] : memref<327680xi32, #tpu.memory_space<hbm>> -> memref<5120xi32, #tpu.memory_space<hbm>>
    %dma_wait3A_35 = tpu.memref_slice %arg3[%add3A_27] : memref<327680xi32, #tpu.memory_space<hbm>> -> memref<5120xi32, #tpu.memory_space<hbm>>
    tpu.wait_dma2 semaphore(%arg21 : memref<!tpu.dma_semaphore, #tpu.memory_space<semaphore_mem>>) src(%dma_wait3A_35 : memref<5120xi32, #tpu.memory_space<hbm>>) dst(%arg12 : memref<5120xi32, #tpu.memory_space<vmem>>)
    %dma_wait3A_36 = tpu.memref_slice %arg4[%add3A_27] : memref<327680xf32, #tpu.memory_space<hbm>> -> memref<5120xf32, #tpu.memory_space<hbm>>
    %dma_wait3A_37 = tpu.memref_slice %arg4[%add3A_27] : memref<327680xf32, #tpu.memory_space<hbm>> -> memref<5120xf32, #tpu.memory_space<hbm>>
    tpu.wait_dma2 semaphore(%arg21 : memref<!tpu.dma_semaphore, #tpu.memory_space<semaphore_mem>>) src(%dma_wait3A_37 : memref<5120xf32, #tpu.memory_space<hbm>>) dst(%arg14 : memref<5120xf32, #tpu.memory_space<vmem>>)
    %add3A_38 = arith.constant 5120 : i32
    %add3A_39 = arith.addi %mul3A_4, %add3A_38 : i32
    %dma_start3A_40 = tpu.memref_slice %arg2[%add3A_39] : memref<327680xi32, #tpu.memory_space<hbm>> -> memref<5120xi32, #tpu.memory_space<hbm>>
    %dma_start3A_41 = tpu.memref_slice %arg2[%add3A_39] : memref<327680xi32, #tpu.memory_space<hbm>> -> memref<5120xi32, #tpu.memory_space<hbm>>
    tpu.enqueue_dma source(%dma_start3A_41 : memref<5120xi32, #tpu.memory_space<hbm>>) target(%arg11 : memref<5120xi32, #tpu.memory_space<vmem>>) target_semaphore(%arg22 : memref<!tpu.dma_semaphore, #tpu.memory_space<semaphore_mem>>)
    %dma_start3A_42 = tpu.memref_slice %arg3[%add3A_39] : memref<327680xi32, #tpu.memory_space<hbm>> -> memref<5120xi32, #tpu.memory_space<hbm>>
    %dma_start3A_43 = tpu.memref_slice %arg3[%add3A_39] : memref<327680xi32, #tpu.memory_space<hbm>> -> memref<5120xi32, #tpu.memory_space<hbm>>
    tpu.enqueue_dma source(%dma_start3A_43 : memref<5120xi32, #tpu.memory_space<hbm>>) target(%arg13 : memref<5120xi32, #tpu.memory_space<vmem>>) target_semaphore(%arg22 : memref<!tpu.dma_semaphore, #tpu.memory_space<semaphore_mem>>)
    %dma_start3A_44 = tpu.memref_slice %arg4[%add3A_39] : memref<327680xf32, #tpu.memory_space<hbm>> -> memref<5120xf32, #tpu.memory_space<hbm>>
    %dma_start3A_45 = tpu.memref_slice %arg4[%add3A_39] : memref<327680xf32, #tpu.memory_space<hbm>> -> memref<5120xf32, #tpu.memory_space<hbm>>
    tpu.enqueue_dma source(%dma_start3A_45 : memref<5120xf32, #tpu.memory_space<hbm>>) target(%arg15 : memref<5120xf32, #tpu.memory_space<vmem>>) target_semaphore(%arg22 : memref<!tpu.dma_semaphore, #tpu.memory_space<semaphore_mem>>)
    %scan3A_46 = arith.constant 0 : i32
    %scan3A_47 = arith.constant 0 : i32
    %scan3A_48 = arith.constant 320 : i32
    %scan3A_49 = arith.addi %scan3A_47, %scan3A_48 : i32
    %scan3A_50 = arith.constant 1 : i32
    %scan3A_51 = scf.for %scan3A_75 = %scan3A_47 to %scan3A_49 step %scan3A_50 iter_args(%scan3A_76 = %scan3A_46) -> (i32)  : i32 {
      %mul3A_77 = arith.constant 16 : i32
      %mul3A_78 = arith.muli %scan3A_75, %mul3A_77 : i32
      %get3A = arith.index_cast %mul3A_78 : i32 to index
      %get3A_79 = tpu.vector_load %arg14[%get3A] {strides = array<i32>} : memref<5120xf32, #tpu.memory_space<vmem>>, vector<16xf32>,
      %exp3A = math.exp %get3A_79 : vector<16xf32>
      %get3A_80 = arith.index_cast %mul3A_78 : i32 to index
      %get3A_81 = tpu.vector_load %arg10[%get3A_80] {strides = array<i32>} : memref<5120xi32, #tpu.memory_space<vmem>>, vector<16xi32>,
      %gather3A = tpu.vector_load_idx %arg9[%get3A_81] : memref<10240xf32, #tpu.memory_space<vmem>>[vector<16xi32>], vector<16xf32>,
      %mul3A_82 = arith.mulf %exp3A, %gather3A : vector<16xf32>
      %swap3A = arith.index_cast %mul3A_78 : i32 to index
      %swap3A_83 = tpu.vector_load %arg16[%swap3A] {strides = array<i32>} : memref<5120xf32, #tpu.memory_space<vmem>>, vector<16xf32>,
      tpu.vector_store %arg16[%swap3A], %mul3A_82 {strides = array<i32>} : memref<5120xf32, #tpu.memory_space<vmem>>, vector<16xf32>,
      %scan3A_84 = arith.constant 0 : i32
      scf.yield %scan3A_84 : i32
    }
    %scan3A_52 = arith.constant 320 : i32
    %dma_start3A_53 = arith.constant 0 : i32
    %dma_start3A_54 = tpu.memref_slice %arg25[%dma_start3A_53] : memref<10240xf32, #tpu.memory_space<vmem_shared>> -> memref<10240xf32, #tpu.memory_space<vmem_shared>>
    tpu.enqueue_indirect_dma source(%arg16 : memref<5120xf32, #tpu.memory_space<vmem>>) target(%dma_start3A_54 : memref<10240xf32, #tpu.memory_space<vmem_shared>>) offsets(%arg12 : memref<5120xi32, #tpu.memory_space<vmem>>) semaphore(%arg23 : memref<!tpu.dma_semaphore, #tpu.memory_space<semaphore_mem>>) {add = true}
    %dma_wait3A_55 = tpu.memref_slice %arg2[%add3A_39] : memref<327680xi32, #tpu.memory_space<hbm>> -> memref<5120xi32, #tpu.memory_space<hbm>>
    %dma_wait3A_56 = tpu.memref_slice %arg2[%add3A_39] : memref<327680xi32, #tpu.memory_space<hbm>> -> memref<5120xi32, #tpu.memory_space<hbm>>
    tpu.wait_dma2 semaphore(%arg22 : memref<!tpu.dma_semaphore, #tpu.memory_space<semaphore_mem>>) src(%dma_wait3A_56 : memref<5120xi32, #tpu.memory_space<hbm>>) dst(%arg11 : memref<5120xi32, #tpu.memory_space<vmem>>)
    %dma_wait3A_57 = tpu.memref_slice %arg3[%add3A_39] : memref<327680xi32, #tpu.memory_space<hbm>> -> memref<5120xi32, #tpu.memory_space<hbm>>
    %dma_wait3A_58 = tpu.memref_slice %arg3[%add3A_39] : memref<327680xi32, #tpu.memory_space<hbm>> -> memref<5120xi32, #tpu.memory_space<hbm>>
    tpu.wait_dma2 semaphore(%arg22 : memref<!tpu.dma_semaphore, #tpu.memory_space<semaphore_mem>>) src(%dma_wait3A_58 : memref<5120xi32, #tpu.memory_space<hbm>>) dst(%arg13 : memref<5120xi32, #tpu.memory_space<vmem>>)
    %dma_wait3A_59 = tpu.memref_slice %arg4[%add3A_39] : memref<327680xf32, #tpu.memory_space<hbm>> -> memref<5120xf32, #tpu.memory_space<hbm>>
    %dma_wait3A_60 = tpu.memref_slice %arg4[%add3A_39] : memref<327680xf32, #tpu.memory_space<hbm>> -> memref<5120xf32, #tpu.memory_space<hbm>>
    tpu.wait_dma2 semaphore(%arg22 : memref<!tpu.dma_semaphore, #tpu.memory_space<semaphore_mem>>) src(%dma_wait3A_60 : memref<5120xf32, #tpu.memory_space<hbm>>) dst(%arg15 : memref<5120xf32, #tpu.memory_space<vmem>>)
    %scan3A_61 = arith.constant 0 : i32
    %scan3A_62 = arith.constant 0 : i32
    %scan3A_63 = arith.constant 320 : i32
    %scan3A_64 = arith.addi %scan3A_62, %scan3A_63 : i32
    %scan3A_65 = arith.constant 1 : i32
    %scan3A_66 = scf.for %scan3A_75 = %scan3A_62 to %scan3A_64 step %scan3A_65 iter_args(%scan3A_76 = %scan3A_61) -> (i32)  : i32 {
      %mul3A_77 = arith.constant 16 : i32
      %mul3A_78 = arith.muli %scan3A_75, %mul3A_77 : i32
      %get3A = arith.index_cast %mul3A_78 : i32 to index
      %get3A_79 = tpu.vector_load %arg15[%get3A] {strides = array<i32>} : memref<5120xf32, #tpu.memory_space<vmem>>, vector<16xf32>,
      %exp3A = math.exp %get3A_79 : vector<16xf32>
      %get3A_80 = arith.index_cast %mul3A_78 : i32 to index
      %get3A_81 = tpu.vector_load %arg11[%get3A_80] {strides = array<i32>} : memref<5120xi32, #tpu.memory_space<vmem>>, vector<16xi32>,
      %gather3A = tpu.vector_load_idx %arg9[%get3A_81] : memref<10240xf32, #tpu.memory_space<vmem>>[vector<16xi32>], vector<16xf32>,
      %mul3A_82 = arith.mulf %exp3A, %gather3A : vector<16xf32>
      %swap3A = arith.index_cast %mul3A_78 : i32 to index
      %swap3A_83 = tpu.vector_load %arg17[%swap3A] {strides = array<i32>} : memref<5120xf32, #tpu.memory_space<vmem>>, vector<16xf32>,
      tpu.vector_store %arg17[%swap3A], %mul3A_82 {strides = array<i32>} : memref<5120xf32, #tpu.memory_space<vmem>>, vector<16xf32>,
      %scan3A_84 = arith.constant 0 : i32
      scf.yield %scan3A_84 : i32
    }
    %scan3A_67 = arith.constant 320 : i32
    %dma_start3A_68 = arith.constant 0 : i32
    %dma_start3A_69 = tpu.memref_slice %arg25[%dma_start3A_68] : memref<10240xf32, #tpu.memory_space<vmem_shared>> -> memref<10240xf32, #tpu.memory_space<vmem_shared>>
    tpu.enqueue_indirect_dma source(%arg17 : memref<5120xf32, #tpu.memory_space<vmem>>) target(%dma_start3A_69 : memref<10240xf32, #tpu.memory_space<vmem_shared>>) offsets(%arg13 : memref<5120xi32, #tpu.memory_space<vmem>>) semaphore(%arg24 : memref<!tpu.dma_semaphore, #tpu.memory_space<semaphore_mem>>) {add = true}
    %dma_wait3A_70 = arith.constant 0 : i32
    %dma_wait3A_71 = tpu.memref_slice %arg25[%dma_wait3A_70] : memref<10240xf32, #tpu.memory_space<vmem_shared>> -> memref<10240xf32, #tpu.memory_space<vmem_shared>>
    tpu.wait_indirect_dma semaphore(%arg23 : memref<!tpu.dma_semaphore, #tpu.memory_space<semaphore_mem>>) src(%arg16 : memref<5120xf32, #tpu.memory_space<vmem>>) dst(%dma_wait3A_71 : memref<10240xf32, #tpu.memory_space<vmem_shared>>)
    %dma_wait3A_72 = arith.constant 0 : i32
    %dma_wait3A_73 = tpu.memref_slice %arg25[%dma_wait3A_72] : memref<10240xf32, #tpu.memory_space<vmem_shared>> -> memref<10240xf32, #tpu.memory_space<vmem_shared>>
    tpu.wait_indirect_dma semaphore(%arg24 : memref<!tpu.dma_semaphore, #tpu.memory_space<semaphore_mem>>) src(%arg17 : memref<5120xf32, #tpu.memory_space<vmem>>) dst(%dma_wait3A_73 : memref<10240xf32, #tpu.memory_space<vmem_shared>>)
    %barrier3A_74 = arith.constant 0 : index
    tpu.barrier barrier_id(%barrier3A_74)
    "tpu.region"() ({
      %run_scoped3A_75 = tpu.sem_alloc : memref<!tpu.dma_semaphore, #tpu.memory_space<semaphore_mem>>
      %dma_start3A_76 = tpu.memref_slice %arg8[%arg0, %mul3A_2] : memref<2x10240xf32, #tpu.memory_space<hbm>> -> memref<1x640xf32, #tpu.memory_space<hbm>>
      %dma_start3A_77 = tpu.memref_squeeze %dma_start3A_76 : memref<1x640xf32, #tpu.memory_space<hbm>> -> memref<640xf32, #tpu.memory_space<hbm>>
      %dma_start3A_78 = tpu.memref_slice %arg25[%mul3A_2] : memref<10240xf32, #tpu.memory_space<vmem_shared>> -> memref<640xf32, #tpu.memory_space<vmem_shared>>
      tpu.enqueue_dma source(%dma_start3A_78 : memref<640xf32, #tpu.memory_space<vmem_shared>>) target(%dma_start3A_77 : memref<640xf32, #tpu.memory_space<hbm>>) target_semaphore(%run_scoped3A_75 : memref<!tpu.dma_semaphore, #tpu.memory_space<semaphore_mem>>)
      %dma_wait3A_79 = tpu.memref_slice %arg8[%arg0, %mul3A_2] : memref<2x10240xf32, #tpu.memory_space<hbm>> -> memref<1x640xf32, #tpu.memory_space<hbm>>
      %dma_wait3A_80 = tpu.memref_squeeze %dma_wait3A_79 : memref<1x640xf32, #tpu.memory_space<hbm>> -> memref<640xf32, #tpu.memory_space<hbm>>
      %dma_wait3A_81 = tpu.memref_slice %arg25[%mul3A_2] : memref<10240xf32, #tpu.memory_space<vmem_shared>> -> memref<640xf32, #tpu.memory_space<vmem_shared>>
      tpu.wait_dma2 semaphore(%run_scoped3A_75 : memref<!tpu.dma_semaphore, #tpu.memory_space<semaphore_mem>>) src(%dma_wait3A_81 : memref<640xf32, #tpu.memory_space<vmem_shared>>) dst(%dma_wait3A_80 : memref<640xf32, #tpu.memory_space<hbm>>)
      tpu.yield
    }) : () -> ()
    return
  }
}

#map = affine_map<(d0, d1) -> (0)>
#map1 = affine_map<(d0, d1) -> (0, 0)>
module attributes {stable_mosaic.version = 14 : i64} {
  func.func @_sc1b_body(%arg0: i32, %arg1: i32, %arg2: memref<327680xi32, #tpu.memory_space<hbm>>, %arg3: memref<327680xi32, #tpu.memory_space<hbm>>, %arg4: memref<2x10240xf32, #tpu.memory_space<hbm>>, %arg5: memref<2x10240xf32, #tpu.memory_space<hbm>>, %arg6: memref<10240xf32, #tpu.memory_space<hbm>>, %arg7: memref<2x327680xf32, #tpu.memory_space<hbm>>, %arg8: memref<10240xf32, #tpu.memory_space<vmem>>, %arg9: memref<5120xi32, #tpu.memory_space<vmem>>, %arg10: memref<5120xi32, #tpu.memory_space<vmem>>, %arg11: memref<5120xi32, #tpu.memory_space<vmem>>, %arg12: memref<5120xi32, #tpu.memory_space<vmem>>, %arg13: memref<5120xf32, #tpu.memory_space<vmem>>, %arg14: memref<5120xf32, #tpu.memory_space<vmem>>, %arg15: memref<5120xf32, #tpu.memory_space<vmem>>, %arg16: memref<5120xf32, #tpu.memory_space<vmem>>, %arg17: memref<640xf32, #tpu.memory_space<vmem>>, %arg18: memref<640xf32, #tpu.memory_space<vmem>>, %arg19: memref<640xf32, #tpu.memory_space<vmem>>, %arg20: memref<640xf32, #tpu.memory_space<vmem>>, %arg21: memref<!tpu.dma_semaphore, #tpu.memory_space<semaphore_mem>>, %arg22: memref<!tpu.dma_semaphore, #tpu.memory_space<semaphore_mem>>, %arg23: memref<!tpu.dma_semaphore, #tpu.memory_space<semaphore_mem>>, %arg24: memref<!tpu.dma_semaphore, #tpu.memory_space<semaphore_mem>>, %arg25: memref<10240xf32, #tpu.memory_space<vmem_shared>>) attributes {dimension_semantics = [#tpu.dimension_semantics<core_parallel>, #tpu.dimension_semantics<subcore_parallel>], iteration_bounds = array<i64: 2, 16>, scalar_prefetch = 0 : i64, scratch_operands = 18 : i64, tpu.core_type = #tpu.core_type<sc_vector_subcore>, window_params = [{transform_indices = #map}, {transform_indices = #map}, {transform_indices = #map1}, {transform_indices = #map1}, {transform_indices = #map}, {transform_indices = #map1}]} {
    %mul3A = arith.constant 16 : i32
    %mul3A_0 = arith.muli %arg0, %mul3A : i32
    %add3A = arith.addi %mul3A_0, %arg1 : i32
    %mul3A_1 = arith.constant 640 : i32
    %mul3A_2 = arith.muli %arg1, %mul3A_1 : i32
    %mul3A_3 = arith.constant 10240 : i32
    %mul3A_4 = arith.muli %add3A, %mul3A_3 : i32
    %run_scoped3A = arith.constant 0 : i32
    "tpu.region"() ({
      %run_scoped3A_92 = tpu.sem_alloc : memref<!tpu.dma_semaphore, #tpu.memory_space<semaphore_mem>>
      %dma_start3A_93 = tpu.memref_slice %arg4[%run_scoped3A, %mul3A_2] : memref<2x10240xf32, #tpu.memory_space<hbm>> -> memref<1x640xf32, #tpu.memory_space<hbm>>
      %dma_start3A_94 = tpu.memref_squeeze %dma_start3A_93 : memref<1x640xf32, #tpu.memory_space<hbm>> -> memref<640xf32, #tpu.memory_space<hbm>>
      %dma_start3A_95 = tpu.memref_slice %arg4[%run_scoped3A, %mul3A_2] : memref<2x10240xf32, #tpu.memory_space<hbm>> -> memref<1x640xf32, #tpu.memory_space<hbm>>
      %dma_start3A_96 = tpu.memref_squeeze %dma_start3A_95 : memref<1x640xf32, #tpu.memory_space<hbm>> -> memref<640xf32, #tpu.memory_space<hbm>>
      tpu.enqueue_dma source(%dma_start3A_96 : memref<640xf32, #tpu.memory_space<hbm>>) target(%arg17 : memref<640xf32, #tpu.memory_space<vmem>>) target_semaphore(%run_scoped3A_92 : memref<!tpu.dma_semaphore, #tpu.memory_space<semaphore_mem>>)
      %dma_wait3A_97 = tpu.memref_slice %arg4[%run_scoped3A, %mul3A_2] : memref<2x10240xf32, #tpu.memory_space<hbm>> -> memref<1x640xf32, #tpu.memory_space<hbm>>
      %dma_wait3A_98 = tpu.memref_squeeze %dma_wait3A_97 : memref<1x640xf32, #tpu.memory_space<hbm>> -> memref<640xf32, #tpu.memory_space<hbm>>
      %dma_wait3A_99 = tpu.memref_slice %arg4[%run_scoped3A, %mul3A_2] : memref<2x10240xf32, #tpu.memory_space<hbm>> -> memref<1x640xf32, #tpu.memory_space<hbm>>
      %dma_wait3A_100 = tpu.memref_squeeze %dma_wait3A_99 : memref<1x640xf32, #tpu.memory_space<hbm>> -> memref<640xf32, #tpu.memory_space<hbm>>
      tpu.wait_dma2 semaphore(%run_scoped3A_92 : memref<!tpu.dma_semaphore, #tpu.memory_space<semaphore_mem>>) src(%dma_wait3A_100 : memref<640xf32, #tpu.memory_space<hbm>>) dst(%arg17 : memref<640xf32, #tpu.memory_space<vmem>>)
      tpu.yield
    }) : () -> ()
    %run_scoped3A_5 = arith.constant 1 : i32
    "tpu.region"() ({
      %run_scoped3A_92 = tpu.sem_alloc : memref<!tpu.dma_semaphore, #tpu.memory_space<semaphore_mem>>
      %dma_start3A_93 = tpu.memref_slice %arg4[%run_scoped3A_5, %mul3A_2] : memref<2x10240xf32, #tpu.memory_space<hbm>> -> memref<1x640xf32, #tpu.memory_space<hbm>>
      %dma_start3A_94 = tpu.memref_squeeze %dma_start3A_93 : memref<1x640xf32, #tpu.memory_space<hbm>> -> memref<640xf32, #tpu.memory_space<hbm>>
      %dma_start3A_95 = tpu.memref_slice %arg4[%run_scoped3A_5, %mul3A_2] : memref<2x10240xf32, #tpu.memory_space<hbm>> -> memref<1x640xf32, #tpu.memory_space<hbm>>
      %dma_start3A_96 = tpu.memref_squeeze %dma_start3A_95 : memref<1x640xf32, #tpu.memory_space<hbm>> -> memref<640xf32, #tpu.memory_space<hbm>>
      tpu.enqueue_dma source(%dma_start3A_96 : memref<640xf32, #tpu.memory_space<hbm>>) target(%arg18 : memref<640xf32, #tpu.memory_space<vmem>>) target_semaphore(%run_scoped3A_92 : memref<!tpu.dma_semaphore, #tpu.memory_space<semaphore_mem>>)
      %dma_wait3A_97 = tpu.memref_slice %arg4[%run_scoped3A_5, %mul3A_2] : memref<2x10240xf32, #tpu.memory_space<hbm>> -> memref<1x640xf32, #tpu.memory_space<hbm>>
      %dma_wait3A_98 = tpu.memref_squeeze %dma_wait3A_97 : memref<1x640xf32, #tpu.memory_space<hbm>> -> memref<640xf32, #tpu.memory_space<hbm>>
      %dma_wait3A_99 = tpu.memref_slice %arg4[%run_scoped3A_5, %mul3A_2] : memref<2x10240xf32, #tpu.memory_space<hbm>> -> memref<1x640xf32, #tpu.memory_space<hbm>>
      %dma_wait3A_100 = tpu.memref_squeeze %dma_wait3A_99 : memref<1x640xf32, #tpu.memory_space<hbm>> -> memref<640xf32, #tpu.memory_space<hbm>>
      tpu.wait_dma2 semaphore(%run_scoped3A_92 : memref<!tpu.dma_semaphore, #tpu.memory_space<semaphore_mem>>) src(%dma_wait3A_100 : memref<640xf32, #tpu.memory_space<hbm>>) dst(%arg18 : memref<640xf32, #tpu.memory_space<vmem>>)
      tpu.yield
    }) : () -> ()
    %run_scoped3A_6 = arith.constant 0 : i32
    "tpu.region"() ({
      %run_scoped3A_92 = tpu.sem_alloc : memref<!tpu.dma_semaphore, #tpu.memory_space<semaphore_mem>>
      %dma_start3A_93 = tpu.memref_slice %arg5[%run_scoped3A_6, %mul3A_2] : memref<2x10240xf32, #tpu.memory_space<hbm>> -> memref<1x640xf32, #tpu.memory_space<hbm>>
      %dma_start3A_94 = tpu.memref_squeeze %dma_start3A_93 : memref<1x640xf32, #tpu.memory_space<hbm>> -> memref<640xf32, #tpu.memory_space<hbm>>
      %dma_start3A_95 = tpu.memref_slice %arg5[%run_scoped3A_6, %mul3A_2] : memref<2x10240xf32, #tpu.memory_space<hbm>> -> memref<1x640xf32, #tpu.memory_space<hbm>>
      %dma_start3A_96 = tpu.memref_squeeze %dma_start3A_95 : memref<1x640xf32, #tpu.memory_space<hbm>> -> memref<640xf32, #tpu.memory_space<hbm>>
      tpu.enqueue_dma source(%dma_start3A_96 : memref<640xf32, #tpu.memory_space<hbm>>) target(%arg19 : memref<640xf32, #tpu.memory_space<vmem>>) target_semaphore(%run_scoped3A_92 : memref<!tpu.dma_semaphore, #tpu.memory_space<semaphore_mem>>)
      %dma_wait3A_97 = tpu.memref_slice %arg5[%run_scoped3A_6, %mul3A_2] : memref<2x10240xf32, #tpu.memory_space<hbm>> -> memref<1x640xf32, #tpu.memory_space<hbm>>
      %dma_wait3A_98 = tpu.memref_squeeze %dma_wait3A_97 : memref<1x640xf32, #tpu.memory_space<hbm>> -> memref<640xf32, #tpu.memory_space<hbm>>
      %dma_wait3A_99 = tpu.memref_slice %arg5[%run_scoped3A_6, %mul3A_2] : memref<2x10240xf32, #tpu.memory_space<hbm>> -> memref<1x640xf32, #tpu.memory_space<hbm>>
      %dma_wait3A_100 = tpu.memref_squeeze %dma_wait3A_99 : memref<1x640xf32, #tpu.memory_space<hbm>> -> memref<640xf32, #tpu.memory_space<hbm>>
      tpu.wait_dma2 semaphore(%run_scoped3A_92 : memref<!tpu.dma_semaphore, #tpu.memory_space<semaphore_mem>>) src(%dma_wait3A_100 : memref<640xf32, #tpu.memory_space<hbm>>) dst(%arg19 : memref<640xf32, #tpu.memory_space<vmem>>)
      tpu.yield
    }) : () -> ()
    %run_scoped3A_7 = arith.constant 1 : i32
    "tpu.region"() ({
      %run_scoped3A_92 = tpu.sem_alloc : memref<!tpu.dma_semaphore, #tpu.memory_space<semaphore_mem>>
      %dma_start3A_93 = tpu.memref_slice %arg5[%run_scoped3A_7, %mul3A_2] : memref<2x10240xf32, #tpu.memory_space<hbm>> -> memref<1x640xf32, #tpu.memory_space<hbm>>
      %dma_start3A_94 = tpu.memref_squeeze %dma_start3A_93 : memref<1x640xf32, #tpu.memory_space<hbm>> -> memref<640xf32, #tpu.memory_space<hbm>>
      %dma_start3A_95 = tpu.memref_slice %arg5[%run_scoped3A_7, %mul3A_2] : memref<2x10240xf32, #tpu.memory_space<hbm>> -> memref<1x640xf32, #tpu.memory_space<hbm>>
      %dma_start3A_96 = tpu.memref_squeeze %dma_start3A_95 : memref<1x640xf32, #tpu.memory_space<hbm>> -> memref<640xf32, #tpu.memory_space<hbm>>
      tpu.enqueue_dma source(%dma_start3A_96 : memref<640xf32, #tpu.memory_space<hbm>>) target(%arg20 : memref<640xf32, #tpu.memory_space<vmem>>) target_semaphore(%run_scoped3A_92 : memref<!tpu.dma_semaphore, #tpu.memory_space<semaphore_mem>>)
      %dma_wait3A_97 = tpu.memref_slice %arg5[%run_scoped3A_7, %mul3A_2] : memref<2x10240xf32, #tpu.memory_space<hbm>> -> memref<1x640xf32, #tpu.memory_space<hbm>>
      %dma_wait3A_98 = tpu.memref_squeeze %dma_wait3A_97 : memref<1x640xf32, #tpu.memory_space<hbm>> -> memref<640xf32, #tpu.memory_space<hbm>>
      %dma_wait3A_99 = tpu.memref_slice %arg5[%run_scoped3A_7, %mul3A_2] : memref<2x10240xf32, #tpu.memory_space<hbm>> -> memref<1x640xf32, #tpu.memory_space<hbm>>
      %dma_wait3A_100 = tpu.memref_squeeze %dma_wait3A_99 : memref<1x640xf32, #tpu.memory_space<hbm>> -> memref<640xf32, #tpu.memory_space<hbm>>
      tpu.wait_dma2 semaphore(%run_scoped3A_92 : memref<!tpu.dma_semaphore, #tpu.memory_space<semaphore_mem>>) src(%dma_wait3A_100 : memref<640xf32, #tpu.memory_space<hbm>>) dst(%arg20 : memref<640xf32, #tpu.memory_space<vmem>>)
      tpu.yield
    }) : () -> ()
    %scan3A = arith.constant 0 : i32
    %scan3A_8 = arith.constant 0 : i32
    %scan3A_9 = arith.constant 40 : i32
    %scan3A_10 = arith.addi %scan3A_8, %scan3A_9 : i32
    %scan3A_11 = arith.constant 1 : i32
    %scan3A_12 = scf.for %scan3A_92 = %scan3A_8 to %scan3A_10 step %scan3A_11 iter_args(%scan3A_93 = %scan3A) -> (i32)  : i32 {
      %mul3A_94 = arith.constant 16 : i32
      %mul3A_95 = arith.muli %scan3A_92, %mul3A_94 : i32
      %get3A = arith.index_cast %mul3A_95 : i32 to index
      %get3A_96 = tpu.vector_load %arg17[%get3A] {strides = array<i32>} : memref<640xf32, #tpu.memory_space<vmem>>, vector<16xf32>,
      %get3A_97 = arith.index_cast %mul3A_95 : i32 to index
      %get3A_98 = tpu.vector_load %arg18[%get3A_97] {strides = array<i32>} : memref<640xf32, #tpu.memory_space<vmem>>, vector<16xf32>,
      %add3A_99 = arith.addf %get3A_96, %get3A_98 : vector<16xf32>
      %get3A_100 = arith.index_cast %mul3A_95 : i32 to index
      %get3A_101 = tpu.vector_load %arg19[%get3A_100] {strides = array<i32>} : memref<640xf32, #tpu.memory_space<vmem>>, vector<16xf32>,
      %get3A_102 = arith.index_cast %mul3A_95 : i32 to index
      %get3A_103 = tpu.vector_load %arg20[%get3A_102] {strides = array<i32>} : memref<640xf32, #tpu.memory_space<vmem>>, vector<16xf32>,
      %add3A_104 = arith.addf %get3A_101, %get3A_103 : vector<16xf32>
      %max3A = arith.constant 9.99999996E-13 : f32
      %max3A_105 = vector.broadcast %max3A : f32 to vector<16xf32>
      %max3A_106 = arith.maximumf %add3A_99, %max3A_105 : vector<16xf32>
      %div3A = arith.divf %add3A_104, %max3A_106 : vector<16xf32>
      %swap3A = arith.index_cast %mul3A_95 : i32 to index
      %swap3A_107 = tpu.vector_load %arg17[%swap3A] {strides = array<i32>} : memref<640xf32, #tpu.memory_space<vmem>>, vector<16xf32>,
      tpu.vector_store %arg17[%swap3A], %div3A {strides = array<i32>} : memref<640xf32, #tpu.memory_space<vmem>>, vector<16xf32>,
      %scan3A_108 = arith.constant 0 : i32
      scf.yield %scan3A_108 : i32
    }
    %scan3A_13 = arith.constant 40 : i32
    "tpu.region"() ({
      %run_scoped3A_92 = tpu.sem_alloc : memref<!tpu.dma_semaphore, #tpu.memory_space<semaphore_mem>>
      %dma_start3A_93 = tpu.memref_slice %arg25[%mul3A_2] : memref<10240xf32, #tpu.memory_space<vmem_shared>> -> memref<640xf32, #tpu.memory_space<vmem_shared>>
      %dma_start3A_94 = tpu.memref_slice %arg25[%mul3A_2] : memref<10240xf32, #tpu.memory_space<vmem_shared>> -> memref<640xf32, #tpu.memory_space<vmem_shared>>
      tpu.enqueue_dma source(%arg17 : memref<640xf32, #tpu.memory_space<vmem>>) target(%dma_start3A_94 : memref<640xf32, #tpu.memory_space<vmem_shared>>) target_semaphore(%run_scoped3A_92 : memref<!tpu.dma_semaphore, #tpu.memory_space<semaphore_mem>>)
      %dma_wait3A_95 = tpu.memref_slice %arg25[%mul3A_2] : memref<10240xf32, #tpu.memory_space<vmem_shared>> -> memref<640xf32, #tpu.memory_space<vmem_shared>>
      %dma_wait3A_96 = tpu.memref_slice %arg25[%mul3A_2] : memref<10240xf32, #tpu.memory_space<vmem_shared>> -> memref<640xf32, #tpu.memory_space<vmem_shared>>
      tpu.wait_dma2 semaphore(%run_scoped3A_92 : memref<!tpu.dma_semaphore, #tpu.memory_space<semaphore_mem>>) src(%arg17 : memref<640xf32, #tpu.memory_space<vmem>>) dst(%dma_wait3A_96 : memref<640xf32, #tpu.memory_space<vmem_shared>>)
      tpu.yield
    }) : () -> ()
    %eq3A = arith.constant 0 : i32
    %eq3A_14 = arith.cmpi eq, %arg0, %eq3A : i32
    %convert_element_type3A = arith.extui %eq3A_14 : i1 to i32
    %cond3A = arith.constant 0 : i32
    %cond3A_15 = arith.cmpi ne, %convert_element_type3A, %cond3A : i32
    scf.if %cond3A_15 {
      "tpu.region"() ({
        %run_scoped3A_92 = tpu.sem_alloc : memref<!tpu.dma_semaphore, #tpu.memory_space<semaphore_mem>>
        %dma_start3A_93 = tpu.memref_slice %arg6[%mul3A_2] : memref<10240xf32, #tpu.memory_space<hbm>> -> memref<640xf32, #tpu.memory_space<hbm>>
        %dma_start3A_94 = tpu.memref_slice %arg6[%mul3A_2] : memref<10240xf32, #tpu.memory_space<hbm>> -> memref<640xf32, #tpu.memory_space<hbm>>
        tpu.enqueue_dma source(%arg17 : memref<640xf32, #tpu.memory_space<vmem>>) target(%dma_start3A_94 : memref<640xf32, #tpu.memory_space<hbm>>) target_semaphore(%run_scoped3A_92 : memref<!tpu.dma_semaphore, #tpu.memory_space<semaphore_mem>>)
        %dma_wait3A_95 = tpu.memref_slice %arg6[%mul3A_2] : memref<10240xf32, #tpu.memory_space<hbm>> -> memref<640xf32, #tpu.memory_space<hbm>>
        %dma_wait3A_96 = tpu.memref_slice %arg6[%mul3A_2] : memref<10240xf32, #tpu.memory_space<hbm>> -> memref<640xf32, #tpu.memory_space<hbm>>
        tpu.wait_dma2 semaphore(%run_scoped3A_92 : memref<!tpu.dma_semaphore, #tpu.memory_space<semaphore_mem>>) src(%arg17 : memref<640xf32, #tpu.memory_space<vmem>>) dst(%dma_wait3A_96 : memref<640xf32, #tpu.memory_space<hbm>>)
        tpu.yield
      }) : () -> ()
    } else {
    }
    %barrier3A = arith.constant 0 : index
    tpu.barrier barrier_id(%barrier3A)
    "tpu.region"() ({
      %run_scoped3A_92 = tpu.sem_alloc : memref<!tpu.dma_semaphore, #tpu.memory_space<semaphore_mem>>
      tpu.enqueue_dma source(%arg25 : memref<10240xf32, #tpu.memory_space<vmem_shared>>) target(%arg8 : memref<10240xf32, #tpu.memory_space<vmem>>) target_semaphore(%run_scoped3A_92 : memref<!tpu.dma_semaphore, #tpu.memory_space<semaphore_mem>>)
      tpu.wait_dma2 semaphore(%run_scoped3A_92 : memref<!tpu.dma_semaphore, #tpu.memory_space<semaphore_mem>>) src(%arg25 : memref<10240xf32, #tpu.memory_space<vmem_shared>>) dst(%arg8 : memref<10240xf32, #tpu.memory_space<vmem>>)
      tpu.yield
    }) : () -> ()
    %add3A_16 = arith.constant 0 : i32
    %add3A_17 = arith.addi %mul3A_4, %add3A_16 : i32
    %dma_start3A = tpu.memref_slice %arg2[%add3A_17] : memref<327680xi32, #tpu.memory_space<hbm>> -> memref<5120xi32, #tpu.memory_space<hbm>>
    %dma_start3A_18 = tpu.memref_slice %arg2[%add3A_17] : memref<327680xi32, #tpu.memory_space<hbm>> -> memref<5120xi32, #tpu.memory_space<hbm>>
    tpu.enqueue_dma source(%dma_start3A_18 : memref<5120xi32, #tpu.memory_space<hbm>>) target(%arg9 : memref<5120xi32, #tpu.memory_space<vmem>>) target_semaphore(%arg21 : memref<!tpu.dma_semaphore, #tpu.memory_space<semaphore_mem>>)
    %dma_start3A_19 = tpu.memref_slice %arg3[%add3A_17] : memref<327680xi32, #tpu.memory_space<hbm>> -> memref<5120xi32, #tpu.memory_space<hbm>>
    %dma_start3A_20 = tpu.memref_slice %arg3[%add3A_17] : memref<327680xi32, #tpu.memory_space<hbm>> -> memref<5120xi32, #tpu.memory_space<hbm>>
    tpu.enqueue_dma source(%dma_start3A_20 : memref<5120xi32, #tpu.memory_space<hbm>>) target(%arg11 : memref<5120xi32, #tpu.memory_space<vmem>>) target_semaphore(%arg21 : memref<!tpu.dma_semaphore, #tpu.memory_space<semaphore_mem>>)
    %dma_wait3A = tpu.memref_slice %arg2[%add3A_17] : memref<327680xi32, #tpu.memory_space<hbm>> -> memref<5120xi32, #tpu.memory_space<hbm>>
    %dma_wait3A_21 = tpu.memref_slice %arg2[%add3A_17] : memref<327680xi32, #tpu.memory_space<hbm>> -> memref<5120xi32, #tpu.memory_space<hbm>>
    tpu.wait_dma2 semaphore(%arg21 : memref<!tpu.dma_semaphore, #tpu.memory_space<semaphore_mem>>) src(%dma_wait3A_21 : memref<5120xi32, #tpu.memory_space<hbm>>) dst(%arg9 : memref<5120xi32, #tpu.memory_space<vmem>>)
    %dma_wait3A_22 = tpu.memref_slice %arg3[%add3A_17] : memref<327680xi32, #tpu.memory_space<hbm>> -> memref<5120xi32, #tpu.memory_space<hbm>>
    %dma_wait3A_23 = tpu.memref_slice %arg3[%add3A_17] : memref<327680xi32, #tpu.memory_space<hbm>> -> memref<5120xi32, #tpu.memory_space<hbm>>
    tpu.wait_dma2 semaphore(%arg21 : memref<!tpu.dma_semaphore, #tpu.memory_space<semaphore_mem>>) src(%dma_wait3A_23 : memref<5120xi32, #tpu.memory_space<hbm>>) dst(%arg11 : memref<5120xi32, #tpu.memory_space<vmem>>)
    %add3A_24 = arith.constant 5120 : i32
    %add3A_25 = arith.addi %mul3A_4, %add3A_24 : i32
    %dma_start3A_26 = tpu.memref_slice %arg2[%add3A_25] : memref<327680xi32, #tpu.memory_space<hbm>> -> memref<5120xi32, #tpu.memory_space<hbm>>
    %dma_start3A_27 = tpu.memref_slice %arg2[%add3A_25] : memref<327680xi32, #tpu.memory_space<hbm>> -> memref<5120xi32, #tpu.memory_space<hbm>>
    tpu.enqueue_dma source(%dma_start3A_27 : memref<5120xi32, #tpu.memory_space<hbm>>) target(%arg10 : memref<5120xi32, #tpu.memory_space<vmem>>) target_semaphore(%arg22 : memref<!tpu.dma_semaphore, #tpu.memory_space<semaphore_mem>>)
    %dma_start3A_28 = tpu.memref_slice %arg3[%add3A_25] : memref<327680xi32, #tpu.memory_space<hbm>> -> memref<5120xi32, #tpu.memory_space<hbm>>
    %dma_start3A_29 = tpu.memref_slice %arg3[%add3A_25] : memref<327680xi32, #tpu.memory_space<hbm>> -> memref<5120xi32, #tpu.memory_space<hbm>>
    tpu.enqueue_dma source(%dma_start3A_29 : memref<5120xi32, #tpu.memory_space<hbm>>) target(%arg12 : memref<5120xi32, #tpu.memory_space<vmem>>) target_semaphore(%arg22 : memref<!tpu.dma_semaphore, #tpu.memory_space<semaphore_mem>>)
    %add3A_30 = arith.constant 0 : i32
    %add3A_31 = arith.addi %mul3A_4, %add3A_30 : i32
    %scan3A_32 = arith.constant 0 : i32
    %scan3A_33 = arith.constant 0 : i32
    %scan3A_34 = arith.constant 320 : i32
    %scan3A_35 = arith.addi %scan3A_33, %scan3A_34 : i32
    %scan3A_36 = arith.constant 1 : i32
    %scan3A_37 = scf.for %scan3A_92 = %scan3A_33 to %scan3A_35 step %scan3A_36 iter_args(%scan3A_93 = %scan3A_32) -> (i32)  : i32 {
      %mul3A_94 = arith.constant 16 : i32
      %mul3A_95 = arith.muli %scan3A_92, %mul3A_94 : i32
      %get3A = arith.index_cast %mul3A_95 : i32 to index
      %get3A_96 = tpu.vector_load %arg9[%get3A] {strides = array<i32>} : memref<5120xi32, #tpu.memory_space<vmem>>, vector<16xi32>,
      %gather3A = tpu.vector_load_idx %arg8[%get3A_96] : memref<10240xf32, #tpu.memory_space<vmem>>[vector<16xi32>], vector<16xf32>,
      %swap3A = arith.index_cast %mul3A_95 : i32 to index
      %swap3A_97 = tpu.vector_load %arg13[%swap3A] {strides = array<i32>} : memref<5120xf32, #tpu.memory_space<vmem>>, vector<16xf32>,
      tpu.vector_store %arg13[%swap3A], %gather3A {strides = array<i32>} : memref<5120xf32, #tpu.memory_space<vmem>>, vector<16xf32>,
      %get3A_98 = arith.index_cast %mul3A_95 : i32 to index
      %get3A_99 = tpu.vector_load %arg11[%get3A_98] {strides = array<i32>} : memref<5120xi32, #tpu.memory_space<vmem>>, vector<16xi32>,
      %gather3A_100 = tpu.vector_load_idx %arg8[%get3A_99] : memref<10240xf32, #tpu.memory_space<vmem>>[vector<16xi32>], vector<16xf32>,
      %swap3A_101 = arith.index_cast %mul3A_95 : i32 to index
      %swap3A_102 = tpu.vector_load %arg15[%swap3A_101] {strides = array<i32>} : memref<5120xf32, #tpu.memory_space<vmem>>, vector<16xf32>,
      tpu.vector_store %arg15[%swap3A_101], %gather3A_100 {strides = array<i32>} : memref<5120xf32, #tpu.memory_space<vmem>>, vector<16xf32>,
      %scan3A_103 = arith.constant 0 : i32
      scf.yield %scan3A_103 : i32
    }
    %scan3A_38 = arith.constant 320 : i32
    %dma_start3A_39 = arith.constant 0 : i32
    %dma_start3A_40 = tpu.memref_slice %arg7[%dma_start3A_39, %add3A_31] : memref<2x327680xf32, #tpu.memory_space<hbm>> -> memref<1x5120xf32, #tpu.memory_space<hbm>>
    %dma_start3A_41 = tpu.memref_squeeze %dma_start3A_40 : memref<1x5120xf32, #tpu.memory_space<hbm>> -> memref<5120xf32, #tpu.memory_space<hbm>>
    %dma_start3A_42 = tpu.memref_slice %arg7[%dma_start3A_39, %add3A_31] : memref<2x327680xf32, #tpu.memory_space<hbm>> -> memref<1x5120xf32, #tpu.memory_space<hbm>>
    %dma_start3A_43 = tpu.memref_squeeze %dma_start3A_42 : memref<1x5120xf32, #tpu.memory_space<hbm>> -> memref<5120xf32, #tpu.memory_space<hbm>>
    tpu.enqueue_dma source(%arg13 : memref<5120xf32, #tpu.memory_space<vmem>>) target(%dma_start3A_43 : memref<5120xf32, #tpu.memory_space<hbm>>) target_semaphore(%arg23 : memref<!tpu.dma_semaphore, #tpu.memory_space<semaphore_mem>>)
    %dma_start3A_44 = arith.constant 1 : i32
    %dma_start3A_45 = tpu.memref_slice %arg7[%dma_start3A_44, %add3A_31] : memref<2x327680xf32, #tpu.memory_space<hbm>> -> memref<1x5120xf32, #tpu.memory_space<hbm>>
    %dma_start3A_46 = tpu.memref_squeeze %dma_start3A_45 : memref<1x5120xf32, #tpu.memory_space<hbm>> -> memref<5120xf32, #tpu.memory_space<hbm>>
    %dma_start3A_47 = tpu.memref_slice %arg7[%dma_start3A_44, %add3A_31] : memref<2x327680xf32, #tpu.memory_space<hbm>> -> memref<1x5120xf32, #tpu.memory_space<hbm>>
    %dma_start3A_48 = tpu.memref_squeeze %dma_start3A_47 : memref<1x5120xf32, #tpu.memory_space<hbm>> -> memref<5120xf32, #tpu.memory_space<hbm>>
    tpu.enqueue_dma source(%arg15 : memref<5120xf32, #tpu.memory_space<vmem>>) target(%dma_start3A_48 : memref<5120xf32, #tpu.memory_space<hbm>>) target_semaphore(%arg23 : memref<!tpu.dma_semaphore, #tpu.memory_space<semaphore_mem>>)
    %dma_wait3A_49 = tpu.memref_slice %arg2[%add3A_25] : memref<327680xi32, #tpu.memory_space<hbm>> -> memref<5120xi32, #tpu.memory_space<hbm>>
    %dma_wait3A_50 = tpu.memref_slice %arg2[%add3A_25] : memref<327680xi32, #tpu.memory_space<hbm>> -> memref<5120xi32, #tpu.memory_space<hbm>>
    tpu.wait_dma2 semaphore(%arg22 : memref<!tpu.dma_semaphore, #tpu.memory_space<semaphore_mem>>) src(%dma_wait3A_50 : memref<5120xi32, #tpu.memory_space<hbm>>) dst(%arg10 : memref<5120xi32, #tpu.memory_space<vmem>>)
    %dma_wait3A_51 = tpu.memref_slice %arg3[%add3A_25] : memref<327680xi32, #tpu.memory_space<hbm>> -> memref<5120xi32, #tpu.memory_space<hbm>>
    %dma_wait3A_52 = tpu.memref_slice %arg3[%add3A_25] : memref<327680xi32, #tpu.memory_space<hbm>> -> memref<5120xi32, #tpu.memory_space<hbm>>
    tpu.wait_dma2 semaphore(%arg22 : memref<!tpu.dma_semaphore, #tpu.memory_space<semaphore_mem>>) src(%dma_wait3A_52 : memref<5120xi32, #tpu.memory_space<hbm>>) dst(%arg12 : memref<5120xi32, #tpu.memory_space<vmem>>)
    %add3A_53 = arith.constant 5120 : i32
    %add3A_54 = arith.addi %mul3A_4, %add3A_53 : i32
    %scan3A_55 = arith.constant 0 : i32
    %scan3A_56 = arith.constant 0 : i32
    %scan3A_57 = arith.constant 320 : i32
    %scan3A_58 = arith.addi %scan3A_56, %scan3A_57 : i32
    %scan3A_59 = arith.constant 1 : i32
    %scan3A_60 = scf.for %scan3A_92 = %scan3A_56 to %scan3A_58 step %scan3A_59 iter_args(%scan3A_93 = %scan3A_55) -> (i32)  : i32 {
      %mul3A_94 = arith.constant 16 : i32
      %mul3A_95 = arith.muli %scan3A_92, %mul3A_94 : i32
      %get3A = arith.index_cast %mul3A_95 : i32 to index
      %get3A_96 = tpu.vector_load %arg10[%get3A] {strides = array<i32>} : memref<5120xi32, #tpu.memory_space<vmem>>, vector<16xi32>,
      %gather3A = tpu.vector_load_idx %arg8[%get3A_96] : memref<10240xf32, #tpu.memory_space<vmem>>[vector<16xi32>], vector<16xf32>,
      %swap3A = arith.index_cast %mul3A_95 : i32 to index
      %swap3A_97 = tpu.vector_load %arg14[%swap3A] {strides = array<i32>} : memref<5120xf32, #tpu.memory_space<vmem>>, vector<16xf32>,
      tpu.vector_store %arg14[%swap3A], %gather3A {strides = array<i32>} : memref<5120xf32, #tpu.memory_space<vmem>>, vector<16xf32>,
      %get3A_98 = arith.index_cast %mul3A_95 : i32 to index
      %get3A_99 = tpu.vector_load %arg12[%get3A_98] {strides = array<i32>} : memref<5120xi32, #tpu.memory_space<vmem>>, vector<16xi32>,
      %gather3A_100 = tpu.vector_load_idx %arg8[%get3A_99] : memref<10240xf32, #tpu.memory_space<vmem>>[vector<16xi32>], vector<16xf32>,
      %swap3A_101 = arith.index_cast %mul3A_95 : i32 to index
      %swap3A_102 = tpu.vector_load %arg16[%swap3A_101] {strides = array<i32>} : memref<5120xf32, #tpu.memory_space<vmem>>, vector<16xf32>,
      tpu.vector_store %arg16[%swap3A_101], %gather3A_100 {strides = array<i32>} : memref<5120xf32, #tpu.memory_space<vmem>>, vector<16xf32>,
      %scan3A_103 = arith.constant 0 : i32
      scf.yield %scan3A_103 : i32
    }
    %scan3A_61 = arith.constant 320 : i32
    %dma_start3A_62 = arith.constant 0 : i32
    %dma_start3A_63 = tpu.memref_slice %arg7[%dma_start3A_62, %add3A_54] : memref<2x327680xf32, #tpu.memory_space<hbm>> -> memref<1x5120xf32, #tpu.memory_space<hbm>>
    %dma_start3A_64 = tpu.memref_squeeze %dma_start3A_63 : memref<1x5120xf32, #tpu.memory_space<hbm>> -> memref<5120xf32, #tpu.memory_space<hbm>>
    %dma_start3A_65 = tpu.memref_slice %arg7[%dma_start3A_62, %add3A_54] : memref<2x327680xf32, #tpu.memory_space<hbm>> -> memref<1x5120xf32, #tpu.memory_space<hbm>>
    %dma_start3A_66 = tpu.memref_squeeze %dma_start3A_65 : memref<1x5120xf32, #tpu.memory_space<hbm>> -> memref<5120xf32, #tpu.memory_space<hbm>>
    tpu.enqueue_dma source(%arg14 : memref<5120xf32, #tpu.memory_space<vmem>>) target(%dma_start3A_66 : memref<5120xf32, #tpu.memory_space<hbm>>) target_semaphore(%arg24 : memref<!tpu.dma_semaphore, #tpu.memory_space<semaphore_mem>>)
    %dma_start3A_67 = arith.constant 1 : i32
    %dma_start3A_68 = tpu.memref_slice %arg7[%dma_start3A_67, %add3A_54] : memref<2x327680xf32, #tpu.memory_space<hbm>> -> memref<1x5120xf32, #tpu.memory_space<hbm>>
    %dma_start3A_69 = tpu.memref_squeeze %dma_start3A_68 : memref<1x5120xf32, #tpu.memory_space<hbm>> -> memref<5120xf32, #tpu.memory_space<hbm>>
    %dma_start3A_70 = tpu.memref_slice %arg7[%dma_start3A_67, %add3A_54] : memref<2x327680xf32, #tpu.memory_space<hbm>> -> memref<1x5120xf32, #tpu.memory_space<hbm>>
    %dma_start3A_71 = tpu.memref_squeeze %dma_start3A_70 : memref<1x5120xf32, #tpu.memory_space<hbm>> -> memref<5120xf32, #tpu.memory_space<hbm>>
    tpu.enqueue_dma source(%arg16 : memref<5120xf32, #tpu.memory_space<vmem>>) target(%dma_start3A_71 : memref<5120xf32, #tpu.memory_space<hbm>>) target_semaphore(%arg24 : memref<!tpu.dma_semaphore, #tpu.memory_space<semaphore_mem>>)
    %dma_wait3A_72 = arith.constant 0 : i32
    %dma_wait3A_73 = tpu.memref_slice %arg7[%dma_wait3A_72, %add3A_31] : memref<2x327680xf32, #tpu.memory_space<hbm>> -> memref<1x5120xf32, #tpu.memory_space<hbm>>
    %dma_wait3A_74 = tpu.memref_squeeze %dma_wait3A_73 : memref<1x5120xf32, #tpu.memory_space<hbm>> -> memref<5120xf32, #tpu.memory_space<hbm>>
    %dma_wait3A_75 = tpu.memref_slice %arg7[%dma_wait3A_72, %add3A_31] : memref<2x327680xf32, #tpu.memory_space<hbm>> -> memref<1x5120xf32, #tpu.memory_space<hbm>>
    %dma_wait3A_76 = tpu.memref_squeeze %dma_wait3A_75 : memref<1x5120xf32, #tpu.memory_space<hbm>> -> memref<5120xf32, #tpu.memory_space<hbm>>
    tpu.wait_dma2 semaphore(%arg23 : memref<!tpu.dma_semaphore, #tpu.memory_space<semaphore_mem>>) src(%arg13 : memref<5120xf32, #tpu.memory_space<vmem>>) dst(%dma_wait3A_76 : memref<5120xf32, #tpu.memory_space<hbm>>)
    %dma_wait3A_77 = arith.constant 1 : i32
    %dma_wait3A_78 = tpu.memref_slice %arg7[%dma_wait3A_77, %add3A_31] : memref<2x327680xf32, #tpu.memory_space<hbm>> -> memref<1x5120xf32, #tpu.memory_space<hbm>>
    %dma_wait3A_79 = tpu.memref_squeeze %dma_wait3A_78 : memref<1x5120xf32, #tpu.memory_space<hbm>> -> memref<5120xf32, #tpu.memory_space<hbm>>
    %dma_wait3A_80 = tpu.memref_slice %arg7[%dma_wait3A_77, %add3A_31] : memref<2x327680xf32, #tpu.memory_space<hbm>> -> memref<1x5120xf32, #tpu.memory_space<hbm>>
    %dma_wait3A_81 = tpu.memref_squeeze %dma_wait3A_80 : memref<1x5120xf32, #tpu.memory_space<hbm>> -> memref<5120xf32, #tpu.memory_space<hbm>>
    tpu.wait_dma2 semaphore(%arg23 : memref<!tpu.dma_semaphore, #tpu.memory_space<semaphore_mem>>) src(%arg15 : memref<5120xf32, #tpu.memory_space<vmem>>) dst(%dma_wait3A_81 : memref<5120xf32, #tpu.memory_space<hbm>>)
    %dma_wait3A_82 = arith.constant 0 : i32
    %dma_wait3A_83 = tpu.memref_slice %arg7[%dma_wait3A_82, %add3A_54] : memref<2x327680xf32, #tpu.memory_space<hbm>> -> memref<1x5120xf32, #tpu.memory_space<hbm>>
    %dma_wait3A_84 = tpu.memref_squeeze %dma_wait3A_83 : memref<1x5120xf32, #tpu.memory_space<hbm>> -> memref<5120xf32, #tpu.memory_space<hbm>>
    %dma_wait3A_85 = tpu.memref_slice %arg7[%dma_wait3A_82, %add3A_54] : memref<2x327680xf32, #tpu.memory_space<hbm>> -> memref<1x5120xf32, #tpu.memory_space<hbm>>
    %dma_wait3A_86 = tpu.memref_squeeze %dma_wait3A_85 : memref<1x5120xf32, #tpu.memory_space<hbm>> -> memref<5120xf32, #tpu.memory_space<hbm>>
    tpu.wait_dma2 semaphore(%arg24 : memref<!tpu.dma_semaphore, #tpu.memory_space<semaphore_mem>>) src(%arg14 : memref<5120xf32, #tpu.memory_space<vmem>>) dst(%dma_wait3A_86 : memref<5120xf32, #tpu.memory_space<hbm>>)
    %dma_wait3A_87 = arith.constant 1 : i32
    %dma_wait3A_88 = tpu.memref_slice %arg7[%dma_wait3A_87, %add3A_54] : memref<2x327680xf32, #tpu.memory_space<hbm>> -> memref<1x5120xf32, #tpu.memory_space<hbm>>
    %dma_wait3A_89 = tpu.memref_squeeze %dma_wait3A_88 : memref<1x5120xf32, #tpu.memory_space<hbm>> -> memref<5120xf32, #tpu.memory_space<hbm>>
    %dma_wait3A_90 = tpu.memref_slice %arg7[%dma_wait3A_87, %add3A_54] : memref<2x327680xf32, #tpu.memory_space<hbm>> -> memref<1x5120xf32, #tpu.memory_space<hbm>>
    %dma_wait3A_91 = tpu.memref_squeeze %dma_wait3A_90 : memref<1x5120xf32, #tpu.memory_space<hbm>> -> memref<5120xf32, #tpu.memory_space<hbm>>
    tpu.wait_dma2 semaphore(%arg24 : memref<!tpu.dma_semaphore, #tpu.memory_space<semaphore_mem>>) src(%arg16 : memref<5120xf32, #tpu.memory_space<vmem>>) dst(%dma_wait3A_91 : memref<5120xf32, #tpu.memory_space<hbm>>)
    return
  }
}

module attributes {stable_mosaic.version = 14 : i64} {
  func.func @_enc_tc_kernel(%arg0: memref<10000x128xf32, #tpu.memory_space<vmem>>, %arg1: memref<64x128xf32, #tpu.memory_space<vmem>>, %arg2: memref<64x1xf32, #tpu.memory_space<vmem>>, %arg3: memref<1x64xf32, #tpu.memory_space<vmem>>, %arg4: memref<1x1xf32, #tpu.memory_space<vmem>>, %arg5: memref<1x10000xf32, #tpu.memory_space<vmem>>) attributes {dimension_semantics = [], scalar_prefetch = 0 : i64, scratch_operands = 0 : i64, tpu.core_type = #tpu.core_type<tc>} {
    %get3A = arith.constant 0 : index
    %get3A_0 = arith.constant 0 : index
    %get3A_1 = vector.load %arg1[%get3A, %get3A_0] : memref<64x128xf32, #tpu.memory_space<vmem>>, vector<64x128xf32>
    %get3A_2 = arith.constant 0 : index
    %get3A_3 = arith.constant 0 : index
    %get3A_4 = vector.load %arg0[%get3A_2, %get3A_3] : memref<10000x128xf32, #tpu.memory_space<vmem>>, vector<10000x128xf32>
    %dot_general3A = arith.constant dense<0.000000e+00> : vector<64x10000xf32>
    %dot_general3A_5 = tpu.matmul %get3A_1, %get3A_4, %dot_general3A {dimension_numbers = #tpu.dot_dimension_numbers<[1], [1], [0], [0], [0, 0, 1, 0], [], []>, transpose_lhs_hint = false} : vector<64x128xf32>, vector<10000x128xf32>, vector<64x10000xf32> -> vector<64x10000xf32>
    %get3A_6 = arith.constant 0 : index
    %get3A_7 = arith.constant 0 : index
    %get3A_8 = vector.load %arg2[%get3A_6, %get3A_7] : memref<64x1xf32, #tpu.memory_space<vmem>>, vector<64x1xf32>
    %add3A = vector.broadcast %get3A_8 : vector<64x1xf32> to vector<64x10000xf32>
    %add3A_9 = arith.addf %dot_general3A_5, %add3A : vector<64x10000xf32>
    %max3A = arith.constant 0.000000e+00 : f32
    %max3A_10 = vector.broadcast %max3A : f32 to vector<64x10000xf32>
    %max3A_11 = arith.maximumf %add3A_9, %max3A_10 : vector<64x10000xf32>
    %get3A_12 = arith.constant 0 : index
    %get3A_13 = arith.constant 0 : index
    %get3A_14 = vector.load %arg3[%get3A_12, %get3A_13] : memref<1x64xf32, #tpu.memory_space<vmem>>, vector<1x64xf32>
    %dot_general3A_15 = arith.constant dense<0.000000e+00> : vector<1x10000xf32>
    %dot_general3A_16 = tpu.matmul %get3A_14, %max3A_11, %dot_general3A_15 {dimension_numbers = #tpu.dot_dimension_numbers<[1], [0], [0], [1], [0, 0, 1, 1], [], []>, transpose_lhs_hint = false} : vector<1x64xf32>, vector<64x10000xf32>, vector<1x10000xf32> -> vector<1x10000xf32>
    %get3A_17 = arith.constant 0 : index
    %get3A_18 = arith.constant 0 : index
    %get3A_19 = vector.load %arg4[%get3A_17, %get3A_18] : memref<1x1xf32, #tpu.memory_space<vmem>>, vector<1x1xf32>
    %add3A_20 = vector.broadcast %get3A_19 : vector<1x1xf32> to vector<1x10000xf32>
    %add3A_21 = arith.addf %dot_general3A_16, %add3A_20 : vector<1x10000xf32>
    %max3A_22 = arith.constant 0.000000e+00 : f32
    %max3A_23 = vector.broadcast %max3A_22 : f32 to vector<1x10000xf32>
    %max3A_24 = arith.maximumf %add3A_21, %max3A_23 : vector<1x10000xf32>
    %swap3A = arith.constant 0 : index
    %swap3A_25 = arith.constant 0 : index
    %swap3A_26 = vector.load %arg5[%swap3A, %swap3A_25] : memref<1x10000xf32, #tpu.memory_space<vmem>>, vector<1x10000xf32>
    tpu.vector_store %arg5[%swap3A, %swap3A_25], %max3A_24 {strides = array<i32>} : memref<1x10000xf32, #tpu.memory_space<vmem>>, vector<1x10000xf32>,
    return
  }
}

module attributes {stable_mosaic.version = 14 : i64} {
  func.func @_edge_mlp_tc_kernel(%arg0: i32, %arg1: memref<1x16384xf32, #tpu.memory_space<vmem>>, %arg2: memref<2x16384xf32, #tpu.memory_space<vmem>>, %arg3: memref<64x3xf32, #tpu.memory_space<vmem>>, %arg4: memref<64x1xf32, #tpu.memory_space<vmem>>, %arg5: memref<1x64xf32, #tpu.memory_space<vmem>>, %arg6: memref<1x1xf32, #tpu.memory_space<vmem>>, %arg7: memref<1x16384xf32, #tpu.memory_space<vmem>>) attributes {dimension_semantics = [#tpu.dimension_semantics<arbitrary>], iteration_bounds = array<i64: 20>, scalar_prefetch = 0 : i64, scratch_operands = 0 : i64, tpu.core_type = #tpu.core_type<tc>, window_params = [{transform_indices = @transform_0, window_bounds = array<i64: 1, 16384>}, {transform_indices = @transform_1, window_bounds = array<i64: 2, 16384>}, {pipeline_mode = #tpu.pipeline_mode<synchronous>, transform_indices = @transform_2, window_bounds = array<i64: 64, 3>}, {pipeline_mode = #tpu.pipeline_mode<synchronous>, transform_indices = @transform_3, window_bounds = array<i64: 64, 1>}, {pipeline_mode = #tpu.pipeline_mode<synchronous>, transform_indices = @transform_4, window_bounds = array<i64: 1, 64>}, {pipeline_mode = #tpu.pipeline_mode<synchronous>, transform_indices = @transform_5, window_bounds = array<i64: 1, 1>}, {transform_indices = @transform_6, window_bounds = array<i64: 1, 16384>}]} {
    %get3A = arith.constant 0 : index
    %get3A_0 = arith.constant 0 : index
    %get3A_1 = vector.load %arg1[%get3A, %get3A_0] : memref<1x16384xf32, #tpu.memory_space<vmem>>, vector<1x16384xf32>
    %get3A_2 = arith.constant 0 : index
    %get3A_3 = arith.constant 0 : index
    %get3A_4 = vector.load %arg2[%get3A_2, %get3A_3] : memref<2x16384xf32, #tpu.memory_space<vmem>>, vector<2x16384xf32>
    %concatenate3A = tpu.concatenate %get3A_1, %get3A_4 in 0 : vector<1x16384xf32>, vector<2x16384xf32> -> vector<3x16384xf32>
    %get3A_5 = arith.constant 0 : index
    %get3A_6 = arith.constant 0 : index
    %get3A_7 = vector.load %arg3[%get3A_5, %get3A_6] : memref<64x3xf32, #tpu.memory_space<vmem>>, vector<64x3xf32>
    %dot_general3A = arith.constant dense<0.000000e+00> : vector<64x16384xf32>
    %dot_general3A_8 = tpu.matmul %get3A_7, %concatenate3A, %dot_general3A {dimension_numbers = #tpu.dot_dimension_numbers<[1], [0], [0], [1], [0, 0, 1, 1], [], []>, transpose_lhs_hint = false} : vector<64x3xf32>, vector<3x16384xf32>, vector<64x16384xf32> -> vector<64x16384xf32>
    %get3A_9 = arith.constant 0 : index
    %get3A_10 = arith.constant 0 : index
    %get3A_11 = vector.load %arg4[%get3A_9, %get3A_10] : memref<64x1xf32, #tpu.memory_space<vmem>>, vector<64x1xf32>
    %add3A = vector.broadcast %get3A_11 : vector<64x1xf32> to vector<64x16384xf32>
    %add3A_12 = arith.addf %dot_general3A_8, %add3A : vector<64x16384xf32>
    %max3A = arith.constant 0.000000e+00 : f32
    %max3A_13 = vector.broadcast %max3A : f32 to vector<64x16384xf32>
    %max3A_14 = arith.maximumf %add3A_12, %max3A_13 : vector<64x16384xf32>
    %get3A_15 = arith.constant 0 : index
    %get3A_16 = arith.constant 0 : index
    %get3A_17 = vector.load %arg5[%get3A_15, %get3A_16] : memref<1x64xf32, #tpu.memory_space<vmem>>, vector<1x64xf32>
    %dot_general3A_18 = arith.constant dense<0.000000e+00> : vector<1x16384xf32>
    %dot_general3A_19 = tpu.matmul %get3A_17, %max3A_14, %dot_general3A_18 {dimension_numbers = #tpu.dot_dimension_numbers<[1], [0], [0], [1], [0, 0, 1, 1], [], []>, transpose_lhs_hint = false} : vector<1x64xf32>, vector<64x16384xf32>, vector<1x16384xf32> -> vector<1x16384xf32>
    %get3A_20 = arith.constant 0 : index
    %get3A_21 = arith.constant 0 : index
    %get3A_22 = vector.load %arg6[%get3A_20, %get3A_21] : memref<1x1xf32, #tpu.memory_space<vmem>>, vector<1x1xf32>
    %add3A_23 = vector.broadcast %get3A_22 : vector<1x1xf32> to vector<1x16384xf32>
    %add3A_24 = arith.addf %dot_general3A_19, %add3A_23 : vector<1x16384xf32>
    %max3A_25 = arith.constant 0.000000e+00 : f32
    %max3A_26 = vector.broadcast %max3A_25 : f32 to vector<1x16384xf32>
    %max3A_27 = arith.maximumf %add3A_24, %max3A_26 : vector<1x16384xf32>
    %swap3A = arith.constant 0 : index
    %swap3A_28 = arith.constant 0 : index
    %swap3A_29 = vector.load %arg7[%swap3A, %swap3A_28] : memref<1x16384xf32, #tpu.memory_space<vmem>>, vector<1x16384xf32>
    tpu.vector_store %arg7[%swap3A, %swap3A_28], %max3A_27 {strides = array<i32>} : memref<1x16384xf32, #tpu.memory_space<vmem>>, vector<1x16384xf32>,
    return
  }
  func.func @transform_0(%arg0: i32) -> (i32, i32) {
    %c0_i32 = arith.constant 0 : i32
    %c0_i32_0 = arith.constant 0 : i32
    return %c0_i32, %arg0 : i32, i32
  }
  func.func @transform_1(%arg0: i32) -> (i32, i32) {
    %c0_i32 = arith.constant 0 : i32
    %c0_i32_0 = arith.constant 0 : i32
    return %c0_i32, %arg0 : i32, i32
  }
  func.func @transform_2(%arg0: i32) -> (i32, i32) {
    %c0_i32 = arith.constant 0 : i32
    %c0_i32_0 = arith.constant 0 : i32
    %c0_i32_1 = arith.constant 0 : i32
    return %c0_i32, %c0_i32_0 : i32, i32
  }
  func.func @transform_3(%arg0: i32) -> (i32, i32) {
    %c0_i32 = arith.constant 0 : i32
    %c0_i32_0 = arith.constant 0 : i32
    %c0_i32_1 = arith.constant 0 : i32
    return %c0_i32, %c0_i32_0 : i32, i32
  }
  func.func @transform_4(%arg0: i32) -> (i32, i32) {
    %c0_i32 = arith.constant 0 : i32
    %c0_i32_0 = arith.constant 0 : i32
    %c0_i32_1 = arith.constant 0 : i32
    return %c0_i32, %c0_i32_0 : i32, i32
  }
  func.func @transform_5(%arg0: i32) -> (i32, i32) {
    %c0_i32 = arith.constant 0 : i32
    %c0_i32_0 = arith.constant 0 : i32
    %c0_i32_1 = arith.constant 0 : i32
    return %c0_i32, %c0_i32_0 : i32, i32
  }
  func.func @transform_6(%arg0: i32) -> (i32, i32) {
    %c0_i32 = arith.constant 0 : i32
    %c0_i32_0 = arith.constant 0 : i32
    return %c0_i32, %arg0 : i32, i32
  }
}

module attributes {stable_mosaic.version = 14 : i64} {
  func.func @_dec_tc_kernel(%arg0: memref<2x10240xf32, #tpu.memory_space<vmem>>, %arg1: memref<2x10240xf32, #tpu.memory_space<vmem>>, %arg2: memref<64x1xf32, #tpu.memory_space<vmem>>, %arg3: memref<64x1xf32, #tpu.memory_space<vmem>>, %arg4: memref<1x64xf32, #tpu.memory_space<vmem>>, %arg5: memref<1x1xf32, #tpu.memory_space<vmem>>, %arg6: memref<1x10240xf32, #tpu.memory_space<vmem>>) attributes {dimension_semantics = [], scalar_prefetch = 0 : i64, scratch_operands = 0 : i64, tpu.core_type = #tpu.core_type<tc>} {
    %get3A = arith.constant 0 : index
    %get3A_0 = arith.constant 0 : index
    %get3A_1 = vector.load %arg0[%get3A, %get3A_0] : memref<2x10240xf32, #tpu.memory_space<vmem>>, vector<1x10240xf32>
    %get3A_2 = arith.constant 1 : index
    %get3A_3 = arith.constant 0 : index
    %get3A_4 = vector.load %arg0[%get3A_2, %get3A_3] : memref<2x10240xf32, #tpu.memory_space<vmem>>, vector<1x10240xf32>
    %add3A = arith.addf %get3A_1, %get3A_4 : vector<1x10240xf32>
    %get3A_5 = arith.constant 0 : index
    %get3A_6 = arith.constant 0 : index
    %get3A_7 = vector.load %arg1[%get3A_5, %get3A_6] : memref<2x10240xf32, #tpu.memory_space<vmem>>, vector<1x10240xf32>
    %get3A_8 = arith.constant 1 : index
    %get3A_9 = arith.constant 0 : index
    %get3A_10 = vector.load %arg1[%get3A_8, %get3A_9] : memref<2x10240xf32, #tpu.memory_space<vmem>>, vector<1x10240xf32>
    %add3A_11 = arith.addf %get3A_7, %get3A_10 : vector<1x10240xf32>
    %max3A = arith.constant 9.99999996E-13 : f32
    %max3A_12 = vector.broadcast %max3A : f32 to vector<1x10240xf32>
    %max3A_13 = arith.maximumf %add3A, %max3A_12 : vector<1x10240xf32>
    %div3A = arith.divf %add3A_11, %max3A_13 : vector<1x10240xf32>
    %get3A_14 = arith.constant 0 : index
    %get3A_15 = arith.constant 0 : index
    %get3A_16 = vector.load %arg2[%get3A_14, %get3A_15] : memref<64x1xf32, #tpu.memory_space<vmem>>, vector<64x1xf32>
    %mul3A = vector.broadcast %get3A_16 : vector<64x1xf32> to vector<64x10240xf32>
    %mul3A_17 = vector.broadcast %div3A : vector<1x10240xf32> to vector<64x10240xf32>
    %mul3A_18 = arith.mulf %mul3A, %mul3A_17 : vector<64x10240xf32>
    %get3A_19 = arith.constant 0 : index
    %get3A_20 = arith.constant 0 : index
    %get3A_21 = vector.load %arg3[%get3A_19, %get3A_20] : memref<64x1xf32, #tpu.memory_space<vmem>>, vector<64x1xf32>
    %add3A_22 = vector.broadcast %get3A_21 : vector<64x1xf32> to vector<64x10240xf32>
    %add3A_23 = arith.addf %mul3A_18, %add3A_22 : vector<64x10240xf32>
    %max3A_24 = arith.constant 0.000000e+00 : f32
    %max3A_25 = vector.broadcast %max3A_24 : f32 to vector<64x10240xf32>
    %max3A_26 = arith.maximumf %add3A_23, %max3A_25 : vector<64x10240xf32>
    %get3A_27 = arith.constant 0 : index
    %get3A_28 = arith.constant 0 : index
    %get3A_29 = vector.load %arg4[%get3A_27, %get3A_28] : memref<1x64xf32, #tpu.memory_space<vmem>>, vector<1x64xf32>
    %dot_general3A = arith.constant dense<0.000000e+00> : vector<1x10240xf32>
    %dot_general3A_30 = tpu.matmul %get3A_29, %max3A_26, %dot_general3A {dimension_numbers = #tpu.dot_dimension_numbers<[1], [0], [0], [1], [0, 0, 1, 1], [], []>, transpose_lhs_hint = false} : vector<1x64xf32>, vector<64x10240xf32>, vector<1x10240xf32> -> vector<1x10240xf32>
    %get3A_31 = arith.constant 0 : index
    %get3A_32 = arith.constant 0 : index
    %get3A_33 = vector.load %arg5[%get3A_31, %get3A_32] : memref<1x1xf32, #tpu.memory_space<vmem>>, vector<1x1xf32>
    %add3A_34 = vector.broadcast %get3A_33 : vector<1x1xf32> to vector<1x10240xf32>
    %add3A_35 = arith.addf %dot_general3A_30, %add3A_34 : vector<1x10240xf32>
    %max3A_36 = arith.constant 0.000000e+00 : f32
    %max3A_37 = vector.broadcast %max3A_36 : f32 to vector<1x10240xf32>
    %max3A_38 = arith.maximumf %add3A_35, %max3A_37 : vector<1x10240xf32>
    %swap3A = arith.constant 0 : index
    %swap3A_39 = arith.constant 0 : index
    %swap3A_40 = vector.load %arg6[%swap3A, %swap3A_39] : memref<1x10240xf32, #tpu.memory_space<vmem>>, vector<1x10240xf32>
    tpu.vector_store %arg6[%swap3A, %swap3A_39], %max3A_38 {strides = array<i32>} : memref<1x10240xf32, #tpu.memory_space<vmem>>, vector<1x10240xf32>,
    return
  }
}

</mosaic_0001>

<sc_bundles>
// kernel: kernel.12.cloned.1.call-start
scs
__scs_entry_jumppad:
0x0: {  	(pc) =	sbr.rel $0x88, $3  }
0x1: {  	(tag) =	ssettag $0x0;
	lr =	simm.s32 $0x1  }
0x2: {  	[smem:$0x3F8D] =	sst lr;
	_ =	strace $0xD0000000  }
0x3: {  	_ = 	snop  }
0x4: {  	_ = 	snop  }
0x5: {  	_ = 	snop  }
0x6: {  	_ = 	snop  }
0x7: {  	_ = 	snop  }
__scs_overlays_trampoline_lowered:
0x8: {  	[smem:$0x3F9C] =	sst s0  }
0x9: {  	[smem:$0x3F9D] =	sst s1  }
0xa: {  	[smem:$0x3F9E] =	sst s2  }
0xb: {  	[smem:$0x3F9F] =	sst s3  }
0xc: {  	[smem:$0x3FA0] =	sst s4  }
0xd: {  	[smem:$0x3FA1] =	sst s5  }
0xe: {  	[smem:$0x3FA2] =	sst s6  }
0xf: {  	[smem:$0x3FA3] =	sst s7  }
0x10: {  	[smem:$0x3FA4] =	sst s8  }
0x11: {  	[smem:$0x3FA5] =	sst s9;
	s0 =	simm.s32 @!p0 $0x0  }
0x12: {  	s1 =	sld [smem:$0x3F8B];
	s0 =	simm.s32 @p0 $0x1  }
0x13: {  	[smem:$0x3FA6] =	sst s0;
	s0 =	simm.s32 @!p1 $0x0  }
0x14: {  	s2 =	sld [smem:$0x3F8A];
	s0 =	simm.s32 @p1 $0x1  }
0x15: {  	[smem:$0x3FA7] =	sst s0;
	s0 =	simm.s32 @!p2 $0x0  }
0x16: {  	s3 =	sld [smem:$0x3FDB];
	s0 =	simm.s32 @p2 $0x1  }
0x17: {  	s4 =	simm.s32 $0x1BF5;
	[smem:$0x3FA9] =	sst s0  }
0x18: {  	s0 =	sld [smem:$0x3F8C];
	_ =	swait.ge [sflag:s4], $0x0  }
0x19: {  	s7 =	sld [smem:$0x3F8D]  }
0x1a: {  	s8 =	sadd.s32 $0xFFFFE003, lr  }
0x1b: {  	s9 =	sadd.s32 $0xFFFFFEF7, lr;
	s5 =	simm.s32 $0xFFFFFFFF;
	p2 =	slt.u32 s8, $0xFFFFF086  }
0x1c: {  	p1 =	slt.u32 s9, $0xF7A;
	s5 =	simm.s32 @!p2 $0x0  }
0x1d: {  	s5 =	simm.s32 @p1 $0x1;
	p0 =	seq.s32 s7, s2  }
0x1e: {  	s7 =	smul.u32 @!p0 $0xF7A, s2;
	p2 =	seq.s32 @!p0 s5, $0x0  }
0x1f: {  	s9 =	smul.u32 $0xF7A, s1;
	s8 =	simm.s32 @!p0 $0x1BF5;
	p2 =	por !p2, p0  }
0x20: {  	[sflag:s8] =	ssyncset.s32 @!p0 $0xFFFFF086;
	s6 =	sadd.s32 @!p0 s3, s7;
	s7 =	simm.s32 @!p0 $0x108  }
0x21: {  	s3 =	sadd.s32 s3, s9;
	s6 =	sadd.s32 @!p0 $0x88, s6;
	s7 =	simm.s32 @p2 $0x1082  }
0x22: {  	[simem:s7], [sflag:s8] =	dma.local @!p0 [hbm:s6], $0xF7A  }
0x23: {  	s9 =	sor.u32 $0xD0000000, s2;
	s6 =	simm.s32 $0x108;
	_ =	swait.ge @!p0 [sflag:s8], $0x0  }
0x24: {  	s3 =	sadd.s32 $0x88, s3;
	s6 =	simm.s32 @!p1 $0x1082;
	[sflag:s4] =	ssyncset.s32 $0xFFFFF086  }
0x25: {  	[simem:s6], [sflag:s4] =	dma.local [hbm:s3], $0xF7A  }
0x26: {  	[smem:$0x3F8D] =	sst s1;
	(tag) =	ssettag s2;
	_ =	strace s9  }
0x27: {  	s1 =	sld [smem:$0x3F9D]  }
0x28: {  	s2 =	sld [smem:$0x3F9E]  }
0x29: {  	s4 =	sld [smem:$0x3FA0]  }
0x2a: {  	p0 =	seq.s32 s5, $0x0;
	s5 =	sld [smem:$0x3FA1]  }
0x2b: {  	s6 =	sld [smem:$0x3FA2]  }
0x2c: {  	s7 =	sld [smem:$0x3FA3]  }
0x2d: {  	s3 =	simm.s32 $0x108;
	s8 =	sld [smem:$0x3FA4]  }
0x2e: {  	s3 =	simm.s32 @!p0 $0x1082;
	s9 =	sld [smem:$0x3FA5]  }
0x2f: {  	lr =	sadd.s32 s0, s3;
	s0 =	sld [smem:$0x3F9C]  }
0x30: {  	s3 =	sld [smem:$0x3F9F]  }
0x31: {  	[smem:$0x3FA8] =	sst s10  }
0x32: {  	s10 =	sld [smem:$0x3FA6];
	_ =	sdelay $0x3  }
0x33: {  	p0 =	seq.s32 s10, $0x1;
	s10 =	sld [smem:$0x3FA8];
	_ =	sdelay $0x3  }
0x34: {  	[smem:$0x3FA8] =	sst s10  }
0x35: {  	s10 =	sld [smem:$0x3FA7];
	_ =	sdelay $0x3  }
0x36: {  	p1 =	seq.s32 s10, $0x1;
	s10 =	sld [smem:$0x3FA8];
	_ =	sdelay $0x3  }
0x37: {  	[smem:$0x3FA8] =	sst s10  }
0x38: {  	s10 =	sld [smem:$0x3FA9]  }
0x39: {  	_ = 	snop;
	(pc) =	sbr.ind lr, $3  }
0x3a: {  	_ = 	snop  }
0x3b: {  	_ = 	snop  }
0x3c: {  	p2 =	seq.s32 s10, $0x1;
	s10 =	sld [smem:$0x3FA8]  }
0x3d: {  	_ =	shalt  }
0x3e: {  	_ =	shalt  }
0x3f: {  	_ =	shalt  }
0x40: {  	_ =	shalt  }
0x41: {  	_ =	shalt  }
0x42: {  	_ =	shalt  }
0x43: {  	_ =	shalt  }
0x44: {  	_ =	shalt  }
0x45: {  	_ =	shalt  }
0x46: {  	_ =	shalt  }
0x47: {  	_ =	shalt  }
0x48: {  	_ =	shalt  }
0x49: {  	_ =	shalt  }
0x4a: {  	_ =	shalt  }
0x4b: {  	_ =	shalt  }
0x4c: {  	_ =	shalt  }
0x4d: {  	_ =	shalt  }
0x4e: {  	_ =	shalt  }
0x4f: {  	_ =	shalt  }
0x50: {  	_ =	shalt  }
0x51: {  	_ =	shalt  }
0x52: {  	_ =	shalt  }
0x53: {  	_ =	shalt  }
0x54: {  	_ =	shalt  }
0x55: {  	_ =	shalt  }
0x56: {  	_ =	shalt  }
0x57: {  	_ =	shalt  }
0x58: {  	_ =	shalt  }
0x59: {  	_ =	shalt  }
0x5a: {  	_ =	shalt  }
0x5b: {  	_ =	shalt  }
0x5c: {  	_ =	shalt  }
0x5d: {  	_ =	shalt  }
0x5e: {  	_ =	shalt  }
0x5f: {  	_ =	shalt  }
0x60: {  	_ =	shalt  }
0x61: {  	_ =	shalt  }
0x62: {  	_ =	shalt  }
0x63: {  	_ =	shalt  }
0x64: {  	_ =	shalt  }
0x65: {  	_ =	shalt  }
0x66: {  	_ =	shalt  }
0x67: {  	_ =	shalt  }
0x68: {  	_ =	shalt  }
0x69: {  	_ =	shalt  }
0x6a: {  	_ =	shalt  }
0x6b: {  	_ =	shalt  }
0x6c: {  	_ =	shalt  }
0x6d: {  	_ =	shalt  }
0x6e: {  	_ =	shalt  }
0x6f: {  	_ =	shalt  }
0x70: {  	_ =	shalt  }
0x71: {  	_ =	shalt  }
0x72: {  	_ =	shalt  }
0x73: {  	_ =	shalt  }
0x74: {  	_ =	shalt  }
0x75: {  	_ =	shalt  }
0x76: {  	_ =	shalt  }
0x77: {  	_ =	shalt  }
0x78: {  	_ =	shalt  }
0x79: {  	_ =	shalt  }
0x7a: {  	_ =	shalt  }
0x7b: {  	_ =	shalt  }
0x7c: {  	_ =	shalt  }
0x7d: {  	_ =	shalt  }
0x7e: {  	_ =	shalt  }
0x7f: {  	_ =	shalt  }
0x80: {  	_ =	shalt  }
0x81: {  	_ =	shalt  }
0x82: {  	_ =	shalt  }
0x83: {  	_ =	shalt  }
0x84: {  	_ =	shalt  }
0x85: {  	_ =	shalt  }
0x86: {  	_ =	shalt  }
0x87: {  	_ =	shalt  }
.Lfunc_end0:
.L_simem_size_0:
called_computation.1_lowered:
.L_overlay_start_0:
0x88: {  	s2 =	sld [smem:$0x3FD9]  }
0x89: {  	s3 =	sld [smem:$0x3FFE];
	_ =	sdelay $0x1  }
0x8a: {  	s1 =	srdreg.scid  }
0x8b: {  	s0 =	sand.u32 $0x1, s1  }
0x8c: {  	s16 =	sshll.u32 s0, $0xA;
	s2 =	sadd.s32 s3, s2  }
0x8d: {  	s2 =	sadd.s32 s2, s16  }
0x8e: {  	[smem:$0x3FB4] =	sst s2  }
0x8f: {  	_ = 	snop  }
0x90: {  	(tm) =	ssettm $0x1  }
0x91: {  	s17 =	sld [smem:$0x3FFB];
	_ =	sdelay $0x3  }
0x92: {  	_ =	strace s17  }
0x93: {  	s2 =	sld [smem:$0x3FFC];
	_ =	sdelay $0x3  }
0x94: {  	_ =	strace s2  }
0x95: {  	s2 =	sld [smem:$0x3FFD];
	_ =	sdelay $0x3  }
0x96: {  	_ =	strace s2  }
0x97: {  	_ =	strace $0x8FFFFFFF  }
0x98: {  	s18 =	sld [smem:$0x3FDB];
	_ =	sdelay $0x1  }
0x99: {  	s19 =	simm.s32 $_scs_section_size  }
0x9a: {  	s4 =	simm.s32 $_size__tile_overlayer_lowered;
	s5 =	simm.s32 $_tile_overlayer_lowered  }
0x9b: {  	s22 =	simm.s32 $0x1BFF;
	s21 =	sshll.u32 s5, $0x1;
	s2 =	sadd.s32 s19, s18  }
0x9c: {  	s6 =	simm.s32 $0x0;
	s20 =	sshll.u32 s4, $0x1;
	s4 =	sadd.s32 s21, s2  }
0x9d: {  	[timem:s6], [sflag:s22] =	dma.local [hbm:s4], s20  }
0x9e: {  	_ =	swait.ge [sflag:s22], s20  }
0x9f: {  	s3 =	ssub.s32 $0x0, s20;
	[sflag:s22] =	ssyncset.done $0x0  }
0xa0: {  	[sflag:s22] =	ssyncadd.s32 s3;
	_ =	sdelay $0x1  }
0xa1: {  	s23 =	simm.s32 $0x1B8B  }
0xa2: {  	_ =	swait.ge [sflag:s23], $0x1  }
0xa3: {  	[sflag:s23] =	ssyncset.done $0x0  }
0xa4: {  	s25 =	simm.s32 $0x1B8E;
	s24 =	sld [smem:$0x3FFE];
	[sflag:s23] =	ssyncadd.s32 $0xFFFFFFFF  }
0xa5: {  	s26 =	simm.s32 $execute0_lowered;
	[smem:$0x3FD2] =	sst s25  }
0xa6: {  	s4 =	sshll.u32 s26, $0x1;
	_ =	strace $0x80000049;
	[dreg:$0x1] =	wrdreg $0xFFFFFFFF  }
0xa7: {  	s28 =	simm.s32 $_size_execute0_lowered;
	s2 =	sadd.s32 s2, s4;
	[dreg:$0x0] =	wrdreg $0x0  }
0xa8: {  	s4 =	sshll.u32 s28, $0x1;
	[dreg:$0x2] =	wrdreg s2  }
0xa9: {  	[dreg:$0x3] =	wrdreg s4  }
0xaa: {  	[dreg:$0x4] =	wrdreg $0xC0  }
0xab: {  	_ =	task [dreg:s6], $0x5FFFF  }
0xac: {  	[dreg:$0x1] =	wrdreg $0xFFFFFFFF  }
0xad: {  	[dreg:$0x0] =	wrdreg $0x60  }
0xae: {  	[dreg:$0x2] =	wrdreg s24  }
0xaf: {  	[dreg:$0x3] =	wrdreg $0xD2000  }
0xb0: {  	[dreg:$0x4] =	wrdreg $0x9  }
0xb1: {  	_ =	task.clear_ibuf [dreg:s6], $0x5FFFF;
	_ =	strace $0x90000049  }
0xb2: {  	s29 =	simm.s32 $0x9;
	_ =	strace $0x8000004B  }
0xb3: {  	_ =	swait.ge [sflag:s29], $0x1  }
0xb4: {  	[sflag:s29] =	ssyncadd.s32 $0xFFFFFFFF  }
0xb5: {  	_ =	strace $0x9000004B  }
0xb6: {  	_ =	sfence  }
0xb7: {  	s30 =	sld [smem:$0x0];
	_ =	sdelay $0x2  }
0xb8: {  	s31 =	sshll.u32 s1, $0xD;
	s1 =	sshrl.u32 s1, $0x2  }
0xb9: {  	s3 =	sand.u32 $0x4000, s31;
	s1 =	sadd.s32 s1, s30  }
0xba: {  	s0 =	sor.u32 s3, s0;
	s1 =	sshll.u32 s1, $0x11  }
0xbb: {  	s0 =	sor.u32 s1, s0  }
0xbc: {  	s0 =	sadd.s32 $0x8F2B, s0  }
0xbd: {  	[sflag:s0] =	ssyncadd.remote.s32 $0x1  }
0xbe: {  	_ =	sfence.sel $0xFFFF  }
0xbf: {  	[dreg:$0x0] =	wrdreg $0xFFFFFFFF;
	(pc) =	sbr.abs _section_cstart, $3  }
0xc0: {  	[dreg:$0x1] =	wrdreg $0xFFFFFFFF  }
0xc1: {  	_ =	task.clear_ibuf [dreg:s6], $0x2FFFF;
	_ =	strace $0x9FFFFFFF  }
0xc2: {  	(tm) =	ssettm $0x7FFFFFFF  }
0xc3: {  	_ =	shalt  }
tec
execute0_lowered:
.L_overlay_start_1:
0x0: {  	(tag) =	ssettag $0x1  }
0x1: {  	s0 =	rddreg [dreg:$0x0]  }
0x2: {  	s14 =	rddreg [dreg:$0x1];
	s3 =	simm.s32 $0x0;
	s11 =	stileid.u32  }
0x3: {  	s6 =	srdreg.scid;
	s19 =	simm.s32 $0x80;
	s20 =	simm.s32 $0x100  }
0x4: {  	s21 =	simm.s32 $0xC800;
	s22 =	simm.s32 $0x5;
	s29 =	simm.s32 $0x1  }
0x5: {  	s28 =	simm.s32 $0x0;
	[smem:$0x7FF] =	sst s3;
	s1 =	smul.u32 $0x280, s11  }
0x6: {  	s2 =	sadd.s32 $0xD000, s0;
	s13 =	sadd.s32 $0x17000, s0;
	s5 =	sadd.s32 $0x21000, s0  }
0x7: {  	s7 =	sadd.s32 $0x21A00, s0;
	s23 =	sand.u32 $0x1, s6;
	s8 =	smul.u32 $0xA0, s11  }
0x8: {  	s16 =	sadd.s32 $0x22400, s0;
	_ =	strace $0x8000004A;
	s24 =	ssub.s32 $0x2, s23  }
0x9: {  	s6 =	sshll.u32 s23, $0x4;
	p0 =	sne.s32 s23, $0x0;
	s23 =	simm.s32 $0x8C00  }
0xa: {  	s4 =	sshrl.u32 s1, $0x3;
	s10 =	sshrl.u32 s24, $0x1;
	s12 =	sor.u32 s11, s6  }
0xb: {  	s25 =	sor.u32 $0x10, s8;
	s6 =	sadd.s32 s7, s8;
	s9 =	sadd.s32 s4, s0  }
0xc: {  	s18 =	ssub.s32 s24, s10;
	s11 =	smul.u32 $0x2800, s12;
	s4 =	sadd.s32 s5, s8  }
0xd: {  	s5 =	sadd.s32 s5, s25;
	s7 =	sadd.s32 s7, s25;
	s8 =	sadd.s32 s1, s14  }
0xe: {  	s15 =	smul.u32 $0xA00, s12;
	s0 =	sadd.s32 $0x22410, s0;
	s1 =	simm.s32 $0xA000  }
0xf: {  	s24 =	simm.s32 $0xB400;
	s25 =	simm.s32 $0x3;
	s9 =	sadd.s32 $0x2A00, s9  }
0x10: {  	s18 =	smax.u32 s18, $0x1;
	s26 =	sshrl.u32 s11, $0x3;
	s17 =	sadd.s32 $0x1400, s11  }
0x11: {  	s14 =	sadd.s32 s16, s15;
	s15 =	sadd.s32 s15, s0;
	s10 =	sadd.s32 s2, s26  }
0x12: {  	s11 =	sadd.s32 s13, s26;
	s30 =	sshrl.u32 s17, $0x3;
	s31 =	sshrl.u32 s17, $0x2  }
0x13: {  	s26 =	simm.s32 $0x4;
	s12 =	sadd.s32 s2, s30;
	s13 =	sadd.s32 s13, s30  }
0x14: {  	s16 =	sadd.s32 s16, s31;
	s17 =	sadd.s32 s31, s0;
	s2 =	simm.s32 $0x2  }
.LBB2_1:
0x15: {  	[tilespmem:s21], [sflag:$0x5] =	stream.strided.gather [hbm4b:s4+s19], $0x280, s20, s19, $0x38;
	[tilespmem:$0xD480] =	vst v63  }
0x16: {  	_ =	swait.ge [sflag:s22], $0x280  }
0x17: {  	[sflag:s22] =	ssyncset.done $0x0  }
0x18: {  	s0 =	simm.s32 $0xCA80;
	[sflag:s22] =	ssyncadd.s32 $0xFFFFFD80  }
0x19: {  	[tilespmem:s0], [sflag:$0x5] =	stream.strided.gather [hbm4b:s5+s19], $0x280, s20, s19, $0x38;
	[tilespmem:$0xD480] =	vst v63  }
0x1a: {  	_ =	swait.ge [sflag:s22], $0x280  }
0x1b: {  	[sflag:s22] =	ssyncset.done $0x0  }
0x1c: {  	s0 =	simm.s32 $0xCD00;
	[sflag:s22] =	ssyncadd.s32 $0xFFFFFD80  }
0x1d: {  	[tilespmem:s0], [sflag:$0x5] =	stream.strided.gather [hbm4b:s6+s19], $0x280, s20, s19, $0x38;
	[tilespmem:$0xD480] =	vst v63  }
0x1e: {  	_ =	swait.ge [sflag:s22], $0x280  }
0x1f: {  	[sflag:s22] =	ssyncset.done $0x0  }
0x20: {  	s0 =	simm.s32 $0xCF80;
	[sflag:s22] =	ssyncadd.s32 $0xFFFFFD80  }
0x21: {  	[tilespmem:s0], [sflag:$0x5] =	stream.strided.gather [hbm4b:s7+s19], $0x280, s20, s19, $0x38;
	[tilespmem:$0xD480] =	vst v63  }
0x22: {  	_ =	swait.ge [sflag:s22], $0x280  }
0x23: {  	[sflag:s22] =	ssyncset.done $0x0  }
0x24: {  	s30 =	simm.s32 $0x0;
	[sflag:s22] =	ssyncadd.s32 $0xFFFFFD80  }
0x25: {  	s31 =	simm.s32 $0x40;
	v0 =	vld [tilespmem:s30+$0xCA80]  }
.LBB2_2:
0x26: {  	p1 =	sne.s32 s31, $0x9C0;
	v1 =	vld [tilespmem:s30+$0xC800];
	_ =	sdelay $0x4  }
0x27: {  	v0 =	vadd.f32 v0, v1;
	_ =	sdelay $0x1  }
0x28: {  	v0 =	vmax.f32 v0, $9.999999960e-13  }
0x29: {  	(erf) = vrcp.f32 v0;
	_ =	sdelay $0x1  }
0x2a: {  	v0 =	vld [tilespmem:s30+$0xCD00]  }
0x2b: {  	v1 =	vld [tilespmem:s30+$0xCF80];
	_ =	sdelay $0x4  }
.Ltmp0:
0x2c: {  	v0 =	vadd.f32 v1, v0;
	(pc) =	sbr.rel @p1 .LBB2_2-.Ltmp0, $4  }
0x2d: {  	v1 =	vpop (erf)  }
0x2e: {  	v1 =	vmul.f32 v1, v0  }
0x2f: {  	s0 =	sshra.s32 s31, $0x2  }
0x30: {  	s31 =	sadd.s32 $0x40, s31;
	v0 =	vld [tilespmem:s0+$0xCA80];
	[tilespmem:s30+$0xC800] =	vst v1;
	s30 =	smov.u32 s0  }
0x31: {  	v1 =	vld [tilespmem:s30+$0xC800];
	_ =	sdelay $0x4  }
0x32: {  	v0 =	vadd.f32 v0, v1;
	_ =	sdelay $0x1  }
0x33: {  	v0 =	vmax.f32 v0, $9.999999960e-13  }
0x34: {  	(erf) = vrcp.f32 v0;
	_ =	sdelay $0x1  }
0x35: {  	v1 =	vld [tilespmem:s30+$0xCF80]  }
0x36: {  	v0 =	vld [tilespmem:s30+$0xCD00];
	_ =	sdelay $0x4  }
0x37: {  	v0 =	vadd.f32 v1, v0  }
0x38: {  	v1 =	vpop (erf)  }
0x39: {  	v0 =	vmul.f32 v1, v0;
	_ =	sdelay $0x1  }
0x3a: {  	[tilespmem:s30+$0xC800] =	vst v0  }
0x3b: {  	[spmem:s8] =	stream.linear.scatter [tilespmem:s21], [sflag:$0x5], $0x280, $0x38;
	[tilespmem:$0xD480] =	vst v63  }
0x3c: {  	_ =	swait.ge [sflag:s22], $0x280  }
0x3d: {  	[sflag:s22] =	ssyncset.done $0x0  }
0x3e: {  	s0 =	simm.s32 @!p0 $0x0;
	s30 =	simm.s32 @!p0 $0xC800;
	[sflag:s22] =	ssyncadd.s32 $0xFFFFFD80  }
0x3f: {  	[hbm4b:s9+s0] =	stream.linear.scatter @!p0 [tilespmem:s30], [sflag:$0x5], $0x280, $0x38;
	[tilespmem:$0xD480] =	vst v63  }
0x40: {  	s0 =	simm.s32 @!p0 $0x5  }
0x41: {  	_ =	swait.ge @!p0 [sflag:s0], $0x280  }
0x42: {  	[sflag:s0] =	ssyncset.done @!p0 $0x0  }
0x43: {  	[sflag:s0] =	ssyncadd.s32 @!p0 $0xFFFFFD80  }
0x44: {  	[bflag:$0x0] =	sbarrier.arrive $0xFFFF  }
0x45: {  	s0 =	simm.s32 $0x0;
	s30 =	rddreg [dreg:$0x1]  }
0x46: {  	[tilespmem:s0], [sflag:$0x5] =	stream.linear.gather [spmem:s30], $0x2800, $0x38;
	[tilespmem:$0xD480] =	vst v63  }
0x47: {  	_ =	swait.ge [sflag:s22], $0x2800  }
0x48: {  	[sflag:s22] =	ssyncset.done $0x0  }
0x49: {  	s30 =	simm.s32 $0x2800;
	[sflag:s22] =	ssyncadd.s32 $0xFFFFD800  }
0x4a: {  	[tilespmem:s30], [sflag:$0x1] =	stream.linear.gather [hbm4b:s10+s0], $0x1400, $0x38;
	[tilespmem:$0xD480] =	vst v63  }
0x4b: {  	s30 =	simm.s32 $0x5000  }
0x4c: {  	[tilespmem:s30], [sflag:$0x1] =	stream.linear.gather [hbm4b:s11+s0], $0x1400, $0x38;
	[tilespmem:$0xD480] =	vst v63  }
0x4d: {  	_ =	swait.ge [sflag:s29], $0x1400  }
0x4e: {  	[sflag:s29] =	ssyncset.done $0x0  }
0x4f: {  	[sflag:s29] =	ssyncadd.s32 $0xFFFFEC00  }
0x50: {  	_ =	swait.ge [sflag:s29], $0x1400  }
0x51: {  	[sflag:s29] =	ssyncset.done $0x0  }
0x52: {  	s30 =	simm.s32 $0x3C00;
	[sflag:s29] =	ssyncadd.s32 $0xFFFFEC00  }
0x53: {  	[tilespmem:s30], [sflag:$0x2] =	stream.linear.gather [hbm4b:s12+s0], $0x1400, $0x38;
	[tilespmem:$0xD480] =	vst v63  }
0x54: {  	s30 =	simm.s32 $0x6400  }
0x55: {  	[tilespmem:s30], [sflag:$0x2] =	stream.linear.gather [hbm4b:s13+s0], $0x1400, $0x38;
	[tilespmem:$0xD480] =	vst v63  }
0x56: {  	s30 =	simm.s32 $0x0  }
0x57: {  	v1 =	vld [tilespmem:s30+$0x2800];
	_ =	sdelay $0x5  }
0x58: {  	v0 =	vld [tilespmem:s30+$0x5000];
	_ =	sdelay $0x1  }
0x59: {  	v1 =	vld.idx.msk [tilespmem:v1+s3+$0x0], $0xffff;
	_ =	sdelay $0x3  }
0x5a: {  	s31 =	simm.s32 $0x10;
	s0 =	simm.s32 $0x80  }
.LBB2_4:
0x5b: {  	p1 =	sne.s32 s0, $0x4FC0;
	v2 =	vld [tilespmem:s31+$0x2800];
	[tilespmem:s30+$0x7800] =	vst v1  }
0x5c: {  	v1 =	vld.idx.msk [tilespmem:v0+s3+$0x0], $0xffff;
	_ =	sdelay $0x5  }
0x5d: {  	v0 =	vld [tilespmem:s31+$0x5000];
	[tilespmem:s30+$0xA000] =	vst v1;
	s30 =	smov.u32 s31  }
0x5e: {  	v1 =	vld.idx.msk [tilespmem:v2+s3+$0x0], $0xffff  }
.Ltmp1:
0x5f: {  	(pc) =	sbr.rel @p1 .LBB2_4-.Ltmp1, $2  }
0x60: {  	_ =	sdelay $0x2  }
0x61: {  	s31 =	sshra.s32 s0, $0x2;
	s0 =	sadd.s32 $0x40, s0  }
0x62: {  	_ =	sdelay $0x1  }
0x63: {  	v2 =	vld [tilespmem:s31+$0x2800]  }
0x64: {  	[tilespmem:s30+$0x7800] =	vst v1  }
0x65: {  	v0 =	vld.idx.msk [tilespmem:v0+s3+$0x0], $0xffff;
	_ =	sdelay $0x3  }
0x66: {  	v1 =	vld [tilespmem:s31+$0x5000]  }
0x67: {  	[tilespmem:s30+$0xA000] =	vst v0  }
0x68: {  	v0 =	vld.idx.msk [tilespmem:v2+s3+$0x0], $0xffff;
	_ =	sdelay $0x4  }
0x69: {  	[tilespmem:s31+$0x7800] =	vst v0  }
0x6a: {  	v0 =	vld.idx.msk [tilespmem:v1+s3+$0x0], $0xffff;
	_ =	sdelay $0x4  }
0x6b: {  	s0 =	simm.s32 $0x7800;
	[tilespmem:s31+$0xA000] =	vst v0  }
0x6c: {  	[hbm4b:s14+s19] =	stream.strided.scatter [tilespmem:s0], [sflag:$0x3], $0x1400, s20, s19, $0x38;
	[tilespmem:$0xD480] =	vst v63  }
0x6d: {  	_ = 	snop  }
0x6e: {  	[hbm4b:s15+s19] =	stream.strided.scatter [tilespmem:s1], [sflag:$0x3], $0x1400, s20, s19, $0x38;
	[tilespmem:$0xD480] =	vst v63  }
0x6f: {  	_ =	swait.ge [sflag:s2], $0x1400  }
0x70: {  	[sflag:s2] =	ssyncset.done $0x0  }
0x71: {  	[sflag:s2] =	ssyncadd.s32 $0xFFFFEC00  }
0x72: {  	_ =	swait.ge [sflag:s2], $0x1400  }
0x73: {  	[sflag:s2] =	ssyncset.done $0x0  }
0x74: {  	s30 =	simm.s32 $0x0;
	[sflag:s2] =	ssyncadd.s32 $0xFFFFEC00  }
0x75: {  	v1 =	vld [tilespmem:s30+$0x3C00];
	_ =	sdelay $0x5  }
0x76: {  	v0 =	vld [tilespmem:s30+$0x6400];
	_ =	sdelay $0x1  }
0x77: {  	v1 =	vld.idx.msk [tilespmem:v1+s3+$0x0], $0xffff;
	_ =	sdelay $0x3  }
0x78: {  	s31 =	simm.s32 $0x10;
	s0 =	simm.s32 $0x80  }
.LBB2_6:
0x79: {  	p1 =	sne.s32 s0, $0x4FC0;
	v2 =	vld [tilespmem:s31+$0x3C00];
	[tilespmem:s30+$0x8C00] =	vst v1  }
0x7a: {  	v1 =	vld.idx.msk [tilespmem:v0+s3+$0x0], $0xffff;
	_ =	sdelay $0x5  }
0x7b: {  	v0 =	vld [tilespmem:s31+$0x6400];
	[tilespmem:s30+$0xB400] =	vst v1;
	s30 =	smov.u32 s31  }
0x7c: {  	v1 =	vld.idx.msk [tilespmem:v2+s3+$0x0], $0xffff  }
.Ltmp2:
0x7d: {  	(pc) =	sbr.rel @p1 .LBB2_6-.Ltmp2, $2  }
0x7e: {  	_ =	sdelay $0x2  }
0x7f: {  	s31 =	sshra.s32 s0, $0x2;
	s0 =	sadd.s32 $0x40, s0  }
0x80: {  	_ =	sdelay $0x1  }
0x81: {  	v2 =	vld [tilespmem:s31+$0x3C00]  }
0x82: {  	[tilespmem:s30+$0x8C00] =	vst v1  }
0x83: {  	v0 =	vld.idx.msk [tilespmem:v0+s3+$0x0], $0xffff;
	_ =	sdelay $0x3  }
0x84: {  	v1 =	vld [tilespmem:s31+$0x6400]  }
0x85: {  	[tilespmem:s30+$0xB400] =	vst v0  }
0x86: {  	v0 =	vld.idx.msk [tilespmem:v2+s3+$0x0], $0xffff;
	_ =	sdelay $0x4  }
0x87: {  	[tilespmem:s31+$0x8C00] =	vst v0  }
0x88: {  	v0 =	vld.idx.msk [tilespmem:v1+s3+$0x0], $0xffff;
	_ =	sdelay $0x4  }
0x89: {  	[tilespmem:s31+$0xB400] =	vst v0  }
0x8a: {  	[hbm4b:s16+s19] =	stream.strided.scatter [tilespmem:s23], [sflag:$0x4], $0x1400, s20, s19, $0x38;
	[tilespmem:$0xD480] =	vst v63  }
0x8b: {  	_ = 	snop  }
0x8c: {  	[hbm4b:s17+s19] =	stream.strided.scatter [tilespmem:s24], [sflag:$0x4], $0x1400, s20, s19, $0x38;
	[tilespmem:$0xD480] =	vst v63  }
0x8d: {  	_ =	swait.ge [sflag:s25], $0x1400  }
0x8e: {  	[sflag:s25] =	ssyncset.done $0x0  }
0x8f: {  	[sflag:s25] =	ssyncadd.s32 $0xFFFFEC00  }
0x90: {  	_ =	swait.ge [sflag:s25], $0x1400  }
0x91: {  	[sflag:s25] =	ssyncset.done $0x0  }
0x92: {  	s28 =	sadd.s32 $0x1, s28;
	[sflag:s25] =	ssyncadd.s32 $0xFFFFEC00  }
0x93: {  	p1 =	sne.s32 s28, s18;
	_ =	swait.ge [sflag:s26], $0x1400  }
.Ltmp3:
0x94: {  	[sflag:s26] =	ssyncset.done $0x0;
	(pc) =	sbr.rel @p1 .LBB2_1-.Ltmp3, $4  }
0x95: {  	[sflag:s26] =	ssyncadd.s32 $0xFFFFEC00  }
0x96: {  	_ =	swait.ge [sflag:s26], $0x1400  }
0x97: {  	[sflag:s26] =	ssyncset.done $0x0  }
0x98: {  	[sflag:s26] =	ssyncadd.s32 $0xFFFFEC00  }
0x99: {  	_ =	sfence.sel $0x180000  }
0x9a: {  	[bflag:$0x0] =	sbarrier.arrive $0xFFFF  }
0x9b: {  	_ =	strace $0x9000004A  }
0x9c: {  	s0 =	stileid.u32;
	[bflag:$0x2] =	sbarrier.arrive $0xFFFF  }
0x9d: {  	p0 =	sne.s32 s0, $0x0;
	s0 =	rddreg [dreg:$0x2]  }
0x9e: {  	s0 =	sadd.s32 @!p0 $0x100000, s0  }
0x9f: {  	[sflag:s0] =	ssyncadd.tile.s32 @!p0 $0x1;
	_ =	shalt  }
.Lfunc_end2:
_tile_overlayer_lowered:
.L_overlay_start_2:
0xa0: {  	(tag) =	ssettag $0x2  }
0xa1: {  	s0 =	rddreg [dreg:$0x0];
	s2 =	stileid.u32  }
0xa2: {  	s1 =	rddreg [dreg:$0x1];
	p0 =	sne.s32 s2, $0x0  }
0xa3: {  	s3 =	rddreg [dreg:$0x2];
	[bflag:$0x3] =	sbarrier.arrive $0xFFFF;
	s2 =	simm.s32 @!p0 $0x1C05  }
0xa4: {  	[timem:s3], [sflag:s2] =	dma.local @!p0 [hbm:s0], s1  }
0xa5: {  	s0 =	simm.s32 @!p0 $0x5  }
0xa6: {  	_ =	swait.ge @!p0 [sflag:s0], s1  }
0xa7: {  	s1 =	ssub.s32 @!p0 $0x0, s1;
	[sflag:s0] =	ssyncset.done @!p0 $0x0  }
0xa8: {  	[sflag:s0] =	ssyncadd.s32 @!p0 s1  }
0xa9: {  	[bflag:$0x3] =	sbarrier.arrive $0xFFFF  }
0xaa: {  	_ =	shalt  }

// kernel: kernel.15.cloned.1.call-start
scs
__scs_entry_jumppad:
0x0: {  	(pc) =	sbr.rel $0x88, $3  }
0x1: {  	(tag) =	ssettag $0x0;
	lr =	simm.s32 $0x1  }
0x2: {  	[smem:$0x3F8D] =	sst lr;
	_ =	strace $0xD0000000  }
0x3: {  	_ = 	snop  }
0x4: {  	_ = 	snop  }
0x5: {  	_ = 	snop  }
0x6: {  	_ = 	snop  }
0x7: {  	_ = 	snop  }
__scs_overlays_trampoline_lowered:
0x8: {  	[smem:$0x3F9C] =	sst s0  }
0x9: {  	[smem:$0x3F9D] =	sst s1  }
0xa: {  	[smem:$0x3F9E] =	sst s2  }
0xb: {  	[smem:$0x3F9F] =	sst s3  }
0xc: {  	[smem:$0x3FA0] =	sst s4  }
0xd: {  	[smem:$0x3FA1] =	sst s5  }
0xe: {  	[smem:$0x3FA2] =	sst s6  }
0xf: {  	[smem:$0x3FA3] =	sst s7  }
0x10: {  	[smem:$0x3FA4] =	sst s8  }
0x11: {  	[smem:$0x3FA5] =	sst s9;
	s0 =	simm.s32 @!p0 $0x0  }
0x12: {  	s1 =	sld [smem:$0x3F8B];
	s0 =	simm.s32 @p0 $0x1  }
0x13: {  	[smem:$0x3FA6] =	sst s0;
	s0 =	simm.s32 @!p1 $0x0  }
0x14: {  	s2 =	sld [smem:$0x3F8A];
	s0 =	simm.s32 @p1 $0x1  }
0x15: {  	[smem:$0x3FA7] =	sst s0;
	s0 =	simm.s32 @!p2 $0x0  }
0x16: {  	s3 =	sld [smem:$0x3FDB];
	s0 =	simm.s32 @p2 $0x1  }
0x17: {  	s4 =	simm.s32 $0x1BF5;
	[smem:$0x3FA9] =	sst s0  }
0x18: {  	s0 =	sld [smem:$0x3F8C];
	_ =	swait.ge [sflag:s4], $0x0  }
0x19: {  	s7 =	sld [smem:$0x3F8D]  }
0x1a: {  	s8 =	sadd.s32 $0xFFFFE003, lr  }
0x1b: {  	s9 =	sadd.s32 $0xFFFFFEF7, lr;
	s5 =	simm.s32 $0xFFFFFFFF;
	p2 =	slt.u32 s8, $0xFFFFF086  }
0x1c: {  	p1 =	slt.u32 s9, $0xF7A;
	s5 =	simm.s32 @!p2 $0x0  }
0x1d: {  	s5 =	simm.s32 @p1 $0x1;
	p0 =	seq.s32 s7, s2  }
0x1e: {  	s7 =	smul.u32 @!p0 $0xF7A, s2;
	p2 =	seq.s32 @!p0 s5, $0x0  }
0x1f: {  	s9 =	smul.u32 $0xF7A, s1;
	s8 =	simm.s32 @!p0 $0x1BF5;
	p2 =	por !p2, p0  }
0x20: {  	[sflag:s8] =	ssyncset.s32 @!p0 $0xFFFFF086;
	s6 =	sadd.s32 @!p0 s3, s7;
	s7 =	simm.s32 @!p0 $0x108  }
0x21: {  	s3 =	sadd.s32 s3, s9;
	s6 =	sadd.s32 @!p0 $0x88, s6;
	s7 =	simm.s32 @p2 $0x1082  }
0x22: {  	[simem:s7], [sflag:s8] =	dma.local @!p0 [hbm:s6], $0xF7A  }
0x23: {  	s9 =	sor.u32 $0xD0000000, s2;
	s6 =	simm.s32 $0x108;
	_ =	swait.ge @!p0 [sflag:s8], $0x0  }
0x24: {  	s3 =	sadd.s32 $0x88, s3;
	s6 =	simm.s32 @!p1 $0x1082;
	[sflag:s4] =	ssyncset.s32 $0xFFFFF086  }
0x25: {  	[simem:s6], [sflag:s4] =	dma.local [hbm:s3], $0xF7A  }
0x26: {  	[smem:$0x3F8D] =	sst s1;
	(tag) =	ssettag s2;
	_ =	strace s9  }
0x27: {  	s1 =	sld [smem:$0x3F9D]  }
0x28: {  	s2 =	sld [smem:$0x3F9E]  }
0x29: {  	s4 =	sld [smem:$0x3FA0]  }
0x2a: {  	p0 =	seq.s32 s5, $0x0;
	s5 =	sld [smem:$0x3FA1]  }
0x2b: {  	s6 =	sld [smem:$0x3FA2]  }
0x2c: {  	s7 =	sld [smem:$0x3FA3]  }
0x2d: {  	s3 =	simm.s32 $0x108;
	s8 =	sld [smem:$0x3FA4]  }
0x2e: {  	s3 =	simm.s32 @!p0 $0x1082;
	s9 =	sld [smem:$0x3FA5]  }
0x2f: {  	lr =	sadd.s32 s0, s3;
	s0 =	sld [smem:$0x3F9C]  }
0x30: {  	s3 =	sld [smem:$0x3F9F]  }
0x31: {  	[smem:$0x3FA8] =	sst s10  }
0x32: {  	s10 =	sld [smem:$0x3FA6];
	_ =	sdelay $0x3  }
0x33: {  	p0 =	seq.s32 s10, $0x1;
	s10 =	sld [smem:$0x3FA8];
	_ =	sdelay $0x3  }
0x34: {  	[smem:$0x3FA8] =	sst s10  }
0x35: {  	s10 =	sld [smem:$0x3FA7];
	_ =	sdelay $0x3  }
0x36: {  	p1 =	seq.s32 s10, $0x1;
	s10 =	sld [smem:$0x3FA8];
	_ =	sdelay $0x3  }
0x37: {  	[smem:$0x3FA8] =	sst s10  }
0x38: {  	s10 =	sld [smem:$0x3FA9]  }
0x39: {  	_ = 	snop;
	(pc) =	sbr.ind lr, $3  }
0x3a: {  	_ = 	snop  }
0x3b: {  	_ = 	snop  }
0x3c: {  	p2 =	seq.s32 s10, $0x1;
	s10 =	sld [smem:$0x3FA8]  }
0x3d: {  	_ =	shalt  }
0x3e: {  	_ =	shalt  }
0x3f: {  	_ =	shalt  }
0x40: {  	_ =	shalt  }
0x41: {  	_ =	shalt  }
0x42: {  	_ =	shalt  }
0x43: {  	_ =	shalt  }
0x44: {  	_ =	shalt  }
0x45: {  	_ =	shalt  }
0x46: {  	_ =	shalt  }
0x47: {  	_ =	shalt  }
0x48: {  	_ =	shalt  }
0x49: {  	_ =	shalt  }
0x4a: {  	_ =	shalt  }
0x4b: {  	_ =	shalt  }
0x4c: {  	_ =	shalt  }
0x4d: {  	_ =	shalt  }
0x4e: {  	_ =	shalt  }
0x4f: {  	_ =	shalt  }
0x50: {  	_ =	shalt  }
0x51: {  	_ =	shalt  }
0x52: {  	_ =	shalt  }
0x53: {  	_ =	shalt  }
0x54: {  	_ =	shalt  }
0x55: {  	_ =	shalt  }
0x56: {  	_ =	shalt  }
0x57: {  	_ =	shalt  }
0x58: {  	_ =	shalt  }
0x59: {  	_ =	shalt  }
0x5a: {  	_ =	shalt  }
0x5b: {  	_ =	shalt  }
0x5c: {  	_ =	shalt  }
0x5d: {  	_ =	shalt  }
0x5e: {  	_ =	shalt  }
0x5f: {  	_ =	shalt  }
0x60: {  	_ =	shalt  }
0x61: {  	_ =	shalt  }
0x62: {  	_ =	shalt  }
0x63: {  	_ =	shalt  }
0x64: {  	_ =	shalt  }
0x65: {  	_ =	shalt  }
0x66: {  	_ =	shalt  }
0x67: {  	_ =	shalt  }
0x68: {  	_ =	shalt  }
0x69: {  	_ =	shalt  }
0x6a: {  	_ =	shalt  }
0x6b: {  	_ =	shalt  }
0x6c: {  	_ =	shalt  }
0x6d: {  	_ =	shalt  }
0x6e: {  	_ =	shalt  }
0x6f: {  	_ =	shalt  }
0x70: {  	_ =	shalt  }
0x71: {  	_ =	shalt  }
0x72: {  	_ =	shalt  }
0x73: {  	_ =	shalt  }
0x74: {  	_ =	shalt  }
0x75: {  	_ =	shalt  }
0x76: {  	_ =	shalt  }
0x77: {  	_ =	shalt  }
0x78: {  	_ =	shalt  }
0x79: {  	_ =	shalt  }
0x7a: {  	_ =	shalt  }
0x7b: {  	_ =	shalt  }
0x7c: {  	_ =	shalt  }
0x7d: {  	_ =	shalt  }
0x7e: {  	_ =	shalt  }
0x7f: {  	_ =	shalt  }
0x80: {  	_ =	shalt  }
0x81: {  	_ =	shalt  }
0x82: {  	_ =	shalt  }
0x83: {  	_ =	shalt  }
0x84: {  	_ =	shalt  }
0x85: {  	_ =	shalt  }
0x86: {  	_ =	shalt  }
0x87: {  	_ =	shalt  }
.Lfunc_end0:
.L_simem_size_0:
called_computation.2_lowered:
.L_overlay_start_0:
0x88: {  	s2 =	sld [smem:$0x3FD9]  }
0x89: {  	s3 =	sld [smem:$0x3FFE];
	_ =	sdelay $0x1  }
0x8a: {  	s1 =	srdreg.scid  }
0x8b: {  	s0 =	sand.u32 $0x1, s1  }
0x8c: {  	s16 =	sshll.u32 s0, $0xA;
	s2 =	sadd.s32 s3, s2  }
0x8d: {  	s2 =	sadd.s32 s2, s16  }
0x8e: {  	[smem:$0x3FB4] =	sst s2  }
0x8f: {  	_ = 	snop  }
0x90: {  	(tm) =	ssettm $0x1  }
0x91: {  	s17 =	sld [smem:$0x3FFB];
	_ =	sdelay $0x3  }
0x92: {  	_ =	strace s17  }
0x93: {  	s2 =	sld [smem:$0x3FFC];
	_ =	sdelay $0x3  }
0x94: {  	_ =	strace s2  }
0x95: {  	s2 =	sld [smem:$0x3FFD];
	_ =	sdelay $0x3  }
0x96: {  	_ =	strace s2  }
0x97: {  	_ =	strace $0x8FFFFFFF  }
0x98: {  	s18 =	sld [smem:$0x3FDB];
	_ =	sdelay $0x1  }
0x99: {  	s19 =	simm.s32 $_scs_section_size  }
0x9a: {  	s4 =	simm.s32 $_size__tile_overlayer_lowered;
	s5 =	simm.s32 $_tile_overlayer_lowered  }
0x9b: {  	s22 =	simm.s32 $0x1BFF;
	s21 =	sshll.u32 s5, $0x1;
	s2 =	sadd.s32 s19, s18  }
0x9c: {  	s6 =	simm.s32 $0x0;
	s20 =	sshll.u32 s4, $0x1;
	s4 =	sadd.s32 s21, s2  }
0x9d: {  	[timem:s6], [sflag:s22] =	dma.local [hbm:s4], s20  }
0x9e: {  	_ =	swait.ge [sflag:s22], s20  }
0x9f: {  	s3 =	ssub.s32 $0x0, s20;
	[sflag:s22] =	ssyncset.done $0x0  }
0xa0: {  	[sflag:s22] =	ssyncadd.s32 s3;
	_ =	sdelay $0x1  }
0xa1: {  	s23 =	simm.s32 $0x1B8B  }
0xa2: {  	_ =	swait.ge [sflag:s23], $0x1  }
0xa3: {  	[sflag:s23] =	ssyncset.done $0x0  }
0xa4: {  	s25 =	simm.s32 $0x1B8E;
	s24 =	sld [smem:$0x3FFE];
	[sflag:s23] =	ssyncadd.s32 $0xFFFFFFFF  }
0xa5: {  	s26 =	simm.s32 $execute0_lowered;
	[smem:$0x3FD2] =	sst s25  }
0xa6: {  	s4 =	sshll.u32 s26, $0x1;
	_ =	strace $0x8000004C;
	[dreg:$0x1] =	wrdreg $0xFFFFFFFF  }
0xa7: {  	s28 =	simm.s32 $_size_execute0_lowered;
	s2 =	sadd.s32 s2, s4;
	[dreg:$0x0] =	wrdreg $0x0  }
0xa8: {  	s4 =	sshll.u32 s28, $0x1;
	[dreg:$0x2] =	wrdreg s2  }
0xa9: {  	[dreg:$0x3] =	wrdreg s4  }
0xaa: {  	[dreg:$0x4] =	wrdreg $0xC0  }
0xab: {  	_ =	task [dreg:s6], $0x5FFFF  }
0xac: {  	[dreg:$0x1] =	wrdreg $0xFFFFFFFF  }
0xad: {  	[dreg:$0x0] =	wrdreg $0x60  }
0xae: {  	[dreg:$0x2] =	wrdreg s24  }
0xaf: {  	[dreg:$0x3] =	wrdreg $0x7A800  }
0xb0: {  	[dreg:$0x4] =	wrdreg $0x7D000  }
0xb1: {  	[dreg:$0x5] =	wrdreg $0x9  }
0xb2: {  	_ =	task.clear_ibuf [dreg:s6], $0x6FFFF;
	_ =	strace $0x9000004C  }
0xb3: {  	s29 =	simm.s32 $0x9;
	_ =	strace $0x8000004E  }
0xb4: {  	_ =	swait.ge [sflag:s29], $0x1  }
0xb5: {  	[sflag:s29] =	ssyncadd.s32 $0xFFFFFFFF  }
0xb6: {  	_ =	strace $0x9000004E  }
0xb7: {  	_ =	sfence  }
0xb8: {  	s30 =	sld [smem:$0x0];
	_ =	sdelay $0x2  }
0xb9: {  	s31 =	sshll.u32 s1, $0xD;
	s1 =	sshrl.u32 s1, $0x2  }
0xba: {  	s3 =	sand.u32 $0x4000, s31;
	s1 =	sadd.s32 s1, s30  }
0xbb: {  	s0 =	sor.u32 s3, s0;
	s1 =	sshll.u32 s1, $0x11  }
0xbc: {  	s0 =	sor.u32 s1, s0  }
0xbd: {  	s0 =	sadd.s32 $0x8F2B, s0  }
0xbe: {  	[sflag:s0] =	ssyncadd.remote.s32 $0x1  }
0xbf: {  	_ =	sfence.sel $0xFFFF  }
0xc0: {  	[dreg:$0x0] =	wrdreg $0xFFFFFFFF;
	(pc) =	sbr.abs _section_cstart, $3  }
0xc1: {  	[dreg:$0x1] =	wrdreg $0xFFFFFFFF  }
0xc2: {  	_ =	task.clear_ibuf [dreg:s6], $0x2FFFF;
	_ =	strace $0x9FFFFFFF  }
0xc3: {  	(tm) =	ssettm $0x7FFFFFFF  }
tec
execute0_lowered:
.L_overlay_start_1:
0x0: {  	(tag) =	ssettag $0x1  }
0x1: {  	s0 =	rddreg [dreg:$0x0]  }
0x2: {  	s1 =	rddreg [dreg:$0x1]  }
0x3: {  	s2 =	rddreg [dreg:$0x2]  }
0x4: {  	s4 =	simm.s32 $0x0;
	s5 =	srdreg.scid;
	s3 =	stileid.u32  }
0x5: {  	s14 =	simm.s32 $0x7800;
	s15 =	simm.s32 $0x5;
	s16 =	simm.s32 $0x2800  }
0x6: {  	s17 =	simm.s32 $0x1;
	s18 =	simm.s32 $0x1400;
	s19 =	simm.s32 $0x3C00  }
0x7: {  	s20 =	simm.s32 $0x5000;
	s21 =	simm.s32 $0x2;
	s22 =	simm.s32 $0x6400  }
0x8: {  	s23 =	simm.s32 $0x3;
	s24 =	simm.s32 $0x4;
	s25 =	simm.s32 $0x20  }
0x9: {  	s26 =	simm.s32 $0x10;
	s28 =	simm.s32 $0x0;
	[smem:$0x7FF] =	sst s4  }
0xa: {  	s5 =	sand.u32 $0x1, s5;
	s9 =	sadd.s32 $0x17000, s0;
	s6 =	smul.u32 $0x500, s3  }
0xb: {  	s10 =	sadd.s32 $0x21000, s0;
	s11 =	smul.u32 $0x280, s3;
	_ =	strace $0x8000004D  }
0xc: {  	s7 =	sshll.u32 s5, $0x4;
	s8 =	sshll.u32 s5, $0x7;
	s5 =	ssub.s32 $0x2, s5  }
0xd: {  	s7 =	sor.u32 s3, s7;
	s6 =	sor.u32 s8, s6;
	s29 =	sshrl.u32 s5, $0x1  }
0xe: {  	s7 =	smul.u32 $0x2800, s7;
	s6 =	sshrl.u32 s6, $0x3;
	s13 =	ssub.s32 s5, s29  }
0xf: {  	s5 =	sadd.s32 s11, s1;
	s0 =	sadd.s32 s6, s0;
	s6 =	sadd.s32 s11, s2  }
0x10: {  	s13 =	smax.u32 s13, $0x1;
	s30 =	sshrl.u32 s7, $0x3;
	s11 =	sadd.s32 $0x3000, s0  }
0x11: {  	s12 =	sadd.s32 $0x3A00, s0;
	s31 =	sadd.s32 $0x280, s30;
	s7 =	sadd.s32 s9, s30  }
0x12: {  	v0 =	vimm.f32 $0.0e+00;
	s8 =	sadd.s32 s10, s30;
	s9 =	sadd.s32 s9, s31;
	s10 =	sadd.s32 s10, s31  }
.LBB2_1:
0x13: {  	[tilespmem:$0x7800] =	vst v0  }
0x14: {  	[tilespmem:$0x7810] =	vst v0  }
0x15: {  	[tilespmem:$0x7820] =	vst v0  }
0x16: {  	[tilespmem:$0x7830] =	vst v0  }
0x17: {  	[tilespmem:$0x7840] =	vst v0  }
0x18: {  	[tilespmem:$0x7850] =	vst v0  }
0x19: {  	[tilespmem:$0x7860] =	vst v0  }
0x1a: {  	[tilespmem:$0x7870] =	vst v0  }
0x1b: {  	[tilespmem:$0x7880] =	vst v0  }
0x1c: {  	[tilespmem:$0x7890] =	vst v0  }
0x1d: {  	[tilespmem:$0x78A0] =	vst v0  }
0x1e: {  	[tilespmem:$0x78B0] =	vst v0  }
0x1f: {  	[tilespmem:$0x78C0] =	vst v0  }
0x20: {  	[tilespmem:$0x78D0] =	vst v0  }
0x21: {  	[tilespmem:$0x78E0] =	vst v0  }
0x22: {  	[tilespmem:$0x78F0] =	vst v0  }
0x23: {  	[tilespmem:$0x7900] =	vst v0  }
0x24: {  	[tilespmem:$0x7910] =	vst v0  }
0x25: {  	[tilespmem:$0x7920] =	vst v0  }
0x26: {  	[tilespmem:$0x7930] =	vst v0  }
0x27: {  	[tilespmem:$0x7940] =	vst v0  }
0x28: {  	[tilespmem:$0x7950] =	vst v0  }
0x29: {  	[tilespmem:$0x7960] =	vst v0  }
0x2a: {  	[tilespmem:$0x7970] =	vst v0  }
0x2b: {  	[tilespmem:$0x7980] =	vst v0  }
0x2c: {  	[tilespmem:$0x7990] =	vst v0  }
0x2d: {  	[tilespmem:$0x79A0] =	vst v0  }
0x2e: {  	[tilespmem:$0x79B0] =	vst v0  }
0x2f: {  	[tilespmem:$0x79C0] =	vst v0  }
0x30: {  	[tilespmem:$0x79D0] =	vst v0  }
0x31: {  	[tilespmem:$0x79E0] =	vst v0  }
0x32: {  	[tilespmem:$0x79F0] =	vst v0  }
0x33: {  	[tilespmem:$0x7A00] =	vst v0  }
0x34: {  	[tilespmem:$0x7A10] =	vst v0  }
0x35: {  	[tilespmem:$0x7A20] =	vst v0  }
0x36: {  	[tilespmem:$0x7A30] =	vst v0  }
0x37: {  	[tilespmem:$0x7A40] =	vst v0  }
0x38: {  	[tilespmem:$0x7A50] =	vst v0  }
0x39: {  	[tilespmem:$0x7A60] =	vst v0  }
0x3a: {  	[tilespmem:$0x7A70] =	vst v0  }
0x3b: {  	[spmem:s5] =	stream.linear.scatter [tilespmem:s14], [sflag:$0x5], $0x280, $0x38;
	[tilespmem:$0x7F80] =	vst v63  }
0x3c: {  	_ =	swait.ge [sflag:s15], $0x280  }
0x3d: {  	[sflag:s15] =	ssyncset.done $0x0  }
0x3e: {  	[sflag:s15] =	ssyncadd.s32 $0xFFFFFD80  }
0x3f: {  	[spmem:s6] =	stream.linear.scatter [tilespmem:s14], [sflag:$0x5], $0x280, $0x38;
	[tilespmem:$0x7F80] =	vst v63  }
0x40: {  	_ =	swait.ge [sflag:s15], $0x280  }
0x41: {  	[sflag:s15] =	ssyncset.done $0x0  }
0x42: {  	[sflag:s15] =	ssyncadd.s32 $0xFFFFFD80  }
0x43: {  	[bflag:$0x0] =	sbarrier.arrive $0xFFFF  }
0x44: {  	[tilespmem:s4], [sflag:$0x1] =	stream.linear.gather [hbm4b:s7+s4], $0x1400, $0x38;
	[tilespmem:$0x7F80] =	vst v63  }
0x45: {  	_ = 	snop  }
0x46: {  	[tilespmem:s16], [sflag:$0x1] =	stream.linear.gather [hbm4b:s8+s4], $0x1400, $0x38;
	[tilespmem:$0x7F80] =	vst v63  }
0x47: {  	_ =	swait.ge [sflag:s17], $0x1400  }
0x48: {  	[sflag:s17] =	ssyncset.done $0x0  }
0x49: {  	[sflag:s17] =	ssyncadd.s32 $0xFFFFEC00  }
0x4a: {  	_ =	swait.ge [sflag:s17], $0x1400  }
0x4b: {  	[sflag:s17] =	ssyncset.done $0x0  }
0x4c: {  	[sflag:s17] =	ssyncadd.s32 $0xFFFFEC00  }
0x4d: {  	[tilespmem:s18], [sflag:$0x2] =	stream.linear.gather [hbm4b:s9+s4], $0x1400, $0x38;
	[tilespmem:$0x7F80] =	vst v63  }
0x4e: {  	s29 =	simm.s32 $0x0  }
0x4f: {  	[tilespmem:s19], [sflag:$0x2] =	stream.linear.gather [hbm4b:s10+s4], $0x1400, $0x38;
	[tilespmem:$0x7F80] =	vst v63  }
0x50: {  	v1 =	vld [tilespmem:s29+$0x2800];
	_ =	sdelay $0x4  }
0x51: {  	v1 =	vmul.f32 $1.442695020e+00, v1  }
0x52: {  	s30 =	simm.s32 $0x10  }
0x53: {  	(erf) = vpow2.f32 v1;
	v1 =	vld [tilespmem:s30+$0x2800];
	_ =	sdelay $0x4  }
0x54: {  	s31 =	simm.s32 $0x20;
	v2 =	vmul.f32 $1.442695020e+00, v1  }
0x55: {  	v1 =	vld [tilespmem:s31+$0x2800]  }
0x56: {  	(erf) = vpow2.f32 v2;
	_ =	sdelay $0x2  }
0x57: {  	s0 =	simm.s32 $0xC0;
	v2 =	vpop (erf)  }
.LBB2_2:
0x58: {  	s3 =	sshra.s32 s0, $0x2;
	p0 =	sne.s32 s0, $0x4FC0;
	s0 =	sadd.s32 $0x40, s0;
	v3 =	vmul.f32 $1.442695020e+00, v1;
	[tilespmem:s29+$0x5000] =	vst v2  }
.Ltmp0:
0x59: {  	s29 =	smov.u32 s30;
	s30 =	smov.u32 s31;
	v1 =	vld [tilespmem:s3+$0x2800];
	(pc) =	sbr.rel @p0 .LBB2_2-.Ltmp0, $2  }
0x5a: {  	s31 =	smov.u32 s3;
	(erf) = vpow2.f32 v3;
	_ =	sdelay $0x2  }
0x5b: {  	v2 =	vpop (erf)  }
0x5c: {  	v1 =	vmul.f32 $1.442695020e+00, v1;
	_ =	sdelay $0x1  }
0x5d: {  	(erf) = vpow2.f32 v1;
	_ =	sdelay $0x7  }
0x5e: {  	[tilespmem:s29+$0x5000] =	vst v2;
	v1 =	vpop (erf)  }
0x5f: {  	[tilespmem:s30+$0x5000] =	vst v1;
	v1 =	vpop (erf)  }
0x60: {  	s0 =	simm.s32 $0x0;
	[tilespmem:s31+$0x5000] =	vst v1  }
0x61: {  	[spmem:s1] =	stream.indirect.scatter.add.f32 [tilespmem:s16], [sflag:$0x3], $0x1, s0, s18, $0xb8;
	[tilespmem:$0x7F80] =	vst v63  }
0x62: {  	_ = 	snop  }
0x63: {  	[spmem:s2] =	stream.indirect.scatter.add.f32 [tilespmem:s20], [sflag:$0x3], $0x1, s0, s18, $0xb8;
	[tilespmem:$0x7F80] =	vst v63  }
0x64: {  	_ =	swait.ge [sflag:s21], $0x1400  }
0x65: {  	[sflag:s21] =	ssyncset.done $0x0  }
0x66: {  	[sflag:s21] =	ssyncadd.s32 $0xFFFFEC00  }
0x67: {  	_ =	swait.ge [sflag:s21], $0x1400  }
0x68: {  	[sflag:s21] =	ssyncset.done $0x0  }
0x69: {  	s29 =	simm.s32 $0x0;
	[sflag:s21] =	ssyncadd.s32 $0xFFFFEC00  }
0x6a: {  	v1 =	vld [tilespmem:s29+$0x3C00];
	_ =	sdelay $0x4  }
0x6b: {  	v1 =	vmul.f32 $1.442695020e+00, v1  }
0x6c: {  	s30 =	simm.s32 $0x10  }
0x6d: {  	(erf) = vpow2.f32 v1;
	v1 =	vld [tilespmem:s30+$0x3C00];
	_ =	sdelay $0x4  }
0x6e: {  	s31 =	simm.s32 $0x20;
	v2 =	vmul.f32 $1.442695020e+00, v1  }
0x6f: {  	v1 =	vld [tilespmem:s31+$0x3C00]  }
0x70: {  	(erf) = vpow2.f32 v2;
	_ =	sdelay $0x2  }
0x71: {  	s0 =	simm.s32 $0xC0;
	v2 =	vpop (erf)  }
.LBB2_4:
0x72: {  	s3 =	sshra.s32 s0, $0x2;
	p0 =	sne.s32 s0, $0x4FC0;
	s0 =	sadd.s32 $0x40, s0;
	v3 =	vmul.f32 $1.442695020e+00, v1;
	[tilespmem:s29+$0x6400] =	vst v2  }
.Ltmp1:
0x73: {  	s29 =	smov.u32 s30;
	s30 =	smov.u32 s31;
	v1 =	vld [tilespmem:s3+$0x3C00];
	(pc) =	sbr.rel @p0 .LBB2_4-.Ltmp1, $2  }
0x74: {  	s31 =	smov.u32 s3;
	(erf) = vpow2.f32 v3;
	_ =	sdelay $0x2  }
0x75: {  	v2 =	vpop (erf)  }
0x76: {  	v1 =	vmul.f32 $1.442695020e+00, v1;
	_ =	sdelay $0x1  }
0x77: {  	(erf) = vpow2.f32 v1;
	_ =	sdelay $0x7  }
0x78: {  	[tilespmem:s29+$0x6400] =	vst v2;
	v1 =	vpop (erf)  }
0x79: {  	[tilespmem:s30+$0x6400] =	vst v1;
	v1 =	vpop (erf)  }
0x7a: {  	[tilespmem:s31+$0x6400] =	vst v1  }
0x7b: {  	[spmem:s1] =	stream.indirect.scatter.add.f32 [tilespmem:s19], [sflag:$0x4], $0x1, s18, s18, $0xb8;
	[tilespmem:$0x7F80] =	vst v63  }
0x7c: {  	_ = 	snop  }
0x7d: {  	[spmem:s2] =	stream.indirect.scatter.add.f32 [tilespmem:s22], [sflag:$0x4], $0x1, s18, s18, $0xb8;
	[tilespmem:$0x7F80] =	vst v63  }
0x7e: {  	_ =	swait.ge [sflag:s23], $0x1400  }
0x7f: {  	[sflag:s23] =	ssyncset.done $0x0  }
0x80: {  	[sflag:s23] =	ssyncadd.s32 $0xFFFFEC00  }
0x81: {  	_ =	swait.ge [sflag:s23], $0x1400  }
0x82: {  	[sflag:s23] =	ssyncset.done $0x0  }
0x83: {  	[sflag:s23] =	ssyncadd.s32 $0xFFFFEC00  }
0x84: {  	_ =	swait.ge [sflag:s24], $0x1400  }
0x85: {  	[sflag:s24] =	ssyncset.done $0x0  }
0x86: {  	[sflag:s24] =	ssyncadd.s32 $0xFFFFEC00  }
0x87: {  	_ =	swait.ge [sflag:s24], $0x1400  }
0x88: {  	s0 =	stileid.u32;
	[sflag:s24] =	ssyncset.done $0x0  }
0x89: {  	s0 =	sshll.u32 s0, $0x6;
	[sflag:s24] =	ssyncadd.s32 $0xFFFFEC00  }
0x8a: {  	s3 =	sshrl.u32 s5, $0x3;
	s0 =	sor.u32 $0x1C05, s0;
	[bflag:$0x0] =	sbarrier.arrive $0xFFFF  }
0x8b: {  	[hbm:s11@s25], [sflag:s0] =	dma.strided [spmem:s3@s26], $0x50, s17, $0x10   }
0x8c: {  	s28 =	sadd.s32 $0x1, s28;
	_ =	swait.ge [sflag:s15], $0x50  }
0x8d: {  	p0 =	sne.s32 s28, s13;
	[sflag:s15] =	ssyncset.done $0x0  }
.Ltmp2:
0x8e: {  	s31 =	sshrl.u32 s6, $0x3;
	[sflag:s15] =	ssyncadd.s32 $0xFFFFFFB0;
	(pc) =	sbr.rel @p0 .LBB2_1-.Ltmp2, $4  }
0x8f: {  	[hbm:s12@s25], [sflag:s0] =	dma.strided [spmem:s31@s26], $0x50, s17, $0x10   }
0x90: {  	_ =	swait.ge [sflag:s15], $0x50  }
0x91: {  	[sflag:s15] =	ssyncset.done $0x0  }
0x92: {  	[sflag:s15] =	ssyncadd.s32 $0xFFFFFFB0  }
0x93: {  	_ =	sfence.sel $0x180000  }
0x94: {  	[bflag:$0x0] =	sbarrier.arrive $0xFFFF  }
0x95: {  	_ =	strace $0x9000004D  }
0x96: {  	s0 =	stileid.u32;
	[bflag:$0x2] =	sbarrier.arrive $0xFFFF  }
0x97: {  	p0 =	sne.s32 s0, $0x0;
	s0 =	rddreg [dreg:$0x3]  }
0x98: {  	s0 =	sadd.s32 @!p0 $0x100000, s0  }
0x99: {  	[sflag:s0] =	ssyncadd.tile.s32 @!p0 $0x1;
	_ =	shalt  }
.Lfunc_end2:
_tile_overlayer_lowered:
.L_overlay_start_2:
0x9a: {  	(tag) =	ssettag $0x2  }
0x9b: {  	s0 =	rddreg [dreg:$0x0];
	s2 =	stileid.u32  }
0x9c: {  	s1 =	rddreg [dreg:$0x1];
	p0 =	sne.s32 s2, $0x0  }
0x9d: {  	s3 =	rddreg [dreg:$0x2];
	[bflag:$0x3] =	sbarrier.arrive $0xFFFF;
	s2 =	simm.s32 @!p0 $0x1C05  }
0x9e: {  	[timem:s3], [sflag:s2] =	dma.local @!p0 [hbm:s0], s1  }
0x9f: {  	s0 =	simm.s32 @!p0 $0x5  }
0xa0: {  	_ =	swait.ge @!p0 [sflag:s0], s1  }
0xa1: {  	s1 =	ssub.s32 @!p0 $0x0, s1;
	[sflag:s0] =	ssyncset.done @!p0 $0x0  }
0xa2: {  	[sflag:s0] =	ssyncadd.s32 @!p0 s1  }
0xa3: {  	[bflag:$0x3] =	sbarrier.arrive $0xFFFF  }
0xa4: {  	_ =	shalt  }

// kernel: kernel.18.cloned.1.call-start
scs
__scs_entry_jumppad:
0x0: {  	(pc) =	sbr.rel $0x88, $3  }
0x1: {  	(tag) =	ssettag $0x0;
	lr =	simm.s32 $0x1  }
0x2: {  	[smem:$0x3F8D] =	sst lr;
	_ =	strace $0xD0000000  }
0x3: {  	_ = 	snop  }
0x4: {  	_ = 	snop  }
0x5: {  	_ = 	snop  }
0x6: {  	_ = 	snop  }
0x7: {  	_ = 	snop  }
__scs_overlays_trampoline_lowered:
0x8: {  	[smem:$0x3F9C] =	sst s0  }
0x9: {  	[smem:$0x3F9D] =	sst s1  }
0xa: {  	[smem:$0x3F9E] =	sst s2  }
0xb: {  	[smem:$0x3F9F] =	sst s3  }
0xc: {  	[smem:$0x3FA0] =	sst s4  }
0xd: {  	[smem:$0x3FA1] =	sst s5  }
0xe: {  	[smem:$0x3FA2] =	sst s6  }
0xf: {  	[smem:$0x3FA3] =	sst s7  }
0x10: {  	[smem:$0x3FA4] =	sst s8  }
0x11: {  	[smem:$0x3FA5] =	sst s9;
	s0 =	simm.s32 @!p0 $0x0  }
0x12: {  	s1 =	sld [smem:$0x3F8B];
	s0 =	simm.s32 @p0 $0x1  }
0x13: {  	[smem:$0x3FA6] =	sst s0;
	s0 =	simm.s32 @!p1 $0x0  }
0x14: {  	s2 =	sld [smem:$0x3F8A];
	s0 =	simm.s32 @p1 $0x1  }
0x15: {  	[smem:$0x3FA7] =	sst s0;
	s0 =	simm.s32 @!p2 $0x0  }
0x16: {  	s3 =	sld [smem:$0x3FDB];
	s0 =	simm.s32 @p2 $0x1  }
0x17: {  	s4 =	simm.s32 $0x1BF5;
	[smem:$0x3FA9] =	sst s0  }
0x18: {  	s0 =	sld [smem:$0x3F8C];
	_ =	swait.ge [sflag:s4], $0x0  }
0x19: {  	s7 =	sld [smem:$0x3F8D]  }
0x1a: {  	s8 =	sadd.s32 $0xFFFFE003, lr  }
0x1b: {  	s9 =	sadd.s32 $0xFFFFFEF7, lr;
	s5 =	simm.s32 $0xFFFFFFFF;
	p2 =	slt.u32 s8, $0xFFFFF086  }
0x1c: {  	p1 =	slt.u32 s9, $0xF7A;
	s5 =	simm.s32 @!p2 $0x0  }
0x1d: {  	s5 =	simm.s32 @p1 $0x1;
	p0 =	seq.s32 s7, s2  }
0x1e: {  	s7 =	smul.u32 @!p0 $0xF7A, s2;
	p2 =	seq.s32 @!p0 s5, $0x0  }
0x1f: {  	s9 =	smul.u32 $0xF7A, s1;
	s8 =	simm.s32 @!p0 $0x1BF5;
	p2 =	por !p2, p0  }
0x20: {  	[sflag:s8] =	ssyncset.s32 @!p0 $0xFFFFF086;
	s6 =	sadd.s32 @!p0 s3, s7;
	s7 =	simm.s32 @!p0 $0x108  }
0x21: {  	s3 =	sadd.s32 s3, s9;
	s6 =	sadd.s32 @!p0 $0x88, s6;
	s7 =	simm.s32 @p2 $0x1082  }
0x22: {  	[simem:s7], [sflag:s8] =	dma.local @!p0 [hbm:s6], $0xF7A  }
0x23: {  	s9 =	sor.u32 $0xD0000000, s2;
	s6 =	simm.s32 $0x108;
	_ =	swait.ge @!p0 [sflag:s8], $0x0  }
0x24: {  	s3 =	sadd.s32 $0x88, s3;
	s6 =	simm.s32 @!p1 $0x1082;
	[sflag:s4] =	ssyncset.s32 $0xFFFFF086  }
0x25: {  	[simem:s6], [sflag:s4] =	dma.local [hbm:s3], $0xF7A  }
0x26: {  	[smem:$0x3F8D] =	sst s1;
	(tag) =	ssettag s2;
	_ =	strace s9  }
0x27: {  	s1 =	sld [smem:$0x3F9D]  }
0x28: {  	s2 =	sld [smem:$0x3F9E]  }
0x29: {  	s4 =	sld [smem:$0x3FA0]  }
0x2a: {  	p0 =	seq.s32 s5, $0x0;
	s5 =	sld [smem:$0x3FA1]  }
0x2b: {  	s6 =	sld [smem:$0x3FA2]  }
0x2c: {  	s7 =	sld [smem:$0x3FA3]  }
0x2d: {  	s3 =	simm.s32 $0x108;
	s8 =	sld [smem:$0x3FA4]  }
0x2e: {  	s3 =	simm.s32 @!p0 $0x1082;
	s9 =	sld [smem:$0x3FA5]  }
0x2f: {  	lr =	sadd.s32 s0, s3;
	s0 =	sld [smem:$0x3F9C]  }
0x30: {  	s3 =	sld [smem:$0x3F9F]  }
0x31: {  	[smem:$0x3FA8] =	sst s10  }
0x32: {  	s10 =	sld [smem:$0x3FA6];
	_ =	sdelay $0x3  }
0x33: {  	p0 =	seq.s32 s10, $0x1;
	s10 =	sld [smem:$0x3FA8];
	_ =	sdelay $0x3  }
0x34: {  	[smem:$0x3FA8] =	sst s10  }
0x35: {  	s10 =	sld [smem:$0x3FA7];
	_ =	sdelay $0x3  }
0x36: {  	p1 =	seq.s32 s10, $0x1;
	s10 =	sld [smem:$0x3FA8];
	_ =	sdelay $0x3  }
0x37: {  	[smem:$0x3FA8] =	sst s10  }
0x38: {  	s10 =	sld [smem:$0x3FA9]  }
0x39: {  	_ = 	snop;
	(pc) =	sbr.ind lr, $3  }
0x3a: {  	_ = 	snop  }
0x3b: {  	_ = 	snop  }
0x3c: {  	p2 =	seq.s32 s10, $0x1;
	s10 =	sld [smem:$0x3FA8]  }
0x3d: {  	_ =	shalt  }
0x3e: {  	_ =	shalt  }
0x3f: {  	_ =	shalt  }
0x40: {  	_ =	shalt  }
0x41: {  	_ =	shalt  }
0x42: {  	_ =	shalt  }
0x43: {  	_ =	shalt  }
0x44: {  	_ =	shalt  }
0x45: {  	_ =	shalt  }
0x46: {  	_ =	shalt  }
0x47: {  	_ =	shalt  }
0x48: {  	_ =	shalt  }
0x49: {  	_ =	shalt  }
0x4a: {  	_ =	shalt  }
0x4b: {  	_ =	shalt  }
0x4c: {  	_ =	shalt  }
0x4d: {  	_ =	shalt  }
0x4e: {  	_ =	shalt  }
0x4f: {  	_ =	shalt  }
0x50: {  	_ =	shalt  }
0x51: {  	_ =	shalt  }
0x52: {  	_ =	shalt  }
0x53: {  	_ =	shalt  }
0x54: {  	_ =	shalt  }
0x55: {  	_ =	shalt  }
0x56: {  	_ =	shalt  }
0x57: {  	_ =	shalt  }
0x58: {  	_ =	shalt  }
0x59: {  	_ =	shalt  }
0x5a: {  	_ =	shalt  }
0x5b: {  	_ =	shalt  }
0x5c: {  	_ =	shalt  }
0x5d: {  	_ =	shalt  }
0x5e: {  	_ =	shalt  }
0x5f: {  	_ =	shalt  }
0x60: {  	_ =	shalt  }
0x61: {  	_ =	shalt  }
0x62: {  	_ =	shalt  }
0x63: {  	_ =	shalt  }
0x64: {  	_ =	shalt  }
0x65: {  	_ =	shalt  }
0x66: {  	_ =	shalt  }
0x67: {  	_ =	shalt  }
0x68: {  	_ =	shalt  }
0x69: {  	_ =	shalt  }
0x6a: {  	_ =	shalt  }
0x6b: {  	_ =	shalt  }
0x6c: {  	_ =	shalt  }
0x6d: {  	_ =	shalt  }
0x6e: {  	_ =	shalt  }
0x6f: {  	_ =	shalt  }
0x70: {  	_ =	shalt  }
0x71: {  	_ =	shalt  }
0x72: {  	_ =	shalt  }
0x73: {  	_ =	shalt  }
0x74: {  	_ =	shalt  }
0x75: {  	_ =	shalt  }
0x76: {  	_ =	shalt  }
0x77: {  	_ =	shalt  }
0x78: {  	_ =	shalt  }
0x79: {  	_ =	shalt  }
0x7a: {  	_ =	shalt  }
0x7b: {  	_ =	shalt  }
0x7c: {  	_ =	shalt  }
0x7d: {  	_ =	shalt  }
0x7e: {  	_ =	shalt  }
0x7f: {  	_ =	shalt  }
0x80: {  	_ =	shalt  }
0x81: {  	_ =	shalt  }
0x82: {  	_ =	shalt  }
0x83: {  	_ =	shalt  }
0x84: {  	_ =	shalt  }
0x85: {  	_ =	shalt  }
0x86: {  	_ =	shalt  }
0x87: {  	_ =	shalt  }
.Lfunc_end0:
.L_simem_size_0:
called_computation.3_lowered:
.L_overlay_start_0:
0x88: {  	s2 =	sld [smem:$0x3FD9]  }
0x89: {  	s3 =	sld [smem:$0x3FFE];
	_ =	sdelay $0x1  }
0x8a: {  	s1 =	srdreg.scid  }
0x8b: {  	s0 =	sand.u32 $0x1, s1  }
0x8c: {  	s17 =	sshll.u32 s0, $0xA;
	s2 =	sadd.s32 s3, s2  }
0x8d: {  	s2 =	sadd.s32 s2, s17  }
0x8e: {  	[smem:$0x3FB4] =	sst s2  }
0x8f: {  	_ = 	snop  }
0x90: {  	s2 =	sld [smem:$0x3FD0];
	(tm) =	ssettm $0x1  }
0x91: {  	s18 =	sld [smem:$0x3FFB];
	_ =	sdelay $0x3  }
0x92: {  	_ =	strace s18  }
0x93: {  	s3 =	sld [smem:$0x3FFC];
	_ =	sdelay $0x3  }
0x94: {  	_ =	strace s3  }
0x95: {  	s3 =	sld [smem:$0x3FFD];
	_ =	sdelay $0x3  }
0x96: {  	_ =	strace s3  }
0x97: {  	_ =	strace $0x8FFFFFFF  }
0x98: {  	s19 =	sld [smem:$0x3FDB];
	_ =	sdelay $0x1  }
0x99: {  	s4 =	simm.s32 $_scs_section_size  }
0x9a: {  	s5 =	simm.s32 $_size__tile_overlayer_lowered;
	s6 =	simm.s32 $_tile_overlayer_lowered  }
0x9b: {  	s22 =	simm.s32 $0x1BFF;
	s21 =	sshll.u32 s6, $0x1;
	s3 =	sadd.s32 s4, s19  }
0x9c: {  	s7 =	simm.s32 $0x0;
	s20 =	sshll.u32 s5, $0x1;
	s5 =	sadd.s32 s21, s3  }
0x9d: {  	[timem:s7], [sflag:s22] =	dma.local [hbm:s5], s20  }
0x9e: {  	_ =	swait.ge [sflag:s22], s20  }
0x9f: {  	s4 =	ssub.s32 $0x0, s20;
	[sflag:s22] =	ssyncset.done $0x0  }
0xa0: {  	[sflag:s22] =	ssyncadd.s32 s4;
	_ =	sdelay $0x1  }
0xa1: {  	s23 =	simm.s32 $0x1B8B  }
0xa2: {  	_ =	swait.ge [sflag:s23], $0x1  }
0xa3: {  	[sflag:s23] =	ssyncset.done $0x0  }
0xa4: {  	s25 =	simm.s32 $0x1B8E;
	s24 =	sld [smem:$0x3FFE];
	[sflag:s23] =	ssyncadd.s32 $0xFFFFFFFF  }
0xa5: {  	s26 =	simm.s32 $execute0_lowered;
	[smem:$0x3FD2] =	sst s25  }
0xa6: {  	s5 =	sshll.u32 s26, $0x1;
	_ =	strace $0x8000004F;
	[dreg:$0x1] =	wrdreg $0xFFFFFFFF  }
0xa7: {  	s28 =	simm.s32 $_size_execute0_lowered;
	s3 =	sadd.s32 s3, s5;
	[dreg:$0x0] =	wrdreg $0x0  }
0xa8: {  	s5 =	sshll.u32 s28, $0x1;
	[dreg:$0x2] =	wrdreg s3  }
0xa9: {  	[dreg:$0x3] =	wrdreg s5  }
0xaa: {  	[dreg:$0x4] =	wrdreg $0xC0  }
0xab: {  	_ =	task [dreg:s7], $0x5FFFF  }
0xac: {  	[dreg:$0x1] =	wrdreg $0xFFFFFFFF  }
0xad: {  	[dreg:$0x0] =	wrdreg $0x60  }
0xae: {  	[dreg:$0x2] =	wrdreg s24  }
0xaf: {  	[dreg:$0x3] =	wrdreg s2  }
0xb0: {  	[dreg:$0x4] =	wrdreg $0xE1000  }
0xb1: {  	[dreg:$0x5] =	wrdreg $0xE3800  }
0xb2: {  	[dreg:$0x6] =	wrdreg $0x9  }
0xb3: {  	_ =	task.clear_ibuf [dreg:s7], $0x7FFFF;
	_ =	strace $0x9000004F  }
0xb4: {  	s29 =	simm.s32 $0x9;
	_ =	strace $0x80000051  }
0xb5: {  	_ =	swait.ge [sflag:s29], $0x1  }
0xb6: {  	[sflag:s29] =	ssyncadd.s32 $0xFFFFFFFF  }
0xb7: {  	_ =	strace $0x90000051  }
0xb8: {  	_ =	sfence  }
0xb9: {  	s30 =	sld [smem:$0x0];
	_ =	sdelay $0x2  }
0xba: {  	s31 =	sshll.u32 s1, $0xD;
	s1 =	sshrl.u32 s1, $0x2  }
0xbb: {  	s3 =	sand.u32 $0x4000, s31;
	s1 =	sadd.s32 s1, s30  }
0xbc: {  	s0 =	sor.u32 s3, s0;
	s1 =	sshll.u32 s1, $0x11  }
0xbd: {  	s0 =	sor.u32 s1, s0  }
0xbe: {  	s0 =	sadd.s32 $0x8F2B, s0  }
0xbf: {  	[sflag:s0] =	ssyncadd.remote.s32 $0x1  }
0xc0: {  	_ =	sfence.sel $0xFFFF  }
0xc1: {  	[dreg:$0x0] =	wrdreg $0xFFFFFFFF;
	(pc) =	sbr.abs _section_cstart, $3  }
0xc2: {  	[dreg:$0x1] =	wrdreg $0xFFFFFFFF  }
0xc3: {  	_ =	task.clear_ibuf [dreg:s7], $0x2FFFF;
	_ =	strace $0x9FFFFFFF  }
0xc4: {  	(tm) =	ssettm $0x7FFFFFFF  }
0xc5: {  	_ =	shalt  }
tec
execute0_lowered:
.L_overlay_start_1:
0x0: {  	(tag) =	ssettag $0x1  }
0x1: {  	s0 =	rddreg [dreg:$0x0]  }
0x2: {  	s15 =	rddreg [dreg:$0x2]  }
0x3: {  	s13 =	rddreg [dreg:$0x3];
	s5 =	simm.s32 $0x0  }
0x4: {  	s12 =	stileid.u32;
	s8 =	srdreg.scid;
	s29 =	simm.s32 $0x1  }
0x5: {  	s31 =	simm.s32 $0x6400;
	s28 =	simm.s32 $0x3;
	s30 =	simm.s32 $0x4  }
0x6: {  	[smem:$0x7FF] =	sst s5;
	s1 =	smul.u32 $0x500, s12;
	s2 =	sadd.s32 $0xD000, s0  }
0x7: {  	s3 =	sadd.s32 $0x17000, s0;
	s4 =	smul.u32 $0x280, s12;
	s8 =	sand.u32 $0x1, s8  }
0x8: {  	s7 =	sadd.s32 $0x21000, s0;
	_ =	strace $0x80000050;
	s14 =	sshll.u32 s8, $0x7  }
0x9: {  	s16 =	ssub.s32 $0x2, s8;
	s6 =	sshrl.u32 s1, $0x3;
	s11 =	sshrl.u32 s4, $0x3  }
0xa: {  	s1 =	sor.u32 s14, s1;
	s18 =	sshrl.u32 s16, $0x1;
	s9 =	sadd.s32 s6, s0  }
0xb: {  	s10 =	sadd.s32 s11, s0;
	s11 =	sshll.u32 s8, $0x4;
	s1 =	sshrl.u32 s1, $0x3  }
0xc: {  	s19 =	ssub.s32 s16, s18;
	s6 =	sadd.s32 s4, s15;
	s4 =	sadd.s32 s4, s13  }
0xd: {  	s17 =	sor.u32 s12, s11;
	s0 =	sadd.s32 s1, s0;
	s20 =	sadd.s32 $0x3000, s9  }
0xe: {  	s9 =	sadd.s32 $0x3010, s9;
	[dreg:$0x8] =	wrdreg s4;
	s8 =	smul.u32 $0x2800, s17  }
0xf: {  	s21 =	sadd.s32 $0x2A00, s10;
	s18 =	smax.u32 s19, $0x1;
	[dreg:$0x5] =	wrdreg s20  }
0x10: {  	s1 =	simm.s32 $0x1400;
	[dreg:$0x6] =	wrdreg s9;
	s8 =	sshrl.u32 s8, $0x3  }
0x11: {  	s19 =	simm.s32 $0x2;
	[dreg:$0x7] =	wrdreg s21;
	s22 =	sadd.s32 s2, s8  }
0x12: {  	s17 =	sadd.s32 $0x4400, s0;
	s23 =	sadd.s32 s3, s8;
	[dreg:$0x9] =	wrdreg s22  }
0x13: {  	s20 =	simm.s32 $0x5;
	s24 =	sadd.s32 s7, s8;
	[dreg:$0xa] =	wrdreg s23  }
0x14: {  	s21 =	simm.s32 $0xC800;
	s25 =	sadd.s32 $0x280, s8;
	[dreg:$0xb] =	wrdreg s24  }
0x15: {  	s2 =	sadd.s32 s2, s25;
	s26 =	sadd.s32 s3, s25;
	s16 =	sadd.s32 s7, s25  }
0x16: {  	s23 =	simm.s32 $0x100;
	s24 =	simm.s32 $0xCA80;
	[dreg:$0xc] =	wrdreg s2  }
0x17: {  	v0 =	vimm.f32 $0.0e+00;
	s25 =	simm.s32 $0x0;
	[dreg:$0xd] =	wrdreg s26;
	s26 =	simm.s32 $0x5000  }
.LBB2_1:
0x18: {  	s0 =	rddreg [dreg:$0x1];
	s2 =	simm.s32 $0xCD00  }
0x19: {  	[tilespmem:s2], [sflag:$0x5] =	stream.linear.gather [hbm4b:s0+s5], $0x1400, $0x38;
	[tilespmem:$0xE600] =	vst v63  }
0x1a: {  	_ =	swait.ge [sflag:s20], $0x1400  }
0x1b: {  	[sflag:s20] =	ssyncset.done $0x0  }
0x1c: {  	[sflag:s20] =	ssyncadd.s32 $0xFFFFEC00  }
0x1d: {  	[tilespmem:$0xC800] =	vst v0  }
0x1e: {  	[tilespmem:$0xC810] =	vst v0  }
0x1f: {  	[tilespmem:$0xC820] =	vst v0  }
0x20: {  	[tilespmem:$0xC830] =	vst v0  }
0x21: {  	[tilespmem:$0xC840] =	vst v0  }
0x22: {  	[tilespmem:$0xC850] =	vst v0  }
0x23: {  	[tilespmem:$0xC860] =	vst v0  }
0x24: {  	[tilespmem:$0xC870] =	vst v0  }
0x25: {  	[tilespmem:$0xC880] =	vst v0  }
0x26: {  	[tilespmem:$0xC890] =	vst v0  }
0x27: {  	[tilespmem:$0xC8A0] =	vst v0  }
0x28: {  	[tilespmem:$0xC8B0] =	vst v0  }
0x29: {  	[tilespmem:$0xC8C0] =	vst v0  }
0x2a: {  	[tilespmem:$0xC8D0] =	vst v0  }
0x2b: {  	[tilespmem:$0xC8E0] =	vst v0  }
0x2c: {  	[tilespmem:$0xC8F0] =	vst v0  }
0x2d: {  	[tilespmem:$0xC900] =	vst v0  }
0x2e: {  	[tilespmem:$0xC910] =	vst v0  }
0x2f: {  	[tilespmem:$0xC920] =	vst v0  }
0x30: {  	[tilespmem:$0xC930] =	vst v0  }
0x31: {  	[tilespmem:$0xC940] =	vst v0  }
0x32: {  	[tilespmem:$0xC950] =	vst v0  }
0x33: {  	[tilespmem:$0xC960] =	vst v0  }
0x34: {  	[tilespmem:$0xC970] =	vst v0  }
0x35: {  	[tilespmem:$0xC980] =	vst v0  }
0x36: {  	[tilespmem:$0xC990] =	vst v0  }
0x37: {  	[tilespmem:$0xC9A0] =	vst v0  }
0x38: {  	[tilespmem:$0xC9B0] =	vst v0  }
0x39: {  	[tilespmem:$0xC9C0] =	vst v0  }
0x3a: {  	[tilespmem:$0xC9D0] =	vst v0  }
0x3b: {  	[tilespmem:$0xC9E0] =	vst v0  }
0x3c: {  	[tilespmem:$0xC9F0] =	vst v0  }
0x3d: {  	[tilespmem:$0xCA00] =	vst v0  }
0x3e: {  	[tilespmem:$0xCA10] =	vst v0  }
0x3f: {  	[tilespmem:$0xCA20] =	vst v0  }
0x40: {  	[tilespmem:$0xCA30] =	vst v0  }
0x41: {  	[tilespmem:$0xCA40] =	vst v0  }
0x42: {  	[tilespmem:$0xCA50] =	vst v0  }
0x43: {  	[tilespmem:$0xCA60] =	vst v0  }
0x44: {  	[tilespmem:$0xCA70] =	vst v0  }
0x45: {  	[spmem:s6] =	stream.linear.scatter [tilespmem:s21], [sflag:$0x5], $0x280, $0x38;
	[tilespmem:$0xE600] =	vst v63  }
0x46: {  	_ =	swait.ge [sflag:s20], $0x280  }
0x47: {  	[sflag:s20] =	ssyncset.done $0x0  }
0x48: {  	s14 =	simm.s32 $0x80;
	s13 =	rddreg [dreg:$0x5];
	[sflag:s20] =	ssyncadd.s32 $0xFFFFFD80  }
0x49: {  	[tilespmem:s21], [sflag:$0x5] =	stream.strided.gather [hbm4b:s13+s14], $0x280, s23, s14, $0x38;
	[tilespmem:$0xE600] =	vst v63  }
0x4a: {  	_ =	swait.ge [sflag:s20], $0x280  }
0x4b: {  	[sflag:s20] =	ssyncset.done $0x0  }
0x4c: {  	s22 =	rddreg [dreg:$0x6];
	[sflag:s20] =	ssyncadd.s32 $0xFFFFFD80  }
0x4d: {  	[tilespmem:s24], [sflag:$0x5] =	stream.strided.gather [hbm4b:s22+s14], $0x280, s23, s14, $0x38;
	[tilespmem:$0xE600] =	vst v63  }
0x4e: {  	_ =	swait.ge [sflag:s20], $0x280  }
0x4f: {  	[sflag:s20] =	ssyncset.done $0x0  }
0x50: {  	s0 =	simm.s32 $0x0;
	[sflag:s20] =	ssyncadd.s32 $0xFFFFFD80  }
0x51: {  	s2 =	simm.s32 $0x40;
	v1 =	vld [tilespmem:s0+$0xCA80]  }
.LBB2_2:
0x52: {  	p0 =	sne.s32 s2, $0x9C0;
	v2 =	vld [tilespmem:s0+$0xC800];
	_ =	sdelay $0x2  }
.Ltmp0:
0x53: {  	(pc) =	sbr.rel @p0 .LBB2_2-.Ltmp0, $4  }
0x54: {  	_ = 	snop  }
0x55: {  	v2 =	vadd.f32 v1, v2  }
0x56: {  	s3 =	sshra.s32 s2, $0x2  }
0x57: {  	s2 =	sadd.s32 $0x40, s2;
	v1 =	vld [tilespmem:s3+$0xCA80];
	[tilespmem:s0+$0xC800] =	vst v2;
	s0 =	smov.u32 s3  }
0x58: {  	v2 =	vld [tilespmem:s0+$0xC800];
	_ =	sdelay $0x4  }
0x59: {  	v1 =	vadd.f32 v1, v2;
	_ =	sdelay $0x1  }
0x5a: {  	s3 =	simm.s32 $0x0;
	s22 =	rddreg [dreg:$0x7];
	[tilespmem:s0+$0xC800] =	vst v1  }
0x5b: {  	[tilespmem:s24], [sflag:$0x5] =	stream.linear.gather [hbm4b:s22+s3], $0x280, $0x38;
	[tilespmem:$0xE600] =	vst v63  }
0x5c: {  	_ =	swait.ge [sflag:s20], $0x280  }
0x5d: {  	[sflag:s20] =	ssyncset.done $0x0  }
0x5e: {  	s0 =	simm.s32 $0x0;
	[sflag:s20] =	ssyncadd.s32 $0xFFFFFD80  }
.LBB2_4:
0x5f: {  	s4 =	sshll.u32 s0, $0x7  }
0x60: {  	v1 =	vld [tilespmem:s4+$0xC800]  }
0x61: {  	v3 =	vld [tilespmem:s4+$0xC810]  }
0x62: {  	v4 =	vld [tilespmem:s4+$0xC820]  }
0x63: {  	v5 =	vld [tilespmem:s4+$0xC830]  }
0x64: {  	v7 =	vld [tilespmem:s4+$0xC850]  }
0x65: {  	v8 =	vld [tilespmem:s4+$0xC870]  }
0x66: {  	v9 =	vld [tilespmem:s4+$0xCA80]  }
0x67: {  	s2 =	simm.s32 $0xCD00;
	v10 =	vld [tilespmem:s4+$0xCA90]  }
0x68: {  	s22 =	sand.u32 $0x3F0, s3;
	v14 =	vld [tilespmem:s2+$0x0]  }
0x69: {  	v21 =	vld [tilespmem:s22+$0xD100]  }
0x6a: {  	v12 =	vld [tilespmem:s4+$0xCAF0]  }
0x6b: {  	v11 =	vld [tilespmem:s4+$0xCAA0]  }
0x6c: {  	v15 =	vld [tilespmem:s4+$0xCAD0]  }
0x6d: {  	v16 =	vld [tilespmem:s4+$0xCAE0];
	v19 =	vmul.f32 v14, v1  }
0x6e: {  	v17 =	vld [tilespmem:s4+$0xCAC0];
	v22 =	vmul.f32 v14, v8;
	v23 =	vmul.f32 v21, v9  }
0x6f: {  	v13 =	vld [tilespmem:s4+$0xCAB0];
	v24 =	vmul.f32 v14, v3;
	v25 =	vmul.f32 v21, v12  }
0x70: {  	v6 =	vld [tilespmem:s4+$0xC840];
	v26 =	vmul.f32 v14, v4;
	v27 =	vmul.f32 v14, v5  }
0x71: {  	v20 =	vld [tilespmem:s22+$0xD500];
	v28 =	vmul.f32 v21, v15;
	v29 =	vmul.f32 v21, v10  }
0x72: {  	v18 =	vld [tilespmem:s4+$0xC860];
	v30 =	vmul.f32 v14, v7;
	v31 =	vmul.f32 v21, v16  }
0x73: {  	v32 =	vmul.f32 v21, v11;
	v33 =	vmul.f32 v21, v17  }
0x74: {  	v21 =	vmul.f32 v21, v13;
	v23 =	vadd.f32 v23, v19;
	v22 =	vadd.f32 v25, v22  }
0x75: {  	v19 =	vld [tilespmem:s22+$0xD900];
	v30 =	vadd.f32 v28, v30;
	v28 =	vadd.f32 v29, v24  }
0x76: {  	v25 =	vmul.f32 v14, v6;
	v26 =	vadd.f32 v32, v26;
	v21 =	vadd.f32 v21, v27  }
0x77: {  	v14 =	vmul.f32 v14, v18;
	v23 =	vadd.f32 v23, v20;
	v22 =	vadd.f32 v22, v20  }
0x78: {  	v2 =	vimm.f32 $0.0e+00;
	v24 =	vadd.f32 v33, v25;
	v25 =	vadd.f32 v30, v20  }
0x79: {  	v29 =	vadd.f32 v31, v14;
	v32 =	vadd.f32 v26, v20;
	v22 =	vmax.f32 v22, $0.0e+00  }
0x7a: {  	v33 =	vadd.f32 v21, v20;
	v21 =	vimm.f32 $0.0e+00;
	v22 =	vmul.f32 v22, v19  }
0x7b: {  	v26 =	vimm.f32 $0.0e+00;
	v23 =	vmax.f32 v23, $0.0e+00;
	v30 =	vadd.f32 v29, v20  }
0x7c: {  	s13 =	simm.s32 $0x10;
	s14 =	simm.s32 $0xCD10;
	s12 =	sor.u32 $0x10, s4;
	v31 =	vadd.f32 v24, v20;
	v14 =	vadd.f32 v22, v2;
	v22 =	vmax.f32 v25, $0.0e+00  }
0x7d: {  	s11 =	sor.u32 $0x20, s4;
	s9 =	sor.u32 $0x30, s4;
	s10 =	sor.u32 $0x40, s4;
	v24 =	vimm.f32 $0.0e+00;
	v27 =	vmul.f32 v23, v19;
	v29 =	vmul.f32 v22, v19  }
0x7e: {  	s8 =	sor.u32 $0x50, s4;
	s2 =	sor.u32 $0x60, s4;
	s7 =	sor.u32 $0x70, s4;
	v23 =	vimm.f32 $0.0e+00;
	v25 =	vimm.f32 $0.0e+00;
	v22 =	vimm.f32 $0.0e+00  }
.LBB2_5:
0x7f: {  	v34 =	vld [tilespmem:s14+$0x0];
	s22 =	sand.u32 $0x3F0, s13;
	p0 =	sne.s32 s13, $0x3F0;
	s13 =	sadd.s32 $0x10, s13;
	v20 =	vadd.f32 v28, v20;
	v28 =	vmax.f32 v32, $0.0e+00;
	v2 =	vadd.f32 v29, v2  }
0x80: {  	v30 =	vmax.f32 v30, $0.0e+00;
	v29 =	vld [tilespmem:s22+$0xD100];
	v28 =	vmul.f32 v28, v19;
	v32 =	vmax.f32 v33, $0.0e+00  }
0x81: {  	v31 =	vmax.f32 v31, $0.0e+00;
	v30 =	vmul.f32 v30, v19;
	v20 =	vmax.f32 v20, $0.0e+00  }
0x82: {  	v31 =	vmul.f32 v31, v19;
	v22 =	vadd.f32 v28, v22;
	v28 =	vmul.f32 v32, v19  }
0x83: {  	v25 =	vadd.f32 v27, v25;
	v19 =	vmul.f32 v20, v19;
	v21 =	vadd.f32 v30, v21  }
0x84: {  	v20 =	vld [tilespmem:s22+$0xD500];
	v27 =	vmul.f32 v34, v1;
	v30 =	vmul.f32 v34, v8;
	v23 =	vadd.f32 v28, v23  }
0x85: {  	v32 =	vmul.f32 v34, v3;
	v26 =	vadd.f32 v19, v26;
	v28 =	vmul.f32 v29, v9  }
0x86: {  	v24 =	vadd.f32 v31, v24;
	v33 =	vmul.f32 v34, v4;
	v35 =	vmul.f32 v29, v12  }
0x87: {  	v31 =	vmul.f32 v34, v5;
	v27 =	vadd.f32 v28, v27;
	v28 =	vmul.f32 v29, v15  }
0x88: {  	v37 =	vmul.f32 v34, v6;
	v36 =	vmul.f32 v29, v10;
	v30 =	vadd.f32 v35, v30;
	v19 =	vld [tilespmem:s22+$0xD900]  }
0x89: {  	v38 =	vmul.f32 v29, v16;
	v35 =	vmul.f32 v34, v7;
	v27 =	vadd.f32 v27, v20  }
0x8a: {  	v39 =	vmul.f32 v29, v11;
	v40 =	vmul.f32 v29, v17;
	v30 =	vadd.f32 v30, v20  }
0x8b: {  	v29 =	vmul.f32 v29, v13;
	v34 =	vmul.f32 v34, v18;
	v35 =	vadd.f32 v28, v35  }
0x8c: {  	v28 =	vadd.f32 v36, v32;
	v36 =	vadd.f32 v40, v37;
	v30 =	vmax.f32 v30, $0.0e+00  }
.Ltmp1:
0x8d: {  	v31 =	vadd.f32 v29, v31;
	v29 =	vadd.f32 v35, v20;
	v30 =	vmul.f32 v30, v19;
	(pc) =	sbr.rel @p0 .LBB2_5-.Ltmp1, $4  }
0x8e: {  	v32 =	vadd.f32 v39, v33;
	v33 =	vadd.f32 v38, v34;
	v27 =	vmax.f32 v27, $0.0e+00  }
0x8f: {  	v27 =	vmul.f32 v27, v19;
	v29 =	vmax.f32 v29, $0.0e+00;
	v14 =	vadd.f32 v30, v14  }
0x90: {  	v32 =	vadd.f32 v32, v20;
	v29 =	vmul.f32 v29, v19;
	v30 =	vadd.f32 v33, v20  }
0x91: {  	s14 =	sadd.s32 $0x10, s14;
	v33 =	vadd.f32 v31, v20;
	v31 =	vadd.f32 v36, v20  }
0x92: {  	v1 =	vadd.f32 v28, v20  }
0x93: {  	v3 =	vld [tilespmem:$0xDD00]  }
0x94: {  	v1 =	vmax.f32 v1, $0.0e+00  }
0x95: {  	v4 =	vmax.f32 v32, $0.0e+00;
	v6 =	vmax.f32 v30, $0.0e+00;
	v1 =	vmul.f32 v1, v19  }
0x96: {  	v7 =	vadd.f32 v27, v25;
	v4 =	vmul.f32 v4, v19;
	v5 =	vmax.f32 v33, $0.0e+00  }
0x97: {  	v8 =	vmax.f32 v31, $0.0e+00;
	v5 =	vmul.f32 v5, v19;
	v1 =	vadd.f32 v1, v26  }
0x98: {  	v8 =	vmul.f32 v8, v19;
	v4 =	vadd.f32 v4, v22;
	v7 =	vadd.f32 v3, v7  }
0x99: {  	v6 =	vmul.f32 v6, v19;
	v5 =	vadd.f32 v5, v23;
	v1 =	vadd.f32 v3, v1  }
0x9a: {  	v8 =	vadd.f32 v8, v24;
	v4 =	vadd.f32 v3, v4;
	v7 =	vmax.f32 v7, $0.0e+00  }
0x9b: {  	v2 =	vadd.f32 v29, v2;
	v5 =	vadd.f32 v3, v5;
	[tilespmem:s4+$0xC800] =	vst v7;
	v1 =	vmax.f32 v1, $0.0e+00  }
0x9c: {  	s0 =	sadd.s32 $0x1, s0;
	v6 =	vadd.f32 v6, v21;
	v62 =	vadd.f32 v3, v8;
	[tilespmem:s12+$0xC800] =	vst v1;
	v1 =	vmax.f32 v4, $0.0e+00  }
0x9d: {  	p0 =	sne.s32 s0, $0x5;
	v2 =	vadd.f32 v3, v2;
	[tilespmem:s11+$0xC800] =	vst v1;
	v1 =	vmax.f32 v5, $0.0e+00  }
.Ltmp2:
0x9e: {  	v63 =	vadd.f32 v3, v6;
	[tilespmem:s9+$0xC800] =	vst v1;
	v1 =	vmax.f32 v62, $0.0e+00;
	(pc) =	sbr.rel @p0 .LBB2_4-.Ltmp2, $4  }
0x9f: {  	[tilespmem:s10+$0xC800] =	vst v1;
	v1 =	vmax.f32 v2, $0.0e+00;
	v2 =	vadd.f32 v3, v14  }
0xa0: {  	[tilespmem:s8+$0xC800] =	vst v1;
	v1 =	vmax.f32 v63, $0.0e+00  }
0xa1: {  	[tilespmem:s2+$0xC800] =	vst v1;
	v1 =	vmax.f32 v2, $0.0e+00  }
0xa2: {  	[tilespmem:s7+$0xC800] =	vst v1  }
0xa3: {  	s0 =	rddreg [dreg:$0x8]  }
0xa4: {  	[spmem:s0] =	stream.linear.scatter [tilespmem:s21], [sflag:$0x5], $0x280, $0x38;
	[tilespmem:$0xE600] =	vst v63  }
0xa5: {  	_ =	swait.ge [sflag:s20], $0x280  }
0xa6: {  	[sflag:s20] =	ssyncset.done $0x0  }
0xa7: {  	[sflag:s20] =	ssyncadd.s32 $0xFFFFFD80  }
0xa8: {  	[bflag:$0x0] =	sbarrier.arrive $0xFFFF  }
0xa9: {  	s7 =	simm.s32 $0x0;
	s2 =	rddreg [dreg:$0x3]  }
0xaa: {  	[tilespmem:s7], [sflag:$0x5] =	stream.linear.gather [spmem:s2], $0x2800, $0x38;
	[tilespmem:$0xE600] =	vst v63  }
0xab: {  	_ =	swait.ge [sflag:s20], $0x2800  }
0xac: {  	[sflag:s20] =	ssyncset.done $0x0  }
0xad: {  	s3 =	simm.s32 $0x2800;
	s8 =	rddreg [dreg:$0x9];
	[sflag:s20] =	ssyncadd.s32 $0xFFFFD800  }
0xae: {  	[tilespmem:s3], [sflag:$0x1] =	stream.linear.gather [hbm4b:s8+s7], $0x1400, $0x38;
	[tilespmem:$0xE600] =	vst v63  }
0xaf: {  	s9 =	rddreg [dreg:$0xa]  }
0xb0: {  	[tilespmem:s26], [sflag:$0x1] =	stream.linear.gather [hbm4b:s9+s7], $0x1400, $0x38;
	[tilespmem:$0xE600] =	vst v63  }
0xb1: {  	s11 =	simm.s32 $0x7800;
	s10 =	rddreg [dreg:$0xb]  }
0xb2: {  	[tilespmem:s11], [sflag:$0x1] =	stream.linear.gather [hbm4b:s10+s7], $0x1400, $0x38;
	[tilespmem:$0xE600] =	vst v63  }
0xb3: {  	_ =	swait.ge [sflag:s29], $0x1400  }
0xb4: {  	[sflag:s29] =	ssyncset.done $0x0  }
0xb5: {  	[sflag:s29] =	ssyncadd.s32 $0xFFFFEC00  }
0xb6: {  	_ =	swait.ge [sflag:s29], $0x1400  }
0xb7: {  	[sflag:s29] =	ssyncset.done $0x0  }
0xb8: {  	[sflag:s29] =	ssyncadd.s32 $0xFFFFEC00  }
0xb9: {  	_ =	swait.ge [sflag:s29], $0x1400  }
0xba: {  	[sflag:s29] =	ssyncset.done $0x0  }
0xbb: {  	s13 =	simm.s32 $0x3C00;
	s12 =	rddreg [dreg:$0xc];
	[sflag:s29] =	ssyncadd.s32 $0xFFFFEC00  }
0xbc: {  	[tilespmem:s13], [sflag:$0x2] =	stream.linear.gather [hbm4b:s12+s7], $0x1400, $0x38;
	[tilespmem:$0xE600] =	vst v63  }
0xbd: {  	s14 =	rddreg [dreg:$0xd]  }
0xbe: {  	[tilespmem:s31], [sflag:$0x2] =	stream.linear.gather [hbm4b:s14+s7], $0x1400, $0x38;
	[tilespmem:$0xE600] =	vst v63  }
0xbf: {  	s22 =	simm.s32 $0x8C00;
	s2 =	simm.s32 $0x0  }
0xc0: {  	[tilespmem:s22], [sflag:$0x2] =	stream.linear.gather [hbm4b:s16+s7], $0x1400, $0x38;
	[tilespmem:$0xE600] =	vst v63  }
0xc1: {  	v1 =	vld [tilespmem:s2+$0x7800];
	_ =	sdelay $0x4  }
0xc2: {  	v1 =	vmul.f32 $1.442695020e+00, v1;
	_ =	sdelay $0x1  }
0xc3: {  	v2 =	vld [tilespmem:s2+$0x2800];
	(erf) = vpow2.f32 v1  }
0xc4: {  	s0 =	simm.s32 $0x10  }
0xc5: {  	v1 =	vld [tilespmem:s0+$0x7800];
	_ =	sdelay $0x4  }
0xc6: {  	v1 =	vmul.f32 $1.442695020e+00, v1  }
0xc7: {  	v2 =	vld.idx.msk [tilespmem:v2+s5+$0x0], $0xffff  }
0xc8: {  	v3 =	vpop (erf);
	(erf) = vpow2.f32 v1;
	v1 =	vld [tilespmem:s0+$0x2800];
	_ =	sdelay $0x4  }
0xc9: {  	s4 =	simm.s32 $0xC0;
	s3 =	simm.s32 $0x20;
	v2 =	vmul.f32 v2, v3  }
.LBB2_8:
0xca: {  	p0 =	sne.s32 s4, $0x4FC0;
	v3 =	vld [tilespmem:s3+$0x7800]  }
0xcb: {  	[tilespmem:s2+$0xA000] =	vst v2;
	s2 =	smov.u32 s0;
	s0 =	smov.u32 s3  }
0xcc: {  	v2 =	vld.idx.msk [tilespmem:v1+s5+$0x0], $0xffff  }
0xcd: {  	v1 =	vld [tilespmem:s0+$0x2800]  }
.Ltmp3:
0xce: {  	(pc) =	sbr.rel @p0 .LBB2_8-.Ltmp3, $3  }
0xcf: {  	v4 =	vmul.f32 $1.442695020e+00, v3;
	_ =	sdelay $0x1  }
0xd0: {  	(erf) = vpow2.f32 v4;
	v3 =	vpop (erf)  }
0xd1: {  	s3 =	sshra.s32 s4, $0x2;
	s4 =	sadd.s32 $0x40, s4;
	v2 =	vmul.f32 v2, v3  }
0xd2: {  	v3 =	vld [tilespmem:s3+$0x7800];
	_ =	sdelay $0x2  }
0xd3: {  	[tilespmem:s2+$0xA000] =	vst v2  }
0xd4: {  	v1 =	vld.idx.msk [tilespmem:v1+s5+$0x0], $0xffff  }
0xd5: {  	v2 =	vld [tilespmem:s3+$0x2800];
	v3 =	vmul.f32 $1.442695020e+00, v3;
	_ =	sdelay $0x2  }
0xd6: {  	(erf) = vpow2.f32 v3  }
0xd7: {  	v3 =	vpop (erf)  }
0xd8: {  	v1 =	vmul.f32 v1, v3;
	_ =	sdelay $0x1  }
0xd9: {  	[tilespmem:s0+$0xA000] =	vst v1  }
0xda: {  	v1 =	vld.idx.msk [tilespmem:v2+s5+$0x0], $0xffff;
	_ =	sdelay $0x3  }
0xdb: {  	v2 =	vpop (erf)  }
0xdc: {  	v1 =	vmul.f32 v1, v2;
	_ =	sdelay $0x1  }
0xdd: {  	s22 =	simm.s32 $0xA000;
	[tilespmem:s3+$0xA000] =	vst v1  }
0xde: {  	[spmem:s15] =	stream.indirect.scatter.add.f32 [tilespmem:s22], [sflag:$0x3], $0x1, s26, s1, $0xb8;
	[tilespmem:$0xE600] =	vst v63  }
0xdf: {  	_ =	swait.ge [sflag:s19], $0x1400  }
0xe0: {  	[sflag:s19] =	ssyncset.done $0x0  }
0xe1: {  	[sflag:s19] =	ssyncadd.s32 $0xFFFFEC00  }
0xe2: {  	_ =	swait.ge [sflag:s19], $0x1400  }
0xe3: {  	[sflag:s19] =	ssyncset.done $0x0  }
0xe4: {  	[sflag:s19] =	ssyncadd.s32 $0xFFFFEC00  }
0xe5: {  	_ =	swait.ge [sflag:s19], $0x1400  }
0xe6: {  	[sflag:s19] =	ssyncset.done $0x0  }
0xe7: {  	s2 =	simm.s32 $0x0;
	[sflag:s19] =	ssyncadd.s32 $0xFFFFEC00  }
0xe8: {  	v1 =	vld [tilespmem:s2+$0x8C00];
	_ =	sdelay $0x4  }
0xe9: {  	v1 =	vmul.f32 $1.442695020e+00, v1;
	_ =	sdelay $0x1  }
0xea: {  	v2 =	vld [tilespmem:s2+$0x3C00];
	(erf) = vpow2.f32 v1  }
0xeb: {  	s0 =	simm.s32 $0x10  }
0xec: {  	v1 =	vld [tilespmem:s0+$0x8C00];
	_ =	sdelay $0x4  }
0xed: {  	v1 =	vmul.f32 $1.442695020e+00, v1  }
0xee: {  	v2 =	vld.idx.msk [tilespmem:v2+s5+$0x0], $0xffff  }
0xef: {  	v3 =	vpop (erf);
	(erf) = vpow2.f32 v1;
	v1 =	vld [tilespmem:s0+$0x3C00];
	_ =	sdelay $0x4  }
0xf0: {  	s4 =	simm.s32 $0xC0;
	s3 =	simm.s32 $0x20;
	v2 =	vmul.f32 v2, v3  }
.LBB2_10:
0xf1: {  	p0 =	sne.s32 s4, $0x4FC0;
	v3 =	vld [tilespmem:s3+$0x8C00]  }
0xf2: {  	[tilespmem:s2+$0xB400] =	vst v2;
	s2 =	smov.u32 s0;
	s0 =	smov.u32 s3  }
0xf3: {  	v2 =	vld.idx.msk [tilespmem:v1+s5+$0x0], $0xffff  }
0xf4: {  	v1 =	vld [tilespmem:s0+$0x3C00]  }
.Ltmp4:
0xf5: {  	(pc) =	sbr.rel @p0 .LBB2_10-.Ltmp4, $3  }
0xf6: {  	v4 =	vmul.f32 $1.442695020e+00, v3;
	_ =	sdelay $0x1  }
0xf7: {  	(erf) = vpow2.f32 v4;
	v3 =	vpop (erf)  }
0xf8: {  	s3 =	sshra.s32 s4, $0x2;
	s4 =	sadd.s32 $0x40, s4;
	v2 =	vmul.f32 v2, v3  }
0xf9: {  	v3 =	vld [tilespmem:s3+$0x8C00];
	_ =	sdelay $0x2  }
0xfa: {  	[tilespmem:s2+$0xB400] =	vst v2  }
0xfb: {  	v1 =	vld.idx.msk [tilespmem:v1+s5+$0x0], $0xffff  }
0xfc: {  	v2 =	vld [tilespmem:s3+$0x3C00];
	v3 =	vmul.f32 $1.442695020e+00, v3;
	_ =	sdelay $0x2  }
0xfd: {  	(erf) = vpow2.f32 v3  }
0xfe: {  	v3 =	vpop (erf)  }
0xff: {  	v1 =	vmul.f32 v1, v3;
	_ =	sdelay $0x1  }
0x100: {  	[tilespmem:s0+$0xB400] =	vst v1  }
0x101: {  	v1 =	vld.idx.msk [tilespmem:v2+s5+$0x0], $0xffff;
	_ =	sdelay $0x3  }
0x102: {  	v2 =	vpop (erf)  }
0x103: {  	v1 =	vmul.f32 v1, v2;
	_ =	sdelay $0x1  }
0x104: {  	s12 =	simm.s32 $0xB400;
	[tilespmem:s3+$0xB400] =	vst v1  }
0x105: {  	[spmem:s15] =	stream.indirect.scatter.add.f32 [tilespmem:s12], [sflag:$0x4], $0x1, s31, s1, $0xb8;
	[tilespmem:$0xE600] =	vst v63  }
0x106: {  	_ =	swait.ge [sflag:s28], $0x1400  }
0x107: {  	[sflag:s28] =	ssyncset.done $0x0  }
0x108: {  	s13 =	stileid.u32;
	[sflag:s28] =	ssyncadd.s32 $0xFFFFEC00  }
0x109: {  	s14 =	sshrl.u32 s6, $0x3;
	s22 =	simm.s32 $0x20;
	_ =	swait.ge [sflag:s30], $0x1400  }
0x10a: {  	s4 =	simm.s32 $0x10;
	s25 =	sadd.s32 $0x1, s25;
	[sflag:s30] =	ssyncset.done $0x0  }
0x10b: {  	p0 =	sne.s32 s25, s18;
	s0 =	sshll.u32 s13, $0x6;
	[sflag:s30] =	ssyncadd.s32 $0xFFFFEC00  }
.Ltmp5:
0x10c: {  	s0 =	sor.u32 $0x1C05, s0;
	[bflag:$0x0] =	sbarrier.arrive $0xFFFF;
	(pc) =	sbr.rel @p0 .LBB2_1-.Ltmp5, $4  }
0x10d: {  	[hbm:s17@s22], [sflag:s0] =	dma.strided [spmem:s14@s4], $0x50, s29, $0x10   }
0x10e: {  	_ =	swait.ge [sflag:s20], $0x50  }
0x10f: {  	[sflag:s20] =	ssyncset.done $0x0  }
0x110: {  	[sflag:s20] =	ssyncadd.s32 $0xFFFFFFB0  }
0x111: {  	_ =	sfence.sel $0x180000  }
0x112: {  	[bflag:$0x0] =	sbarrier.arrive $0xFFFF  }
0x113: {  	_ =	strace $0x90000050  }
0x114: {  	s0 =	stileid.u32;
	[bflag:$0x2] =	sbarrier.arrive $0xFFFF  }
0x115: {  	p0 =	sne.s32 s0, $0x0;
	s0 =	rddreg [dreg:$0x4]  }
0x116: {  	s0 =	sadd.s32 @!p0 $0x100000, s0  }
0x117: {  	[sflag:s0] =	ssyncadd.tile.s32 @!p0 $0x1;
	_ =	shalt  }
.Lfunc_end2:
_tile_overlayer_lowered:
.L_overlay_start_2:
0x118: {  	(tag) =	ssettag $0x2  }
0x119: {  	s0 =	rddreg [dreg:$0x0];
	s2 =	stileid.u32  }
0x11a: {  	s1 =	rddreg [dreg:$0x1];
	p0 =	sne.s32 s2, $0x0  }
0x11b: {  	s3 =	rddreg [dreg:$0x2];
	[bflag:$0x3] =	sbarrier.arrive $0xFFFF;
	s2 =	simm.s32 @!p0 $0x1C05  }
0x11c: {  	[timem:s3], [sflag:s2] =	dma.local @!p0 [hbm:s0], s1  }
0x11d: {  	s0 =	simm.s32 @!p0 $0x5  }
0x11e: {  	_ =	swait.ge @!p0 [sflag:s0], s1  }
0x11f: {  	s1 =	ssub.s32 @!p0 $0x0, s1;
	[sflag:s0] =	ssyncset.done @!p0 $0x0  }
0x120: {  	[sflag:s0] =	ssyncadd.s32 @!p0 s1  }
0x121: {  	[bflag:$0x3] =	sbarrier.arrive $0xFFFF  }
0x122: {  	_ =	shalt  }

// kernel: kernel.9.cloned.1.call-start
scs
__scs_entry_jumppad:
0x0: {  	(pc) =	sbr.rel $0x88, $3  }
0x1: {  	(tag) =	ssettag $0x0;
	lr =	simm.s32 $0x1  }
0x2: {  	[smem:$0x3F8D] =	sst lr;
	_ =	strace $0xD0000000  }
0x3: {  	_ = 	snop  }
0x4: {  	_ = 	snop  }
0x5: {  	_ = 	snop  }
0x6: {  	_ = 	snop  }
0x7: {  	_ = 	snop  }
__scs_overlays_trampoline_lowered:
0x8: {  	[smem:$0x3F9C] =	sst s0  }
0x9: {  	[smem:$0x3F9D] =	sst s1  }
0xa: {  	[smem:$0x3F9E] =	sst s2  }
0xb: {  	[smem:$0x3F9F] =	sst s3  }
0xc: {  	[smem:$0x3FA0] =	sst s4  }
0xd: {  	[smem:$0x3FA1] =	sst s5  }
0xe: {  	[smem:$0x3FA2] =	sst s6  }
0xf: {  	[smem:$0x3FA3] =	sst s7  }
0x10: {  	[smem:$0x3FA4] =	sst s8  }
0x11: {  	[smem:$0x3FA5] =	sst s9;
	s0 =	simm.s32 @!p0 $0x0  }
0x12: {  	s1 =	sld [smem:$0x3F8B];
	s0 =	simm.s32 @p0 $0x1  }
0x13: {  	[smem:$0x3FA6] =	sst s0;
	s0 =	simm.s32 @!p1 $0x0  }
0x14: {  	s2 =	sld [smem:$0x3F8A];
	s0 =	simm.s32 @p1 $0x1  }
0x15: {  	[smem:$0x3FA7] =	sst s0;
	s0 =	simm.s32 @!p2 $0x0  }
0x16: {  	s3 =	sld [smem:$0x3FDB];
	s0 =	simm.s32 @p2 $0x1  }
0x17: {  	s4 =	simm.s32 $0x1BF5;
	[smem:$0x3FA9] =	sst s0  }
0x18: {  	s0 =	sld [smem:$0x3F8C];
	_ =	swait.ge [sflag:s4], $0x0  }
0x19: {  	s7 =	sld [smem:$0x3F8D]  }
0x1a: {  	s8 =	sadd.s32 $0xFFFFE003, lr  }
0x1b: {  	s9 =	sadd.s32 $0xFFFFFEF7, lr;
	s5 =	simm.s32 $0xFFFFFFFF;
	p2 =	slt.u32 s8, $0xFFFFF086  }
0x1c: {  	p1 =	slt.u32 s9, $0xF7A;
	s5 =	simm.s32 @!p2 $0x0  }
0x1d: {  	s5 =	simm.s32 @p1 $0x1;
	p0 =	seq.s32 s7, s2  }
0x1e: {  	s7 =	smul.u32 @!p0 $0xF7A, s2;
	p2 =	seq.s32 @!p0 s5, $0x0  }
0x1f: {  	s9 =	smul.u32 $0xF7A, s1;
	s8 =	simm.s32 @!p0 $0x1BF5;
	p2 =	por !p2, p0  }
0x20: {  	[sflag:s8] =	ssyncset.s32 @!p0 $0xFFFFF086;
	s6 =	sadd.s32 @!p0 s3, s7;
	s7 =	simm.s32 @!p0 $0x108  }
0x21: {  	s3 =	sadd.s32 s3, s9;
	s6 =	sadd.s32 @!p0 $0x88, s6;
	s7 =	simm.s32 @p2 $0x1082  }
0x22: {  	[simem:s7], [sflag:s8] =	dma.local @!p0 [hbm:s6], $0xF7A  }
0x23: {  	s9 =	sor.u32 $0xD0000000, s2;
	s6 =	simm.s32 $0x108;
	_ =	swait.ge @!p0 [sflag:s8], $0x0  }
0x24: {  	s3 =	sadd.s32 $0x88, s3;
	s6 =	simm.s32 @!p1 $0x1082;
	[sflag:s4] =	ssyncset.s32 $0xFFFFF086  }
0x25: {  	[simem:s6], [sflag:s4] =	dma.local [hbm:s3], $0xF7A  }
0x26: {  	[smem:$0x3F8D] =	sst s1;
	(tag) =	ssettag s2;
	_ =	strace s9  }
0x27: {  	s1 =	sld [smem:$0x3F9D]  }
0x28: {  	s2 =	sld [smem:$0x3F9E]  }
0x29: {  	s4 =	sld [smem:$0x3FA0]  }
0x2a: {  	p0 =	seq.s32 s5, $0x0;
	s5 =	sld [smem:$0x3FA1]  }
0x2b: {  	s6 =	sld [smem:$0x3FA2]  }
0x2c: {  	s7 =	sld [smem:$0x3FA3]  }
0x2d: {  	s3 =	simm.s32 $0x108;
	s8 =	sld [smem:$0x3FA4]  }
0x2e: {  	s3 =	simm.s32 @!p0 $0x1082;
	s9 =	sld [smem:$0x3FA5]  }
0x2f: {  	lr =	sadd.s32 s0, s3;
	s0 =	sld [smem:$0x3F9C]  }
0x30: {  	s3 =	sld [smem:$0x3F9F]  }
0x31: {  	[smem:$0x3FA8] =	sst s10  }
0x32: {  	s10 =	sld [smem:$0x3FA6];
	_ =	sdelay $0x3  }
0x33: {  	p0 =	seq.s32 s10, $0x1;
	s10 =	sld [smem:$0x3FA8];
	_ =	sdelay $0x3  }
0x34: {  	[smem:$0x3FA8] =	sst s10  }
0x35: {  	s10 =	sld [smem:$0x3FA7];
	_ =	sdelay $0x3  }
0x36: {  	p1 =	seq.s32 s10, $0x1;
	s10 =	sld [smem:$0x3FA8];
	_ =	sdelay $0x3  }
0x37: {  	[smem:$0x3FA8] =	sst s10  }
0x38: {  	s10 =	sld [smem:$0x3FA9]  }
0x39: {  	_ = 	snop;
	(pc) =	sbr.ind lr, $3  }
0x3a: {  	_ = 	snop  }
0x3b: {  	_ = 	snop  }
0x3c: {  	p2 =	seq.s32 s10, $0x1;
	s10 =	sld [smem:$0x3FA8]  }
0x3d: {  	_ =	shalt  }
0x3e: {  	_ =	shalt  }
0x3f: {  	_ =	shalt  }
0x40: {  	_ =	shalt  }
0x41: {  	_ =	shalt  }
0x42: {  	_ =	shalt  }
0x43: {  	_ =	shalt  }
0x44: {  	_ =	shalt  }
0x45: {  	_ =	shalt  }
0x46: {  	_ =	shalt  }
0x47: {  	_ =	shalt  }
0x48: {  	_ =	shalt  }
0x49: {  	_ =	shalt  }
0x4a: {  	_ =	shalt  }
0x4b: {  	_ =	shalt  }
0x4c: {  	_ =	shalt  }
0x4d: {  	_ =	shalt  }
0x4e: {  	_ =	shalt  }
0x4f: {  	_ =	shalt  }
0x50: {  	_ =	shalt  }
0x51: {  	_ =	shalt  }
0x52: {  	_ =	shalt  }
0x53: {  	_ =	shalt  }
0x54: {  	_ =	shalt  }
0x55: {  	_ =	shalt  }
0x56: {  	_ =	shalt  }
0x57: {  	_ =	shalt  }
0x58: {  	_ =	shalt  }
0x59: {  	_ =	shalt  }
0x5a: {  	_ =	shalt  }
0x5b: {  	_ =	shalt  }
0x5c: {  	_ =	shalt  }
0x5d: {  	_ =	shalt  }
0x5e: {  	_ =	shalt  }
0x5f: {  	_ =	shalt  }
0x60: {  	_ =	shalt  }
0x61: {  	_ =	shalt  }
0x62: {  	_ =	shalt  }
0x63: {  	_ =	shalt  }
0x64: {  	_ =	shalt  }
0x65: {  	_ =	shalt  }
0x66: {  	_ =	shalt  }
0x67: {  	_ =	shalt  }
0x68: {  	_ =	shalt  }
0x69: {  	_ =	shalt  }
0x6a: {  	_ =	shalt  }
0x6b: {  	_ =	shalt  }
0x6c: {  	_ =	shalt  }
0x6d: {  	_ =	shalt  }
0x6e: {  	_ =	shalt  }
0x6f: {  	_ =	shalt  }
0x70: {  	_ =	shalt  }
0x71: {  	_ =	shalt  }
0x72: {  	_ =	shalt  }
0x73: {  	_ =	shalt  }
0x74: {  	_ =	shalt  }
0x75: {  	_ =	shalt  }
0x76: {  	_ =	shalt  }
0x77: {  	_ =	shalt  }
0x78: {  	_ =	shalt  }
0x79: {  	_ =	shalt  }
0x7a: {  	_ =	shalt  }
0x7b: {  	_ =	shalt  }
0x7c: {  	_ =	shalt  }
0x7d: {  	_ =	shalt  }
0x7e: {  	_ =	shalt  }
0x7f: {  	_ =	shalt  }
0x80: {  	_ =	shalt  }
0x81: {  	_ =	shalt  }
0x82: {  	_ =	shalt  }
0x83: {  	_ =	shalt  }
0x84: {  	_ =	shalt  }
0x85: {  	_ =	shalt  }
0x86: {  	_ =	shalt  }
0x87: {  	_ =	shalt  }
.Lfunc_end0:
.L_simem_size_0:
called_computation_lowered:
.L_overlay_start_0:
0x88: {  	s2 =	sld [smem:$0x3FD9]  }
0x89: {  	s3 =	sld [smem:$0x3FFE];
	_ =	sdelay $0x1  }
0x8a: {  	s1 =	srdreg.scid  }
0x8b: {  	s0 =	sand.u32 $0x1, s1  }
0x8c: {  	s16 =	sshll.u32 s0, $0xA;
	s2 =	sadd.s32 s3, s2  }
0x8d: {  	s2 =	sadd.s32 s2, s16  }
0x8e: {  	[smem:$0x3FB4] =	sst s2  }
0x8f: {  	_ = 	snop  }
0x90: {  	(tm) =	ssettm $0x1  }
0x91: {  	s17 =	sld [smem:$0x3FFB];
	_ =	sdelay $0x3  }
0x92: {  	_ =	strace s17  }
0x93: {  	s2 =	sld [smem:$0x3FFC];
	_ =	sdelay $0x3  }
0x94: {  	_ =	strace s2  }
0x95: {  	s2 =	sld [smem:$0x3FFD];
	_ =	sdelay $0x3  }
0x96: {  	_ =	strace s2  }
0x97: {  	_ =	strace $0x8FFFFFFF  }
0x98: {  	s18 =	sld [smem:$0x3FDB];
	_ =	sdelay $0x1  }
0x99: {  	s19 =	simm.s32 $_scs_section_size  }
0x9a: {  	s4 =	simm.s32 $_size__tile_overlayer_lowered;
	s5 =	simm.s32 $_tile_overlayer_lowered  }
0x9b: {  	s22 =	simm.s32 $0x1BFF;
	s21 =	sshll.u32 s5, $0x1;
	s2 =	sadd.s32 s19, s18  }
0x9c: {  	s6 =	simm.s32 $0x0;
	s20 =	sshll.u32 s4, $0x1;
	s4 =	sadd.s32 s21, s2  }
0x9d: {  	[timem:s6], [sflag:s22] =	dma.local [hbm:s4], s20  }
0x9e: {  	_ =	swait.ge [sflag:s22], s20  }
0x9f: {  	s3 =	ssub.s32 $0x0, s20;
	[sflag:s22] =	ssyncset.done $0x0  }
0xa0: {  	[sflag:s22] =	ssyncadd.s32 s3;
	_ =	sdelay $0x1  }
0xa1: {  	s23 =	simm.s32 $0x1B8B  }
0xa2: {  	_ =	swait.ge [sflag:s23], $0x1  }
0xa3: {  	[sflag:s23] =	ssyncset.done $0x0  }
0xa4: {  	s25 =	simm.s32 $0x1B8E;
	s24 =	sld [smem:$0x3FFE];
	[sflag:s23] =	ssyncadd.s32 $0xFFFFFFFF  }
0xa5: {  	s26 =	simm.s32 $execute0_lowered;
	[smem:$0x3FD2] =	sst s25  }
0xa6: {  	s4 =	sshll.u32 s26, $0x1;
	_ =	strace $0x80000046;
	[dreg:$0x1] =	wrdreg $0xFFFFFFFF  }
0xa7: {  	s28 =	simm.s32 $_size_execute0_lowered;
	s2 =	sadd.s32 s2, s4;
	[dreg:$0x0] =	wrdreg $0x0  }
0xa8: {  	s4 =	sshll.u32 s28, $0x1;
	[dreg:$0x2] =	wrdreg s2  }
0xa9: {  	[dreg:$0x3] =	wrdreg s4  }
0xaa: {  	[dreg:$0x4] =	wrdreg $0xC0  }
0xab: {  	_ =	task [dreg:s6], $0x5FFFF  }
0xac: {  	[dreg:$0x1] =	wrdreg $0xFFFFFFFF  }
0xad: {  	[dreg:$0x0] =	wrdreg $0x60  }
0xae: {  	[dreg:$0x2] =	wrdreg s24  }
0xaf: {  	[dreg:$0x3] =	wrdreg $0xF2800  }
0xb0: {  	[dreg:$0x4] =	wrdreg $0xF5000  }
0xb1: {  	[dreg:$0x5] =	wrdreg $0x9  }
0xb2: {  	_ =	task.clear_ibuf [dreg:s6], $0x6FFFF;
	_ =	strace $0x90000046  }
0xb3: {  	s29 =	simm.s32 $0x9;
	_ =	strace $0x80000048  }
0xb4: {  	_ =	swait.ge [sflag:s29], $0x1  }
0xb5: {  	[sflag:s29] =	ssyncadd.s32 $0xFFFFFFFF  }
0xb6: {  	_ =	strace $0x90000048  }
0xb7: {  	_ =	sfence  }
0xb8: {  	s30 =	sld [smem:$0x0];
	_ =	sdelay $0x2  }
0xb9: {  	s31 =	sshll.u32 s1, $0xD;
	s1 =	sshrl.u32 s1, $0x2  }
0xba: {  	s3 =	sand.u32 $0x4000, s31;
	s1 =	sadd.s32 s1, s30  }
0xbb: {  	s0 =	sor.u32 s3, s0;
	s1 =	sshll.u32 s1, $0x11  }
0xbc: {  	s0 =	sor.u32 s1, s0  }
0xbd: {  	s0 =	sadd.s32 $0x8F2B, s0  }
0xbe: {  	[sflag:s0] =	ssyncadd.remote.s32 $0x1  }
0xbf: {  	_ =	sfence.sel $0xFFFF  }
0xc0: {  	[dreg:$0x0] =	wrdreg $0xFFFFFFFF;
	(pc) =	sbr.abs _section_cstart, $3  }
0xc1: {  	[dreg:$0x1] =	wrdreg $0xFFFFFFFF  }
0xc2: {  	_ =	task.clear_ibuf [dreg:s6], $0x2FFFF;
	_ =	strace $0x9FFFFFFF  }
0xc3: {  	(tm) =	ssettm $0x7FFFFFFF  }
tec
execute0_lowered:
.L_overlay_start_1:
0x0: {  	(tag) =	ssettag $0x1  }
0x1: {  	s0 =	rddreg [dreg:$0x0]  }
0x2: {  	s1 =	rddreg [dreg:$0x1]  }
0x3: {  	s14 =	rddreg [dreg:$0x2];
	s4 =	simm.s32 $0x0;
	s3 =	srdreg.scid  }
0x4: {  	s2 =	stileid.u32;
	s17 =	simm.s32 $0xF000;
	s18 =	simm.s32 $0x5  }
0x5: {  	s19 =	simm.s32 $0x1;
	s21 =	simm.s32 $0x5000;
	s24 =	simm.s32 $0x6400  }
0x6: {  	s26 =	simm.s32 $0x1400;
	s30 =	simm.s32 $0x2;
	s20 =	simm.s32 $0x4  }
0x7: {  	s22 =	simm.s32 $0x20;
	s23 =	simm.s32 $0x10;
	s25 =	simm.s32 $0x0  }
0x8: {  	[smem:$0x7FF] =	sst s4;
	s3 =	sand.u32 $0x1, s3;
	s5 =	smul.u32 $0x500, s2  }
0x9: {  	s11 =	sadd.s32 $0xD000, s0;
	s12 =	sadd.s32 $0x17000, s0;
	s13 =	sadd.s32 $0x2A00, s0  }
0xa: {  	s7 =	smul.u32 $0x280, s2;
	s29 =	sadd.s32 $0xCA00, s0;
	_ =	strace $0x80000047  }
0xb: {  	s6 =	sshll.u32 s3, $0x7;
	s28 =	sshll.u32 s3, $0x4;
	s3 =	ssub.s32 $0x2, s3  }
0xc: {  	[dreg:$0x4] =	wrdreg s29;
	s5 =	sor.u32 s6, s5;
	s6 =	sor.u32 s2, s28  }
0xd: {  	s9 =	sshrl.u32 s3, $0x1;
	s2 =	smov.u32 s1;
	s8 =	sshrl.u32 s5, $0x3  }
0xe: {  	s10 =	smul.u32 $0x2800, s6;
	s3 =	ssub.s32 s3, s9;
	s6 =	sadd.s32 s7, s1  }
0xf: {  	s5 =	smov.u32 s14;
	s7 =	sadd.s32 s7, s14;
	s0 =	sadd.s32 s8, s0  }
0x10: {  	s16 =	smax.u32 s3, $0x1;
	s3 =	simm.s32 $0x3;
	s10 =	sshrl.u32 s10, $0x3  }
0x11: {  	s14 =	sadd.s32 $0x21000, s0;
	s15 =	sadd.s32 $0x21A00, s0;
	s8 =	sadd.s32 s11, s10  }
0x12: {  	s9 =	sadd.s32 s12, s10;
	s31 =	sadd.s32 $0x280, s10;
	s10 =	sadd.s32 s13, s10  }
0x13: {  	v0 =	vimm.f32 $0.0e+00;
	s11 =	sadd.s32 s11, s31;
	s12 =	sadd.s32 s12, s31;
	s13 =	sadd.s32 s13, s31  }
.LBB2_1:
0x14: {  	s0 =	rddreg [dreg:$0x4]  }
0x15: {  	[tilespmem:s4], [sflag:$0x1] =	stream.linear.gather [hbm4b:s0+s4], $0x2800, $0x38;
	[tilespmem:$0xF780] =	vst v63  }
0x16: {  	[tilespmem:$0xF000] =	vst v0  }
0x17: {  	[tilespmem:$0xF010] =	vst v0  }
0x18: {  	[tilespmem:$0xF020] =	vst v0  }
0x19: {  	[tilespmem:$0xF030] =	vst v0  }
0x1a: {  	[tilespmem:$0xF040] =	vst v0  }
0x1b: {  	[tilespmem:$0xF050] =	vst v0  }
0x1c: {  	[tilespmem:$0xF060] =	vst v0  }
0x1d: {  	[tilespmem:$0xF070] =	vst v0  }
0x1e: {  	[tilespmem:$0xF080] =	vst v0  }
0x1f: {  	[tilespmem:$0xF090] =	vst v0  }
0x20: {  	[tilespmem:$0xF0A0] =	vst v0  }
0x21: {  	[tilespmem:$0xF0B0] =	vst v0  }
0x22: {  	[tilespmem:$0xF0C0] =	vst v0  }
0x23: {  	[tilespmem:$0xF0D0] =	vst v0  }
0x24: {  	[tilespmem:$0xF0E0] =	vst v0  }
0x25: {  	[tilespmem:$0xF0F0] =	vst v0  }
0x26: {  	[tilespmem:$0xF100] =	vst v0  }
0x27: {  	[tilespmem:$0xF110] =	vst v0  }
0x28: {  	[tilespmem:$0xF120] =	vst v0  }
0x29: {  	[tilespmem:$0xF130] =	vst v0  }
0x2a: {  	[tilespmem:$0xF140] =	vst v0  }
0x2b: {  	[tilespmem:$0xF150] =	vst v0  }
0x2c: {  	[tilespmem:$0xF160] =	vst v0  }
0x2d: {  	[tilespmem:$0xF170] =	vst v0  }
0x2e: {  	[tilespmem:$0xF180] =	vst v0  }
0x2f: {  	[tilespmem:$0xF190] =	vst v0  }
0x30: {  	[tilespmem:$0xF1A0] =	vst v0  }
0x31: {  	[tilespmem:$0xF1B0] =	vst v0  }
0x32: {  	[tilespmem:$0xF1C0] =	vst v0  }
0x33: {  	[tilespmem:$0xF1D0] =	vst v0  }
0x34: {  	[tilespmem:$0xF1E0] =	vst v0  }
0x35: {  	[tilespmem:$0xF1F0] =	vst v0  }
0x36: {  	[tilespmem:$0xF200] =	vst v0  }
0x37: {  	[tilespmem:$0xF210] =	vst v0  }
0x38: {  	[tilespmem:$0xF220] =	vst v0  }
0x39: {  	[tilespmem:$0xF230] =	vst v0  }
0x3a: {  	[tilespmem:$0xF240] =	vst v0  }
0x3b: {  	[tilespmem:$0xF250] =	vst v0  }
0x3c: {  	[tilespmem:$0xF260] =	vst v0  }
0x3d: {  	[tilespmem:$0xF270] =	vst v0  }
0x3e: {  	[spmem:s6] =	stream.linear.scatter [tilespmem:s17], [sflag:$0x5], $0x280, $0x38;
	[tilespmem:$0xF780] =	vst v63  }
0x3f: {  	_ =	swait.ge [sflag:s18], $0x280  }
0x40: {  	[sflag:s18] =	ssyncset.done $0x0  }
0x41: {  	[sflag:s18] =	ssyncadd.s32 $0xFFFFFD80  }
0x42: {  	[spmem:s7] =	stream.linear.scatter [tilespmem:s17], [sflag:$0x5], $0x280, $0x38;
	[tilespmem:$0xF780] =	vst v63  }
0x43: {  	_ =	swait.ge [sflag:s18], $0x280  }
0x44: {  	[sflag:s18] =	ssyncset.done $0x0  }
0x45: {  	[sflag:s18] =	ssyncadd.s32 $0xFFFFFD80  }
0x46: {  	_ =	swait.ge [sflag:s19], $0x2800  }
0x47: {  	[sflag:s19] =	ssyncset.done $0x0  }
0x48: {  	[sflag:s19] =	ssyncadd.s32 $0xFFFFD800  }
0x49: {  	s1 =	simm.s32 $0x2800;
	[bflag:$0x0] =	sbarrier.arrive $0xFFFF  }
0x4a: {  	[tilespmem:s1], [sflag:$0x1] =	stream.linear.gather [hbm4b:s8+s4], $0x1400, $0x38;
	[tilespmem:$0xF780] =	vst v63  }
0x4b: {  	_ = 	snop  }
0x4c: {  	[tilespmem:s21], [sflag:$0x1] =	stream.linear.gather [hbm4b:s9+s4], $0x1400, $0x38;
	[tilespmem:$0xF780] =	vst v63  }
0x4d: {  	s1 =	simm.s32 $0x7800  }
0x4e: {  	[tilespmem:s1], [sflag:$0x1] =	stream.linear.gather [hbm4b:s10+s4], $0x1400, $0x38;
	[tilespmem:$0xF780] =	vst v63  }
0x4f: {  	_ =	swait.ge [sflag:s19], $0x1400  }
0x50: {  	[sflag:s19] =	ssyncset.done $0x0  }
0x51: {  	[sflag:s19] =	ssyncadd.s32 $0xFFFFEC00  }
0x52: {  	_ =	swait.ge [sflag:s19], $0x1400  }
0x53: {  	[sflag:s19] =	ssyncset.done $0x0  }
0x54: {  	[sflag:s19] =	ssyncadd.s32 $0xFFFFEC00  }
0x55: {  	_ =	swait.ge [sflag:s19], $0x1400  }
0x56: {  	[sflag:s19] =	ssyncset.done $0x0  }
0x57: {  	s1 =	simm.s32 $0x3C00;
	[sflag:s19] =	ssyncadd.s32 $0xFFFFEC00  }
0x58: {  	[tilespmem:s1], [sflag:$0x2] =	stream.linear.gather [hbm4b:s11+s4], $0x1400, $0x38;
	[tilespmem:$0xF780] =	vst v63  }
0x59: {  	_ = 	snop  }
0x5a: {  	[tilespmem:s24], [sflag:$0x2] =	stream.linear.gather [hbm4b:s12+s4], $0x1400, $0x38;
	[tilespmem:$0xF780] =	vst v63  }
0x5b: {  	s29 =	simm.s32 $0x0;
	s1 =	simm.s32 $0x8C00  }
0x5c: {  	[tilespmem:s1], [sflag:$0x2] =	stream.linear.gather [hbm4b:s13+s4], $0x1400, $0x38;
	[tilespmem:$0xF780] =	vst v63  }
0x5d: {  	v1 =	vld [tilespmem:s29+$0x7800];
	_ =	sdelay $0x4  }
0x5e: {  	v1 =	vmul.f32 $1.442695020e+00, v1;
	_ =	sdelay $0x1  }
0x5f: {  	(erf) = vpow2.f32 v1  }
0x60: {  	s28 =	simm.s32 $0x10  }
0x61: {  	v1 =	vld [tilespmem:s28+$0x7800];
	_ =	sdelay $0x1  }
0x62: {  	v2 =	vld [tilespmem:s29+$0x2800];
	_ =	sdelay $0x2  }
0x63: {  	v3 =	vmul.f32 $1.442695020e+00, v1;
	_ =	sdelay $0x1  }
0x64: {  	v1 =	vpop (erf);
	(erf) = vpow2.f32 v3  }
0x65: {  	s31 =	simm.s32 $0x20;
	[tilespmem:s29+$0xA000] =	vst v1  }
0x66: {  	s0 =	simm.s32 $0xC0;
	v3 =	vld [tilespmem:s31+$0x7800]  }
.LBB2_2:
0x67: {  	p0 =	sne.s32 s0, $0x4FC0;
	v4 =	vld.idx.msk [tilespmem:v2+s4+$0x0], $0xffff;
	s1 =	smov.u32 s31  }
0x68: {  	v2 =	vld [tilespmem:s28+$0x2800];
	_ =	sdelay $0x2  }
.Ltmp0:
0x69: {  	v3 =	vmul.f32 $1.442695020e+00, v3;
	(pc) =	sbr.rel @p0 .LBB2_2-.Ltmp0, $4  }
0x6a: {  	_ = 	snop  }
0x6b: {  	v4 =	vmul.f32 v4, v1;
	(erf) = vpow2.f32 v3;
	v1 =	vpop (erf)  }
0x6c: {  	s31 =	sshra.s32 s0, $0x2;
	[tilespmem:s28+$0xA000] =	vst v1  }
0x6d: {  	s0 =	sadd.s32 $0x40, s0;
	v3 =	vld [tilespmem:s31+$0x7800];
	[tilespmem:s29+$0xC800] =	vst v4;
	s29 =	smov.u32 s28;
	s28 =	smov.u32 s1  }
0x6e: {  	_ =	sdelay $0x3  }
0x6f: {  	v2 =	vld.idx.msk [tilespmem:v2+s4+$0x0], $0xffff  }
0x70: {  	v4 =	vld [tilespmem:s28+$0x2800]  }
0x71: {  	v3 =	vmul.f32 $1.442695020e+00, v3;
	_ =	sdelay $0x3  }
0x72: {  	v1 =	vmul.f32 v2, v1;
	(erf) = vpow2.f32 v3;
	v3 =	vpop (erf)  }
0x73: {  	[tilespmem:s28+$0xA000] =	vst v3  }
0x74: {  	[tilespmem:s29+$0xC800] =	vst v1  }
0x75: {  	v1 =	vld.idx.msk [tilespmem:v4+s4+$0x0], $0xffff  }
0x76: {  	v2 =	vld [tilespmem:s31+$0x2800];
	_ =	sdelay $0x4  }
0x77: {  	v4 =	vpop (erf);
	v1 =	vmul.f32 v1, v3  }
0x78: {  	[tilespmem:s31+$0xA000] =	vst v4  }
0x79: {  	[tilespmem:s28+$0xC800] =	vst v1  }
0x7a: {  	v1 =	vld.idx.msk [tilespmem:v2+s4+$0x0], $0xffff;
	_ =	sdelay $0x4  }
0x7b: {  	v1 =	vmul.f32 v1, v4;
	_ =	sdelay $0x1  }
0x7c: {  	s0 =	simm.s32 $0xA000;
	[tilespmem:s31+$0xC800] =	vst v1  }
0x7d: {  	[spmem:s2] =	stream.indirect.scatter.add.f32 [tilespmem:s0], [sflag:$0x3], $0x1, s21, s26, $0xb8;
	[tilespmem:$0xF780] =	vst v63  }
0x7e: {  	s1 =	simm.s32 $0xC800  }
0x7f: {  	[spmem:s5] =	stream.indirect.scatter.add.f32 [tilespmem:s1], [sflag:$0x3], $0x1, s21, s26, $0xb8;
	[tilespmem:$0xF780] =	vst v63  }
0x80: {  	_ =	swait.ge [sflag:s30], $0x1400  }
0x81: {  	[sflag:s30] =	ssyncset.done $0x0  }
0x82: {  	[sflag:s30] =	ssyncadd.s32 $0xFFFFEC00  }
0x83: {  	_ =	swait.ge [sflag:s30], $0x1400  }
0x84: {  	[sflag:s30] =	ssyncset.done $0x0  }
0x85: {  	[sflag:s30] =	ssyncadd.s32 $0xFFFFEC00  }
0x86: {  	_ =	swait.ge [sflag:s30], $0x1400  }
0x87: {  	[sflag:s30] =	ssyncset.done $0x0  }
0x88: {  	s29 =	simm.s32 $0x0;
	[sflag:s30] =	ssyncadd.s32 $0xFFFFEC00  }
0x89: {  	v1 =	vld [tilespmem:s29+$0x8C00];
	_ =	sdelay $0x4  }
0x8a: {  	v1 =	vmul.f32 $1.442695020e+00, v1;
	_ =	sdelay $0x1  }
0x8b: {  	(erf) = vpow2.f32 v1  }
0x8c: {  	s28 =	simm.s32 $0x10  }
0x8d: {  	v1 =	vld [tilespmem:s28+$0x8C00];
	_ =	sdelay $0x1  }
0x8e: {  	v2 =	vld [tilespmem:s29+$0x3C00];
	_ =	sdelay $0x2  }
0x8f: {  	v3 =	vmul.f32 $1.442695020e+00, v1;
	_ =	sdelay $0x1  }
0x90: {  	v1 =	vpop (erf);
	(erf) = vpow2.f32 v3  }
0x91: {  	s31 =	simm.s32 $0x20;
	[tilespmem:s29+$0xB400] =	vst v1  }
0x92: {  	s0 =	simm.s32 $0xC0;
	v3 =	vld [tilespmem:s31+$0x8C00]  }
.LBB2_4:
0x93: {  	p0 =	sne.s32 s0, $0x4FC0;
	v4 =	vld.idx.msk [tilespmem:v2+s4+$0x0], $0xffff;
	s1 =	smov.u32 s31  }
0x94: {  	v2 =	vld [tilespmem:s28+$0x3C00];
	_ =	sdelay $0x2  }
.Ltmp1:
0x95: {  	v3 =	vmul.f32 $1.442695020e+00, v3;
	(pc) =	sbr.rel @p0 .LBB2_4-.Ltmp1, $4  }
0x96: {  	_ = 	snop  }
0x97: {  	v4 =	vmul.f32 v4, v1;
	(erf) = vpow2.f32 v3;
	v1 =	vpop (erf)  }
0x98: {  	s31 =	sshra.s32 s0, $0x2;
	[tilespmem:s28+$0xB400] =	vst v1  }
0x99: {  	s0 =	sadd.s32 $0x40, s0;
	v3 =	vld [tilespmem:s31+$0x8C00];
	[tilespmem:s29+$0xDC00] =	vst v4;
	s29 =	smov.u32 s28;
	s28 =	smov.u32 s1  }
0x9a: {  	_ =	sdelay $0x3  }
0x9b: {  	v2 =	vld.idx.msk [tilespmem:v2+s4+$0x0], $0xffff  }
0x9c: {  	v4 =	vld [tilespmem:s28+$0x3C00]  }
0x9d: {  	v3 =	vmul.f32 $1.442695020e+00, v3;
	_ =	sdelay $0x3  }
0x9e: {  	v1 =	vmul.f32 v2, v1;
	(erf) = vpow2.f32 v3;
	v3 =	vpop (erf)  }
0x9f: {  	[tilespmem:s28+$0xB400] =	vst v3  }
0xa0: {  	[tilespmem:s29+$0xDC00] =	vst v1  }
0xa1: {  	v1 =	vld.idx.msk [tilespmem:v4+s4+$0x0], $0xffff  }
0xa2: {  	v2 =	vld [tilespmem:s31+$0x3C00];
	_ =	sdelay $0x4  }
0xa3: {  	v63 =	vpop (erf);
	v1 =	vmul.f32 v1, v3  }
0xa4: {  	[tilespmem:s31+$0xB400] =	vst v63  }
0xa5: {  	[tilespmem:s28+$0xDC00] =	vst v1  }
0xa6: {  	v1 =	vld.idx.msk [tilespmem:v2+s4+$0x0], $0xffff;
	_ =	sdelay $0x4  }
0xa7: {  	v1 =	vmul.f32 v1, v63;
	_ =	sdelay $0x1  }
0xa8: {  	s0 =	simm.s32 $0xB400;
	[tilespmem:s31+$0xDC00] =	vst v1  }
0xa9: {  	[spmem:s2] =	stream.indirect.scatter.add.f32 [tilespmem:s0], [sflag:$0x4], $0x1, s24, s26, $0xb8;
	[tilespmem:$0xF780] =	vst v63  }
0xaa: {  	s28 =	simm.s32 $0xDC00  }
0xab: {  	[spmem:s5] =	stream.indirect.scatter.add.f32 [tilespmem:s28], [sflag:$0x4], $0x1, s24, s26, $0xb8;
	[tilespmem:$0xF780] =	vst v63  }
0xac: {  	_ =	swait.ge [sflag:s3], $0x1400  }
0xad: {  	[sflag:s3] =	ssyncset.done $0x0  }
0xae: {  	[sflag:s3] =	ssyncadd.s32 $0xFFFFEC00  }
0xaf: {  	_ =	swait.ge [sflag:s3], $0x1400  }
0xb0: {  	[sflag:s3] =	ssyncset.done $0x0  }
0xb1: {  	[sflag:s3] =	ssyncadd.s32 $0xFFFFEC00  }
0xb2: {  	_ =	swait.ge [sflag:s20], $0x1400  }
0xb3: {  	[sflag:s20] =	ssyncset.done $0x0  }
0xb4: {  	[sflag:s20] =	ssyncadd.s32 $0xFFFFEC00  }
0xb5: {  	_ =	swait.ge [sflag:s20], $0x1400  }
0xb6: {  	s29 =	stileid.u32;
	[sflag:s20] =	ssyncset.done $0x0  }
0xb7: {  	s0 =	sshll.u32 s29, $0x6;
	[sflag:s20] =	ssyncadd.s32 $0xFFFFEC00  }
0xb8: {  	s1 =	sshrl.u32 s6, $0x3;
	s0 =	sor.u32 $0x1C05, s0;
	[bflag:$0x0] =	sbarrier.arrive $0xFFFF  }
0xb9: {  	[hbm:s14@s22], [sflag:s0] =	dma.strided [spmem:s1@s23], $0x50, s19, $0x10   }
0xba: {  	s25 =	sadd.s32 $0x1, s25;
	_ =	swait.ge [sflag:s18], $0x50  }
0xbb: {  	p0 =	sne.s32 s25, s16;
	[sflag:s18] =	ssyncset.done $0x0  }
.Ltmp2:
0xbc: {  	s31 =	sshrl.u32 s7, $0x3;
	[sflag:s18] =	ssyncadd.s32 $0xFFFFFFB0;
	(pc) =	sbr.rel @p0 .LBB2_1-.Ltmp2, $4  }
0xbd: {  	[hbm:s15@s22], [sflag:s0] =	dma.strided [spmem:s31@s23], $0x50, s19, $0x10   }
0xbe: {  	_ =	swait.ge [sflag:s18], $0x50  }
0xbf: {  	[sflag:s18] =	ssyncset.done $0x0  }
0xc0: {  	[sflag:s18] =	ssyncadd.s32 $0xFFFFFFB0  }
0xc1: {  	_ =	sfence.sel $0x180000  }
0xc2: {  	[bflag:$0x0] =	sbarrier.arrive $0xFFFF  }
0xc3: {  	_ =	strace $0x90000047  }
0xc4: {  	s0 =	stileid.u32;
	[bflag:$0x2] =	sbarrier.arrive $0xFFFF  }
0xc5: {  	p0 =	sne.s32 s0, $0x0;
	s0 =	rddreg [dreg:$0x3]  }
0xc6: {  	s0 =	sadd.s32 @!p0 $0x100000, s0  }
0xc7: {  	[sflag:s0] =	ssyncadd.tile.s32 @!p0 $0x1;
	_ =	shalt  }
.Lfunc_end2:
_tile_overlayer_lowered:
.L_overlay_start_2:
0xc8: {  	(tag) =	ssettag $0x2  }
0xc9: {  	s0 =	rddreg [dreg:$0x0];
	s2 =	stileid.u32  }
0xca: {  	s1 =	rddreg [dreg:$0x1];
	p0 =	sne.s32 s2, $0x0  }
0xcb: {  	s3 =	rddreg [dreg:$0x2];
	[bflag:$0x3] =	sbarrier.arrive $0xFFFF;
	s2 =	simm.s32 @!p0 $0x1C05  }
0xcc: {  	[timem:s3], [sflag:s2] =	dma.local @!p0 [hbm:s0], s1  }
0xcd: {  	s0 =	simm.s32 @!p0 $0x5  }
0xce: {  	_ =	swait.ge @!p0 [sflag:s0], s1  }
0xcf: {  	s1 =	ssub.s32 @!p0 $0x0, s1;
	[sflag:s0] =	ssyncset.done @!p0 $0x0  }
0xd0: {  	[sflag:s0] =	ssyncadd.s32 @!p0 s1  }
0xd1: {  	[bflag:$0x3] =	sbarrier.arrive $0xFFFF  }
0xd2: {  	_ =	shalt  }

</sc_bundles>
